<compile_context>
chip_gen: v7x
topology: tpu7x:2x2x1
jax: 0.10.2.dev20260603
libtpu: 0.0.44.dev20260713+nightly
codegen_flags: <defaults>
</compile_context>

<pallas_src>
import functools

import jax
import jax.numpy as jnp
from jax import lax
from jax.experimental import pallas as pl
from jax.experimental.pallas import tpu as pltpu
from jax.experimental.pallas import tpu_sc as plsc

_N = 10000
_E = 160000
_G = 8
_H = 512
_C = 128
_NCH = _H // _C
_NP = 10112
_RT = _NP // 16
_EB = 128
_TPB = 79
_EP = 16 * _TPB * _EB
_BM = 632

@functools.lru_cache(maxsize=None)
def _sc_mesh():
    return plsc.VectorSubcoreMesh(
        core_axis_name="c", subcore_axis_name="s",
        num_cores=2, num_subcores=16)


def _deg_body(dst_hbm, out_hbm, idx_v, ones_v, zb_v, db_v, accum):
    core = lax.axis_index("c")
    sub = lax.axis_index("s")

    def _fill(k, _):
        zb_v[pl.ds(k * 16, 16)] = jnp.zeros((16,), jnp.float32)
        return 0
    lax.fori_loop(0, 40, _fill, 0)
    for k in range(_EB // 16):
        ones_v[pl.ds(k * 16, 16)] = jnp.ones((16,), jnp.float32)

    pltpu.sync_copy(zb_v.at[pl.ds(0, _RT)], accum.at[pl.ds(sub * _RT, _RT)])
    plsc.subcore_barrier()

    tbase = sub * (_TPB * _EB)

    def _eb(b, _):
        off = tbase + b * _EB
        pltpu.sync_copy(dst_hbm.at[pl.ds(off, _EB)], idx_v)
        pltpu.sync_copy(ones_v, accum.at[idx_v], add=True)
        return 0
    lax.fori_loop(0, _TPB, _eb, 0)
    plsc.subcore_barrier()

    @pl.when(core == 0)
    def _():
        pltpu.sync_copy(accum.at[pl.ds(sub * _RT, _RT)], db_v.at[pl.ds(0, _RT)])

        def _rec(k, _):
            v = db_v[pl.ds(k * 16, 16)]
            db_v[pl.ds(k * 16, 16)] = 1.0 / jnp.maximum(v, 1.0)
            return 0
        lax.fori_loop(0, 40, _rec, 0)
        pltpu.sync_copy(db_v.at[pl.ds(0, _RT)], out_hbm.at[pl.ds(sub * _RT, _RT)])


def _deg_call(dstp):
    return pl.kernel(
        _deg_body,
        out_type=jax.ShapeDtypeStruct((_NP,), jnp.float32),
        mesh=_sc_mesh(),
        scratch_types=[
            pltpu.VMEM((_EB,), jnp.int32),
            pltpu.VMEM((_EB,), jnp.float32),
            pltpu.VMEM((640,), jnp.float32),
            pltpu.VMEM((640,), jnp.float32),
            pltpu.VMEM_SHARED((_NP,), jnp.float32),
        ],
    )(dstp)


def _agg_body(h_hbm, src_hbm, dst_hbm, zero_hbm, out_hbm,
              sidx, gidx, didx, rows, accum, sem):
    core = lax.axis_index("c")
    sub = lax.axis_index("s")
    tbase = sub * (_TPB * _EB)

    for j in range(_NCH // 2):
        rowbase = (core * (_NCH // 2) + j) * _NP
        pltpu.sync_copy(zero_hbm, accum.at[pl.ds(sub * _RT, _RT)])
        plsc.subcore_barrier()

        def _eb(b, _):
            off = tbase + b * _EB
            pltpu.sync_copy(src_hbm.at[pl.ds(off, _EB)], sidx)
            for k in range(_EB // 16):
                gidx[pl.ds(k * 16, 16)] = sidx[pl.ds(k * 16, 16)] + rowbase
            pltpu.async_copy(h_hbm.at[gidx], rows, sem).wait()
            pltpu.sync_copy(dst_hbm.at[pl.ds(off, _EB)], didx)
            pltpu.sync_copy(rows, accum.at[didx], add=True)
            return 0
        lax.fori_loop(0, _TPB, _eb, 0)
        plsc.subcore_barrier()

        pltpu.sync_copy(accum.at[pl.ds(sub * _RT, _RT)],
                        out_hbm.at[pl.ds(rowbase + sub * _RT, _RT)])
        plsc.subcore_barrier()


def _agg_call(hflat, srcp, dstp, zero_blk):
    return pl.kernel(
        _agg_body,
        out_type=jax.ShapeDtypeStruct((_NCH * _NP, _C), jnp.float32),
        mesh=_sc_mesh(),
        scratch_types=[
            pltpu.VMEM((_EB,), jnp.int32),
            pltpu.VMEM((_EB,), jnp.int32),
            pltpu.VMEM((_EB,), jnp.int32),
            pltpu.VMEM((_EB, _C), jnp.float32),
            pltpu.VMEM_SHARED((_NP, _C), jnp.float32),
            pltpu.SemaphoreType.DMA,
        ],
    )(hflat, srcp, dstp, zero_blk)


def _fc_body(x_ref, w_ref, b_ref, o_ref):
    y = jnp.dot(x_ref[...], w_ref[...], preferred_element_type=jnp.float32)
    y = jnp.maximum(y + b_ref[...], 0.0)
    for c in range(_NCH):
        o_ref[c] = y[:, c * _C:(c + 1) * _C]


def _fc(x, w, b):
    k = x.shape[1]
    return pl.pallas_call(
        _fc_body,
        grid=(_NP // _BM,),
        in_specs=[
            pl.BlockSpec((_BM, k), lambda i: (i, 0)),
            pl.BlockSpec((k, _H), lambda i: (0, 0)),
            pl.BlockSpec((1, _H), lambda i: (0, 0)),
        ],
        out_specs=pl.BlockSpec((_NCH, _BM, _C), lambda i: (0, i, 0)),
        out_shape=jax.ShapeDtypeStruct((_NCH, _NP, _C), jnp.float32),
    )(x, w, b)


def _gin_body(s_ref, h_ref, a_ref, d_ref, w_ref, b_ref, o_ref):
    s = s_ref[0, 0]
    d = d_ref[...]
    w = w_ref[...]
    acc = jnp.zeros((_BM, _H), jnp.float32)
    for c in range(_NCH):
        rst = s * h_ref[c] + d * a_ref[c]
        acc = acc + jnp.dot(rst, w[c * _C:(c + 1) * _C, :],
                            preferred_element_type=jnp.float32)
    y = jnp.maximum(acc + b_ref[...], 0.0)
    for c in range(_NCH):
        o_ref[c] = y[:, c * _C:(c + 1) * _C]


def _gin(scale, h, agg, dinv, w, b):
    return pl.pallas_call(
        _gin_body,
        grid=(_NP // _BM,),
        in_specs=[
            pl.BlockSpec(memory_space=pltpu.SMEM),
            pl.BlockSpec((_NCH, _BM, _C), lambda i: (0, i, 0)),
            pl.BlockSpec((_NCH, _BM, _C), lambda i: (0, i, 0)),
            pl.BlockSpec((_BM, 1), lambda i: (i, 0)),
            pl.BlockSpec((_H, _H), lambda i: (0, 0)),
            pl.BlockSpec((1, _H), lambda i: (0, 0)),
        ],
        out_specs=pl.BlockSpec((_NCH, _BM, _C), lambda i: (0, i, 0)),
        out_shape=jax.ShapeDtypeStruct((_NCH, _NP, _C), jnp.float32),
    )(scale, h, agg, dinv, w, b)


def _final_body(h0, h1, h2, h3, g_ref, w_ref, b_ref, o_ref, acc_ref):
    i = pl.program_id(0)

    @pl.when(i == 0)
    def _():
        acc_ref[...] = jnp.zeros_like(acc_ref)

    hs = jnp.concatenate(
        [h0[c] + h1[c] + h2[c] + h3[c] for c in range(_NCH)], axis=1)
    oh = (g_ref[...] == lax.broadcasted_iota(jnp.int32, (_BM, _G), 1)
          ).astype(jnp.float32)
    acc_ref[...] += lax.dot_general(
        oh, hs, (((0,), (0,)), ((), ())), preferred_element_type=jnp.float32)

    @pl.when(i == pl.num_programs(0) - 1)
    def _():
        o_ref[...] = jnp.dot(acc_ref[...], w_ref[...],
                             preferred_element_type=jnp.float32) + 4.0 * b_ref[...]


def _final(h0, h1, h2, h3, gid, w, b):
    hspec = pl.BlockSpec((_NCH, _BM, _C), lambda i: (0, i, 0))
    return pl.pallas_call(
        _final_body,
        grid=(_NP // _BM,),
        in_specs=[
            hspec, hspec, hspec, hspec,
            pl.BlockSpec((_BM, 1), lambda i: (i, 0)),
            pl.BlockSpec((_H, 128), lambda i: (0, 0)),
            pl.BlockSpec((1, 128), lambda i: (0, 0)),
        ],
        out_specs=pl.BlockSpec((_G, 128), lambda i: (0, 0)),
        out_shape=jax.ShapeDtypeStruct((_G, 128), jnp.float32),
        scratch_shapes=[pltpu.VMEM((_G, _H), jnp.float32)],
    )(h0, h1, h2, h3, gid, w, b)


def kernel(x, edge_index, graph_ids, fc_W, fc_b, W0, b0, W1, b1, W2, b2,
           eps0, eps1, eps2, last_W, last_b):
    src = edge_index[0]
    dst = edge_index[1]
    srcp = jnp.concatenate([src, jnp.zeros((_EP - _E,), jnp.int32)])
    dstp = jnp.concatenate([dst, jnp.full((_EP - _E,), _N, jnp.int32)])
    xp = jnp.pad(x, ((0, _NP - _N), (0, 0)))
    gidp = jnp.pad(graph_ids, (0, _NP - _N),
                   constant_values=_G).reshape(_NP, 1)
    zero_blk = jnp.zeros((_RT, _C), jnp.float32)

    dinv = _deg_call(dstp).reshape(_NP, 1)
    h = _fc(xp, fc_W, fc_b.reshape(1, _H))

    hs = [h]
    for w, b, eps in ((W0, b0, eps0), (W1, b1, eps1), (W2, b2, eps2)):
        agg = _agg_call(h.reshape(_NCH * _NP, _C), srcp, dstp, zero_blk)
        h = _gin((1.0 + eps).reshape(1, 1), h, agg.reshape(_NCH, _NP, _C),
                 dinv, w, b.reshape(1, _H))
        hs.append(h)

    return _final(hs[0], hs[1], hs[2], hs[3], gidp, last_W,
                  last_b.reshape(1, 128))

# --- scband reference (transcript-rebuilt; emitter-appended) ---
"""Pipeline reference for scband-slp-gin-4graph-52871047413800 (READ-ONLY COPY).

The authoritative reference and input builder live on the scoring server;
editing this copy changes nothing except your own understanding.
"""

import jax, jax.numpy as jnp
import numpy as np

N = 10000
E = 160000
IN_FEATS = 256
H_FEATS = 512
OUT_FEATS = 128
G = 8


def setup_inputs(seed: int = 0) -> dict:
    key = jax.random.key(seed)
    ks = jax.random.split(key, 16)
    x = jax.random.normal(ks[0], (N, IN_FEATS), dtype=jnp.float32)
    edge_index = jax.random.randint(ks[1], (2, E), 0, N, dtype=jnp.int32)
    graph_ids = jnp.sort(jax.random.randint(ks[2], (N,), 0, G, dtype=jnp.int32))
    s_in = 1.0 / np.sqrt(IN_FEATS)
    s_h = 1.0 / np.sqrt(H_FEATS)
    fc_W = jax.random.uniform(ks[3], (IN_FEATS, H_FEATS), jnp.float32, -s_in, s_in)
    fc_b = jnp.zeros((H_FEATS,), jnp.float32)
    W0 = jax.random.uniform(ks[4], (H_FEATS, H_FEATS), jnp.float32, -s_h, s_h)
    b0 = jnp.zeros((H_FEATS,), jnp.float32)
    W1 = jax.random.uniform(ks[5], (H_FEATS, H_FEATS), jnp.float32, -s_h, s_h)
    b1 = jnp.zeros((H_FEATS,), jnp.float32)
    W2 = jax.random.uniform(ks[6], (H_FEATS, H_FEATS), jnp.float32, -s_h, s_h)
    b2 = jnp.zeros((H_FEATS,), jnp.float32)
    eps0 = jnp.zeros((), jnp.float32)
    eps1 = jnp.zeros((), jnp.float32)
    eps2 = jnp.zeros((), jnp.float32)
    last_W = jax.random.uniform(ks[7], (H_FEATS, OUT_FEATS), jnp.float32, -s_h, s_h)
    last_b = jnp.zeros((OUT_FEATS,), jnp.float32)
    return {"x": x, "edge_index": edge_index, "graph_ids": graph_ids,
            "fc_W": fc_W, "fc_b": fc_b, "W0": W0, "b0": b0, "W1": W1, "b1": b1,
            "W2": W2, "b2": b2, "eps0": eps0, "eps1": eps1, "eps2": eps2,
            "last_W": last_W, "last_b": last_b}


def reference(x, edge_index, graph_ids, fc_W, fc_b, W0, b0, W1, b1, W2, b2,
              eps0, eps1, eps2, last_W, last_b):
    src = edge_index[0]
    dst = edge_index[1]
    # in-degree for 'mean' aggregator (DGL GINConv aggregator_type='mean')
    deg = jax.ops.segment_sum(jnp.ones((E,), jnp.float32), dst, num_segments=N)
    deg = jnp.maximum(deg, 1.0)[:, None]
    # h = relu(fc(inputs)); dropout is identity in eval mode
    h = jax.nn.relu(x @ fc_W + fc_b)
    hidden_rep = [h]
    for W, b, eps in ((W0, b0, eps0), (W1, b1, eps1), (W2, b2, eps2)):
        agg = jax.ops.segment_sum(h[src], dst, num_segments=N) / deg
        rst = (1.0 + eps) * h + agg
        h = jax.nn.relu(rst @ W + b)
        hidden_rep.append(h)
    score_over_layer = jnp.zeros((G, OUT_FEATS), jnp.float32)
    for hh in hidden_rep:
        pooled = jax.ops.segment_sum(hh, graph_ids, num_segments=G)
        score_over_layer = score_over_layer + (pooled @ last_W + last_b)
    return score_over_layer

if __name__ == "__main__":
    import jax
    _d = setup_inputs()
    print(jax.jit(kernel)(*tuple(_d.values())))

</pallas_src>

<mosaic_0001>
#map = affine_map<(d0, d1) -> (0)>
module attributes {stable_mosaic.version = 14 : i64} {
  func.func @_deg_body(%arg0: i32, %arg1: i32, %arg2: memref<161792xi32, #tpu.memory_space<hbm>>, %arg3: memref<10112xf32, #tpu.memory_space<hbm>>, %arg4: memref<128xi32, #tpu.memory_space<vmem>>, %arg5: memref<128xf32, #tpu.memory_space<vmem>>, %arg6: memref<640xf32, #tpu.memory_space<vmem>>, %arg7: memref<640xf32, #tpu.memory_space<vmem>>, %arg8: memref<10112xf32, #tpu.memory_space<vmem_shared>>) attributes {dimension_semantics = [#tpu.dimension_semantics<core_parallel>, #tpu.dimension_semantics<subcore_parallel>], iteration_bounds = array<i64: 2, 16>, scalar_prefetch = 0 : i64, scratch_operands = 5 : i64, tpu.core_type = #tpu.core_type<sc_vector_subcore>, window_params = [{transform_indices = #map}, {transform_indices = #map}]} {
    %scan3A = arith.constant 0 : i32
    %scan3A_0 = arith.constant 0 : i32
    %scan3A_1 = arith.constant 40 : i32
    %scan3A_2 = arith.addi %scan3A_0, %scan3A_1 : i32
    %scan3A_3 = arith.constant 1 : i32
    %scan3A_4 = scf.for %scan3A_65 = %scan3A_0 to %scan3A_2 step %scan3A_3 iter_args(%scan3A_66 = %scan3A) -> (i32)  : i32 {
      %broadcast_in_dim3A_67 = arith.constant 0.000000e+00 : f32
      %broadcast_in_dim3A_68 = vector.broadcast %broadcast_in_dim3A_67 : f32 to vector<16xf32>
      %mul3A_69 = arith.constant 16 : i32
      %mul3A_70 = arith.muli %scan3A_65, %mul3A_69 : i32
      %swap3A_71 = arith.index_cast %mul3A_70 : i32 to index
      %swap3A_72 = tpu.vector_load %arg6[%swap3A_71] {strides = array<i32>} : memref<640xf32, #tpu.memory_space<vmem>>, vector<16xf32>,
      %swap3A_73 = vector.shape_cast %swap3A_72 : vector<16xf32> to vector<16xf32>
      %swap3A_74 = vector.shape_cast %broadcast_in_dim3A_68 : vector<16xf32> to vector<16xf32>
      tpu.vector_store %arg6[%swap3A_71], %swap3A_74 {strides = array<i32>} : memref<640xf32, #tpu.memory_space<vmem>>, vector<16xf32>,
      %scan3A_75 = arith.constant 0 : i32
      scf.yield %scan3A_75 : i32
    }
    %scan3A_5 = arith.constant 40 : i32
    %broadcast_in_dim3A = arith.constant 1.000000e+00 : f32
    %broadcast_in_dim3A_6 = vector.broadcast %broadcast_in_dim3A : f32 to vector<16xf32>
    %swap3A = arith.constant 0 : index
    %swap3A_7 = tpu.vector_load %arg5[%swap3A] {strides = array<i32>} : memref<128xf32, #tpu.memory_space<vmem>>, vector<16xf32>,
    %swap3A_8 = vector.shape_cast %swap3A_7 : vector<16xf32> to vector<16xf32>
    %swap3A_9 = vector.shape_cast %broadcast_in_dim3A_6 : vector<16xf32> to vector<16xf32>
    tpu.vector_store %arg5[%swap3A], %swap3A_9 {strides = array<i32>} : memref<128xf32, #tpu.memory_space<vmem>>, vector<16xf32>,
    %broadcast_in_dim3A_10 = arith.constant 1.000000e+00 : f32
    %broadcast_in_dim3A_11 = vector.broadcast %broadcast_in_dim3A_10 : f32 to vector<16xf32>
    %swap3A_12 = arith.constant 16 : index
    %swap3A_13 = tpu.vector_load %arg5[%swap3A_12] {strides = array<i32>} : memref<128xf32, #tpu.memory_space<vmem>>, vector<16xf32>,
    %swap3A_14 = vector.shape_cast %swap3A_13 : vector<16xf32> to vector<16xf32>
    %swap3A_15 = vector.shape_cast %broadcast_in_dim3A_11 : vector<16xf32> to vector<16xf32>
    tpu.vector_store %arg5[%swap3A_12], %swap3A_15 {strides = array<i32>} : memref<128xf32, #tpu.memory_space<vmem>>, vector<16xf32>,
    %broadcast_in_dim3A_16 = arith.constant 1.000000e+00 : f32
    %broadcast_in_dim3A_17 = vector.broadcast %broadcast_in_dim3A_16 : f32 to vector<16xf32>
    %swap3A_18 = arith.constant 32 : index
    %swap3A_19 = tpu.vector_load %arg5[%swap3A_18] {strides = array<i32>} : memref<128xf32, #tpu.memory_space<vmem>>, vector<16xf32>,
    %swap3A_20 = vector.shape_cast %swap3A_19 : vector<16xf32> to vector<16xf32>
    %swap3A_21 = vector.shape_cast %broadcast_in_dim3A_17 : vector<16xf32> to vector<16xf32>
    tpu.vector_store %arg5[%swap3A_18], %swap3A_21 {strides = array<i32>} : memref<128xf32, #tpu.memory_space<vmem>>, vector<16xf32>,
    %broadcast_in_dim3A_22 = arith.constant 1.000000e+00 : f32
    %broadcast_in_dim3A_23 = vector.broadcast %broadcast_in_dim3A_22 : f32 to vector<16xf32>
    %swap3A_24 = arith.constant 48 : index
    %swap3A_25 = tpu.vector_load %arg5[%swap3A_24] {strides = array<i32>} : memref<128xf32, #tpu.memory_space<vmem>>, vector<16xf32>,
    %swap3A_26 = vector.shape_cast %swap3A_25 : vector<16xf32> to vector<16xf32>
    %swap3A_27 = vector.shape_cast %broadcast_in_dim3A_23 : vector<16xf32> to vector<16xf32>
    tpu.vector_store %arg5[%swap3A_24], %swap3A_27 {strides = array<i32>} : memref<128xf32, #tpu.memory_space<vmem>>, vector<16xf32>,
    %broadcast_in_dim3A_28 = arith.constant 1.000000e+00 : f32
    %broadcast_in_dim3A_29 = vector.broadcast %broadcast_in_dim3A_28 : f32 to vector<16xf32>
    %swap3A_30 = arith.constant 64 : index
    %swap3A_31 = tpu.vector_load %arg5[%swap3A_30] {strides = array<i32>} : memref<128xf32, #tpu.memory_space<vmem>>, vector<16xf32>,
    %swap3A_32 = vector.shape_cast %swap3A_31 : vector<16xf32> to vector<16xf32>
    %swap3A_33 = vector.shape_cast %broadcast_in_dim3A_29 : vector<16xf32> to vector<16xf32>
    tpu.vector_store %arg5[%swap3A_30], %swap3A_33 {strides = array<i32>} : memref<128xf32, #tpu.memory_space<vmem>>, vector<16xf32>,
    %broadcast_in_dim3A_34 = arith.constant 1.000000e+00 : f32
    %broadcast_in_dim3A_35 = vector.broadcast %broadcast_in_dim3A_34 : f32 to vector<16xf32>
    %swap3A_36 = arith.constant 80 : index
    %swap3A_37 = tpu.vector_load %arg5[%swap3A_36] {strides = array<i32>} : memref<128xf32, #tpu.memory_space<vmem>>, vector<16xf32>,
    %swap3A_38 = vector.shape_cast %swap3A_37 : vector<16xf32> to vector<16xf32>
    %swap3A_39 = vector.shape_cast %broadcast_in_dim3A_35 : vector<16xf32> to vector<16xf32>
    tpu.vector_store %arg5[%swap3A_36], %swap3A_39 {strides = array<i32>} : memref<128xf32, #tpu.memory_space<vmem>>, vector<16xf32>,
    %broadcast_in_dim3A_40 = arith.constant 1.000000e+00 : f32
    %broadcast_in_dim3A_41 = vector.broadcast %broadcast_in_dim3A_40 : f32 to vector<16xf32>
    %swap3A_42 = arith.constant 96 : index
    %swap3A_43 = tpu.vector_load %arg5[%swap3A_42] {strides = array<i32>} : memref<128xf32, #tpu.memory_space<vmem>>, vector<16xf32>,
    %swap3A_44 = vector.shape_cast %swap3A_43 : vector<16xf32> to vector<16xf32>
    %swap3A_45 = vector.shape_cast %broadcast_in_dim3A_41 : vector<16xf32> to vector<16xf32>
    tpu.vector_store %arg5[%swap3A_42], %swap3A_45 {strides = array<i32>} : memref<128xf32, #tpu.memory_space<vmem>>, vector<16xf32>,
    %broadcast_in_dim3A_46 = arith.constant 1.000000e+00 : f32
    %broadcast_in_dim3A_47 = vector.broadcast %broadcast_in_dim3A_46 : f32 to vector<16xf32>
    %swap3A_48 = arith.constant 112 : index
    %swap3A_49 = tpu.vector_load %arg5[%swap3A_48] {strides = array<i32>} : memref<128xf32, #tpu.memory_space<vmem>>, vector<16xf32>,
    %swap3A_50 = vector.shape_cast %swap3A_49 : vector<16xf32> to vector<16xf32>
    %swap3A_51 = vector.shape_cast %broadcast_in_dim3A_47 : vector<16xf32> to vector<16xf32>
    tpu.vector_store %arg5[%swap3A_48], %swap3A_51 {strides = array<i32>} : memref<128xf32, #tpu.memory_space<vmem>>, vector<16xf32>,
    %mul3A = arith.constant 632 : i32
    %mul3A_52 = arith.muli %arg1, %mul3A : i32
    "tpu.region"() ({
      %run_scoped3A = tpu.sem_alloc : memref<!tpu.dma_semaphore, #tpu.memory_space<semaphore_mem>>
      %dma_start3A = arith.constant 0 : i32
      %dma_start3A_65 = tpu.memref_slice %arg6[%dma_start3A] : memref<640xf32, #tpu.memory_space<vmem>> -> memref<632xf32, #tpu.memory_space<vmem>>
      %dma_start3A_66 = tpu.memref_slice %arg8[%mul3A_52] : memref<10112xf32, #tpu.memory_space<vmem_shared>> -> memref<632xf32, #tpu.memory_space<vmem_shared>>
      %dma_start3A_67 = tpu.memref_slice %arg8[%mul3A_52] : memref<10112xf32, #tpu.memory_space<vmem_shared>> -> memref<632xf32, #tpu.memory_space<vmem_shared>>
      %dma_start3A_68 = arith.constant 0 : i32
      %dma_start3A_69 = tpu.memref_slice %arg6[%dma_start3A_68] : memref<640xf32, #tpu.memory_space<vmem>> -> memref<632xf32, #tpu.memory_space<vmem>>
      tpu.enqueue_dma source(%dma_start3A_69 : memref<632xf32, #tpu.memory_space<vmem>>) target(%dma_start3A_67 : memref<632xf32, #tpu.memory_space<vmem_shared>>) target_semaphore(%run_scoped3A : memref<!tpu.dma_semaphore, #tpu.memory_space<semaphore_mem>>)
      %dma_wait3A = arith.constant 0 : i32
      %dma_wait3A_70 = tpu.memref_slice %arg6[%dma_wait3A] : memref<640xf32, #tpu.memory_space<vmem>> -> memref<632xf32, #tpu.memory_space<vmem>>
      %dma_wait3A_71 = tpu.memref_slice %arg8[%mul3A_52] : memref<10112xf32, #tpu.memory_space<vmem_shared>> -> memref<632xf32, #tpu.memory_space<vmem_shared>>
      %dma_wait3A_72 = tpu.memref_slice %arg8[%mul3A_52] : memref<10112xf32, #tpu.memory_space<vmem_shared>> -> memref<632xf32, #tpu.memory_space<vmem_shared>>
      %dma_wait3A_73 = arith.constant 0 : i32
      %dma_wait3A_74 = tpu.memref_slice %arg6[%dma_wait3A_73] : memref<640xf32, #tpu.memory_space<vmem>> -> memref<632xf32, #tpu.memory_space<vmem>>
      tpu.wait_dma2 semaphore(%run_scoped3A : memref<!tpu.dma_semaphore, #tpu.memory_space<semaphore_mem>>) src(%dma_wait3A_74 : memref<632xf32, #tpu.memory_space<vmem>>) dst(%dma_wait3A_72 : memref<632xf32, #tpu.memory_space<vmem_shared>>)
      tpu.yield
    }) : () -> ()
    %barrier3A = arith.constant 0 : index
    tpu.barrier barrier_id(%barrier3A)
    %mul3A_53 = arith.constant 10112 : i32
    %mul3A_54 = arith.muli %arg1, %mul3A_53 : i32
    %scan3A_55 = arith.constant 0 : i32
    %scan3A_56 = arith.constant 0 : i32
    %scan3A_57 = arith.constant 79 : i32
    %scan3A_58 = arith.addi %scan3A_56, %scan3A_57 : i32
    %scan3A_59 = arith.constant 1 : i32
    %scan3A_60 = scf.for %scan3A_65 = %scan3A_56 to %scan3A_58 step %scan3A_59 iter_args(%scan3A_66 = %scan3A_55) -> (i32)  : i32 {
      %mul3A_67 = arith.constant 128 : i32
      %mul3A_68 = arith.muli %scan3A_65, %mul3A_67 : i32
      %add3A = arith.addi %mul3A_54, %mul3A_68 : i32
      "tpu.region"() ({
        %run_scoped3A = tpu.sem_alloc : memref<!tpu.dma_semaphore, #tpu.memory_space<semaphore_mem>>
        %dma_start3A = tpu.memref_slice %arg2[%add3A] : memref<161792xi32, #tpu.memory_space<hbm>> -> memref<128xi32, #tpu.memory_space<hbm>>
        %dma_start3A_70 = tpu.memref_slice %arg2[%add3A] : memref<161792xi32, #tpu.memory_space<hbm>> -> memref<128xi32, #tpu.memory_space<hbm>>
        tpu.enqueue_dma source(%dma_start3A_70 : memref<128xi32, #tpu.memory_space<hbm>>) target(%arg4 : memref<128xi32, #tpu.memory_space<vmem>>) target_semaphore(%run_scoped3A : memref<!tpu.dma_semaphore, #tpu.memory_space<semaphore_mem>>)
        %dma_wait3A = tpu.memref_slice %arg2[%add3A] : memref<161792xi32, #tpu.memory_space<hbm>> -> memref<128xi32, #tpu.memory_space<hbm>>
        %dma_wait3A_71 = tpu.memref_slice %arg2[%add3A] : memref<161792xi32, #tpu.memory_space<hbm>> -> memref<128xi32, #tpu.memory_space<hbm>>
        tpu.wait_dma2 semaphore(%run_scoped3A : memref<!tpu.dma_semaphore, #tpu.memory_space<semaphore_mem>>) src(%dma_wait3A_71 : memref<128xi32, #tpu.memory_space<hbm>>) dst(%arg4 : memref<128xi32, #tpu.memory_space<vmem>>)
        tpu.yield
      }) : () -> ()
      "tpu.region"() ({
        %run_scoped3A = tpu.sem_alloc : memref<!tpu.dma_semaphore, #tpu.memory_space<semaphore_mem>>
        %dma_start3A = arith.constant 0 : i32
        %dma_start3A_70 = tpu.memref_slice %arg8[%dma_start3A] : memref<10112xf32, #tpu.memory_space<vmem_shared>> -> memref<10112xf32, #tpu.memory_space<vmem_shared>>
        tpu.enqueue_indirect_dma source(%arg5 : memref<128xf32, #tpu.memory_space<vmem>>) target(%dma_start3A_70 : memref<10112xf32, #tpu.memory_space<vmem_shared>>) offsets(%arg4 : memref<128xi32, #tpu.memory_space<vmem>>) semaphore(%run_scoped3A : memref<!tpu.dma_semaphore, #tpu.memory_space<semaphore_mem>>) {add = true}
        %dma_wait3A = arith.constant 0 : i32
        %dma_wait3A_71 = tpu.memref_slice %arg8[%dma_wait3A] : memref<10112xf32, #tpu.memory_space<vmem_shared>> -> memref<10112xf32, #tpu.memory_space<vmem_shared>>
        tpu.wait_indirect_dma semaphore(%run_scoped3A : memref<!tpu.dma_semaphore, #tpu.memory_space<semaphore_mem>>) src(%arg5 : memref<128xf32, #tpu.memory_space<vmem>>) dst(%dma_wait3A_71 : memref<10112xf32, #tpu.memory_space<vmem_shared>>)
        tpu.yield
      }) : () -> ()
      %scan3A_69 = arith.constant 0 : i32
      scf.yield %scan3A_69 : i32
    }
    %scan3A_61 = arith.constant 79 : i32
    %barrier3A_62 = arith.constant 0 : index
    tpu.barrier barrier_id(%barrier3A_62)
    %eq3A = arith.constant 0 : i32
    %eq3A_63 = arith.cmpi eq, %arg0, %eq3A : i32
    %convert_element_type3A = arith.extui %eq3A_63 : i1 to i32
    %cond3A = arith.constant 0 : i32
    %cond3A_64 = arith.cmpi ne, %convert_element_type3A, %cond3A : i32
    scf.if %cond3A_64 {
      %mul3A_65 = arith.constant 632 : i32
      %mul3A_66 = arith.muli %arg1, %mul3A_65 : i32
      "tpu.region"() ({
        %run_scoped3A = tpu.sem_alloc : memref<!tpu.dma_semaphore, #tpu.memory_space<semaphore_mem>>
        %dma_start3A = arith.constant 0 : i32
        %dma_start3A_76 = tpu.memref_slice %arg7[%dma_start3A] : memref<640xf32, #tpu.memory_space<vmem>> -> memref<632xf32, #tpu.memory_space<vmem>>
        %dma_start3A_77 = tpu.memref_slice %arg8[%mul3A_66] : memref<10112xf32, #tpu.memory_space<vmem_shared>> -> memref<632xf32, #tpu.memory_space<vmem_shared>>
        %dma_start3A_78 = arith.constant 0 : i32
        %dma_start3A_79 = tpu.memref_slice %arg7[%dma_start3A_78] : memref<640xf32, #tpu.memory_space<vmem>> -> memref<632xf32, #tpu.memory_space<vmem>>
        %dma_start3A_80 = tpu.memref_slice %arg8[%mul3A_66] : memref<10112xf32, #tpu.memory_space<vmem_shared>> -> memref<632xf32, #tpu.memory_space<vmem_shared>>
        tpu.enqueue_dma source(%dma_start3A_80 : memref<632xf32, #tpu.memory_space<vmem_shared>>) target(%dma_start3A_79 : memref<632xf32, #tpu.memory_space<vmem>>) target_semaphore(%run_scoped3A : memref<!tpu.dma_semaphore, #tpu.memory_space<semaphore_mem>>)
        %dma_wait3A = arith.constant 0 : i32
        %dma_wait3A_81 = tpu.memref_slice %arg7[%dma_wait3A] : memref<640xf32, #tpu.memory_space<vmem>> -> memref<632xf32, #tpu.memory_space<vmem>>
        %dma_wait3A_82 = tpu.memref_slice %arg8[%mul3A_66] : memref<10112xf32, #tpu.memory_space<vmem_shared>> -> memref<632xf32, #tpu.memory_space<vmem_shared>>
        %dma_wait3A_83 = arith.constant 0 : i32
        %dma_wait3A_84 = tpu.memref_slice %arg7[%dma_wait3A_83] : memref<640xf32, #tpu.memory_space<vmem>> -> memref<632xf32, #tpu.memory_space<vmem>>
        %dma_wait3A_85 = tpu.memref_slice %arg8[%mul3A_66] : memref<10112xf32, #tpu.memory_space<vmem_shared>> -> memref<632xf32, #tpu.memory_space<vmem_shared>>
        tpu.wait_dma2 semaphore(%run_scoped3A : memref<!tpu.dma_semaphore, #tpu.memory_space<semaphore_mem>>) src(%dma_wait3A_85 : memref<632xf32, #tpu.memory_space<vmem_shared>>) dst(%dma_wait3A_84 : memref<632xf32, #tpu.memory_space<vmem>>)
        tpu.yield
      }) : () -> ()
      %scan3A_67 = arith.constant 0 : i32
      %scan3A_68 = arith.constant 0 : i32
      %scan3A_69 = arith.constant 40 : i32
      %scan3A_70 = arith.addi %scan3A_68, %scan3A_69 : i32
      %scan3A_71 = arith.constant 1 : i32
      %scan3A_72 = scf.for %scan3A_76 = %scan3A_68 to %scan3A_70 step %scan3A_71 iter_args(%scan3A_77 = %scan3A_67) -> (i32)  : i32 {
        %mul3A_78 = arith.constant 16 : i32
        %mul3A_79 = arith.muli %scan3A_76, %mul3A_78 : i32
        %get3A = arith.index_cast %mul3A_79 : i32 to index
        %get3A_80 = tpu.vector_load %arg7[%get3A] {strides = array<i32>} : memref<640xf32, #tpu.memory_space<vmem>>, vector<16xf32>,
        %get3A_81 = vector.shape_cast %get3A_80 : vector<16xf32> to vector<16xf32>
        %max3A = arith.constant 1.000000e+00 : f32
        %max3A_82 = vector.broadcast %max3A : f32 to vector<16xf32>
        %max3A_83 = arith.maximumf %get3A_81, %max3A_82 : vector<16xf32>
        %div3A = arith.constant 1.000000e+00 : f32
        %div3A_84 = vector.broadcast %div3A : f32 to vector<16xf32>
        %div3A_85 = arith.divf %div3A_84, %max3A_83 : vector<16xf32>
        %mul3A_86 = arith.constant 16 : i32
        %mul3A_87 = arith.muli %scan3A_76, %mul3A_86 : i32
        %swap3A_88 = arith.index_cast %mul3A_87 : i32 to index
        %swap3A_89 = tpu.vector_load %arg7[%swap3A_88] {strides = array<i32>} : memref<640xf32, #tpu.memory_space<vmem>>, vector<16xf32>,
        %swap3A_90 = vector.shape_cast %swap3A_89 : vector<16xf32> to vector<16xf32>
        %swap3A_91 = vector.shape_cast %div3A_85 : vector<16xf32> to vector<16xf32>
        tpu.vector_store %arg7[%swap3A_88], %swap3A_91 {strides = array<i32>} : memref<640xf32, #tpu.memory_space<vmem>>, vector<16xf32>,
        %scan3A_92 = arith.constant 0 : i32
        scf.yield %scan3A_92 : i32
      }
      %scan3A_73 = arith.constant 40 : i32
      %mul3A_74 = arith.constant 632 : i32
      %mul3A_75 = arith.muli %arg1, %mul3A_74 : i32
      "tpu.region"() ({
        %run_scoped3A = tpu.sem_alloc : memref<!tpu.dma_semaphore, #tpu.memory_space<semaphore_mem>>
        %dma_start3A = arith.constant 0 : i32
        %dma_start3A_76 = tpu.memref_slice %arg7[%dma_start3A] : memref<640xf32, #tpu.memory_space<vmem>> -> memref<632xf32, #tpu.memory_space<vmem>>
        %dma_start3A_77 = tpu.memref_slice %arg3[%mul3A_75] : memref<10112xf32, #tpu.memory_space<hbm>> -> memref<632xf32, #tpu.memory_space<hbm>>
        %dma_start3A_78 = tpu.memref_slice %arg3[%mul3A_75] : memref<10112xf32, #tpu.memory_space<hbm>> -> memref<632xf32, #tpu.memory_space<hbm>>
        %dma_start3A_79 = arith.constant 0 : i32
        %dma_start3A_80 = tpu.memref_slice %arg7[%dma_start3A_79] : memref<640xf32, #tpu.memory_space<vmem>> -> memref<632xf32, #tpu.memory_space<vmem>>
        tpu.enqueue_dma source(%dma_start3A_80 : memref<632xf32, #tpu.memory_space<vmem>>) target(%dma_start3A_78 : memref<632xf32, #tpu.memory_space<hbm>>) target_semaphore(%run_scoped3A : memref<!tpu.dma_semaphore, #tpu.memory_space<semaphore_mem>>)
        %dma_wait3A = arith.constant 0 : i32
        %dma_wait3A_81 = tpu.memref_slice %arg7[%dma_wait3A] : memref<640xf32, #tpu.memory_space<vmem>> -> memref<632xf32, #tpu.memory_space<vmem>>
        %dma_wait3A_82 = tpu.memref_slice %arg3[%mul3A_75] : memref<10112xf32, #tpu.memory_space<hbm>> -> memref<632xf32, #tpu.memory_space<hbm>>
        %dma_wait3A_83 = tpu.memref_slice %arg3[%mul3A_75] : memref<10112xf32, #tpu.memory_space<hbm>> -> memref<632xf32, #tpu.memory_space<hbm>>
        %dma_wait3A_84 = arith.constant 0 : i32
        %dma_wait3A_85 = tpu.memref_slice %arg7[%dma_wait3A_84] : memref<640xf32, #tpu.memory_space<vmem>> -> memref<632xf32, #tpu.memory_space<vmem>>
        tpu.wait_dma2 semaphore(%run_scoped3A : memref<!tpu.dma_semaphore, #tpu.memory_space<semaphore_mem>>) src(%dma_wait3A_85 : memref<632xf32, #tpu.memory_space<vmem>>) dst(%dma_wait3A_83 : memref<632xf32, #tpu.memory_space<hbm>>)
        tpu.yield
      }) : () -> ()
    } else {
    }
    return
  }
}

#map = affine_map<(d0, d1) -> (0, 0)>
#map1 = affine_map<(d0, d1) -> (0)>
module attributes {stable_mosaic.version = 14 : i64} {
  func.func @_agg_body(%arg0: i32, %arg1: i32, %arg2: memref<40448x128xf32, #tpu.memory_space<hbm>>, %arg3: memref<161792xi32, #tpu.memory_space<hbm>>, %arg4: memref<161792xi32, #tpu.memory_space<hbm>>, %arg5: memref<632x128xf32, #tpu.memory_space<hbm>>, %arg6: memref<40448x128xf32, #tpu.memory_space<hbm>>, %arg7: memref<128xi32, #tpu.memory_space<vmem>>, %arg8: memref<128xi32, #tpu.memory_space<vmem>>, %arg9: memref<128xi32, #tpu.memory_space<vmem>>, %arg10: memref<128x128xf32, #tpu.memory_space<vmem>>, %arg11: memref<10112x128xf32, #tpu.memory_space<vmem_shared>>, %arg12: memref<!tpu.dma_semaphore, #tpu.memory_space<semaphore_mem>>) attributes {dimension_semantics = [#tpu.dimension_semantics<core_parallel>, #tpu.dimension_semantics<subcore_parallel>], iteration_bounds = array<i64: 2, 16>, scalar_prefetch = 0 : i64, scratch_operands = 6 : i64, tpu.core_type = #tpu.core_type<sc_vector_subcore>, window_params = [{transform_indices = #map}, {transform_indices = #map1}, {transform_indices = #map1}, {transform_indices = #map}, {transform_indices = #map}]} {
    %mul3A = arith.constant 10112 : i32
    %mul3A_0 = arith.muli %arg1, %mul3A : i32
    %mul3A_1 = arith.constant 2 : i32
    %mul3A_2 = arith.muli %arg0, %mul3A_1 : i32
    %add3A = arith.constant 0 : i32
    %add3A_3 = arith.addi %mul3A_2, %add3A : i32
    %mul3A_4 = arith.constant 10112 : i32
    %mul3A_5 = arith.muli %add3A_3, %mul3A_4 : i32
    %mul3A_6 = arith.constant 632 : i32
    %mul3A_7 = arith.muli %arg1, %mul3A_6 : i32
    "tpu.region"() ({
      %run_scoped3A = tpu.sem_alloc : memref<!tpu.dma_semaphore, #tpu.memory_space<semaphore_mem>>
      %dma_start3A = arith.constant 0 : i32
      %dma_start3A_44 = tpu.memref_slice %arg11[%mul3A_7, %dma_start3A] : memref<10112x128xf32, #tpu.memory_space<vmem_shared>> -> memref<632x128xf32, #tpu.memory_space<vmem_shared>>
      tpu.enqueue_dma source(%arg5 : memref<632x128xf32, #tpu.memory_space<hbm>>) target(%dma_start3A_44 : memref<632x128xf32, #tpu.memory_space<vmem_shared>>) target_semaphore(%run_scoped3A : memref<!tpu.dma_semaphore, #tpu.memory_space<semaphore_mem>>)
      %dma_wait3A = arith.constant 0 : i32
      %dma_wait3A_45 = tpu.memref_slice %arg11[%mul3A_7, %dma_wait3A] : memref<10112x128xf32, #tpu.memory_space<vmem_shared>> -> memref<632x128xf32, #tpu.memory_space<vmem_shared>>
      tpu.wait_dma2 semaphore(%run_scoped3A : memref<!tpu.dma_semaphore, #tpu.memory_space<semaphore_mem>>) src(%arg5 : memref<632x128xf32, #tpu.memory_space<hbm>>) dst(%dma_wait3A_45 : memref<632x128xf32, #tpu.memory_space<vmem_shared>>)
      tpu.yield
    }) : () -> ()
    %barrier3A = arith.constant 0 : index
    tpu.barrier barrier_id(%barrier3A)
    %scan3A = arith.constant 0 : i32
    %scan3A_8 = arith.constant 0 : i32
    %scan3A_9 = arith.constant 79 : i32
    %scan3A_10 = arith.addi %scan3A_8, %scan3A_9 : i32
    %scan3A_11 = arith.constant 1 : i32
    %scan3A_12 = scf.for %scan3A_44 = %scan3A_8 to %scan3A_10 step %scan3A_11 iter_args(%scan3A_45 = %scan3A) -> (i32)  : i32 {
      %mul3A_46 = arith.constant 128 : i32
      %mul3A_47 = arith.muli %scan3A_44, %mul3A_46 : i32
      %add3A_48 = arith.addi %mul3A_0, %mul3A_47 : i32
      "tpu.region"() ({
        %run_scoped3A = tpu.sem_alloc : memref<!tpu.dma_semaphore, #tpu.memory_space<semaphore_mem>>
        %dma_start3A_124 = tpu.memref_slice %arg3[%add3A_48] : memref<161792xi32, #tpu.memory_space<hbm>> -> memref<128xi32, #tpu.memory_space<hbm>>
        %dma_start3A_125 = tpu.memref_slice %arg3[%add3A_48] : memref<161792xi32, #tpu.memory_space<hbm>> -> memref<128xi32, #tpu.memory_space<hbm>>
        tpu.enqueue_dma source(%dma_start3A_125 : memref<128xi32, #tpu.memory_space<hbm>>) target(%arg7 : memref<128xi32, #tpu.memory_space<vmem>>) target_semaphore(%run_scoped3A : memref<!tpu.dma_semaphore, #tpu.memory_space<semaphore_mem>>)
        %dma_wait3A_126 = tpu.memref_slice %arg3[%add3A_48] : memref<161792xi32, #tpu.memory_space<hbm>> -> memref<128xi32, #tpu.memory_space<hbm>>
        %dma_wait3A_127 = tpu.memref_slice %arg3[%add3A_48] : memref<161792xi32, #tpu.memory_space<hbm>> -> memref<128xi32, #tpu.memory_space<hbm>>
        tpu.wait_dma2 semaphore(%run_scoped3A : memref<!tpu.dma_semaphore, #tpu.memory_space<semaphore_mem>>) src(%dma_wait3A_127 : memref<128xi32, #tpu.memory_space<hbm>>) dst(%arg7 : memref<128xi32, #tpu.memory_space<vmem>>)
        tpu.yield
      }) : () -> ()
      %get3A = arith.constant 0 : index
      %get3A_49 = tpu.vector_load %arg7[%get3A] {strides = array<i32>} : memref<128xi32, #tpu.memory_space<vmem>>, vector<16xi32>,
      %get3A_50 = vector.shape_cast %get3A_49 : vector<16xi32> to vector<16xi32>
      %add3A_51 = vector.broadcast %mul3A_5 : i32 to vector<16xi32>
      %add3A_52 = arith.addi %get3A_50, %add3A_51 : vector<16xi32>
      %swap3A = arith.constant 0 : index
      %swap3A_53 = tpu.vector_load %arg8[%swap3A] {strides = array<i32>} : memref<128xi32, #tpu.memory_space<vmem>>, vector<16xi32>,
      %swap3A_54 = vector.shape_cast %swap3A_53 : vector<16xi32> to vector<16xi32>
      %swap3A_55 = vector.shape_cast %add3A_52 : vector<16xi32> to vector<16xi32>
      tpu.vector_store %arg8[%swap3A], %swap3A_55 {strides = array<i32>} : memref<128xi32, #tpu.memory_space<vmem>>, vector<16xi32>,
      %get3A_56 = arith.constant 16 : index
      %get3A_57 = tpu.vector_load %arg7[%get3A_56] {strides = array<i32>} : memref<128xi32, #tpu.memory_space<vmem>>, vector<16xi32>,
      %get3A_58 = vector.shape_cast %get3A_57 : vector<16xi32> to vector<16xi32>
      %add3A_59 = vector.broadcast %mul3A_5 : i32 to vector<16xi32>
      %add3A_60 = arith.addi %get3A_58, %add3A_59 : vector<16xi32>
      %swap3A_61 = arith.constant 16 : index
      %swap3A_62 = tpu.vector_load %arg8[%swap3A_61] {strides = array<i32>} : memref<128xi32, #tpu.memory_space<vmem>>, vector<16xi32>,
      %swap3A_63 = vector.shape_cast %swap3A_62 : vector<16xi32> to vector<16xi32>
      %swap3A_64 = vector.shape_cast %add3A_60 : vector<16xi32> to vector<16xi32>
      tpu.vector_store %arg8[%swap3A_61], %swap3A_64 {strides = array<i32>} : memref<128xi32, #tpu.memory_space<vmem>>, vector<16xi32>,
      %get3A_65 = arith.constant 32 : index
      %get3A_66 = tpu.vector_load %arg7[%get3A_65] {strides = array<i32>} : memref<128xi32, #tpu.memory_space<vmem>>, vector<16xi32>,
      %get3A_67 = vector.shape_cast %get3A_66 : vector<16xi32> to vector<16xi32>
      %add3A_68 = vector.broadcast %mul3A_5 : i32 to vector<16xi32>
      %add3A_69 = arith.addi %get3A_67, %add3A_68 : vector<16xi32>
      %swap3A_70 = arith.constant 32 : index
      %swap3A_71 = tpu.vector_load %arg8[%swap3A_70] {strides = array<i32>} : memref<128xi32, #tpu.memory_space<vmem>>, vector<16xi32>,
      %swap3A_72 = vector.shape_cast %swap3A_71 : vector<16xi32> to vector<16xi32>
      %swap3A_73 = vector.shape_cast %add3A_69 : vector<16xi32> to vector<16xi32>
      tpu.vector_store %arg8[%swap3A_70], %swap3A_73 {strides = array<i32>} : memref<128xi32, #tpu.memory_space<vmem>>, vector<16xi32>,
      %get3A_74 = arith.constant 48 : index
      %get3A_75 = tpu.vector_load %arg7[%get3A_74] {strides = array<i32>} : memref<128xi32, #tpu.memory_space<vmem>>, vector<16xi32>,
      %get3A_76 = vector.shape_cast %get3A_75 : vector<16xi32> to vector<16xi32>
      %add3A_77 = vector.broadcast %mul3A_5 : i32 to vector<16xi32>
      %add3A_78 = arith.addi %get3A_76, %add3A_77 : vector<16xi32>
      %swap3A_79 = arith.constant 48 : index
      %swap3A_80 = tpu.vector_load %arg8[%swap3A_79] {strides = array<i32>} : memref<128xi32, #tpu.memory_space<vmem>>, vector<16xi32>,
      %swap3A_81 = vector.shape_cast %swap3A_80 : vector<16xi32> to vector<16xi32>
      %swap3A_82 = vector.shape_cast %add3A_78 : vector<16xi32> to vector<16xi32>
      tpu.vector_store %arg8[%swap3A_79], %swap3A_82 {strides = array<i32>} : memref<128xi32, #tpu.memory_space<vmem>>, vector<16xi32>,
      %get3A_83 = arith.constant 64 : index
      %get3A_84 = tpu.vector_load %arg7[%get3A_83] {strides = array<i32>} : memref<128xi32, #tpu.memory_space<vmem>>, vector<16xi32>,
      %get3A_85 = vector.shape_cast %get3A_84 : vector<16xi32> to vector<16xi32>
      %add3A_86 = vector.broadcast %mul3A_5 : i32 to vector<16xi32>
      %add3A_87 = arith.addi %get3A_85, %add3A_86 : vector<16xi32>
      %swap3A_88 = arith.constant 64 : index
      %swap3A_89 = tpu.vector_load %arg8[%swap3A_88] {strides = array<i32>} : memref<128xi32, #tpu.memory_space<vmem>>, vector<16xi32>,
      %swap3A_90 = vector.shape_cast %swap3A_89 : vector<16xi32> to vector<16xi32>
      %swap3A_91 = vector.shape_cast %add3A_87 : vector<16xi32> to vector<16xi32>
      tpu.vector_store %arg8[%swap3A_88], %swap3A_91 {strides = array<i32>} : memref<128xi32, #tpu.memory_space<vmem>>, vector<16xi32>,
      %get3A_92 = arith.constant 80 : index
      %get3A_93 = tpu.vector_load %arg7[%get3A_92] {strides = array<i32>} : memref<128xi32, #tpu.memory_space<vmem>>, vector<16xi32>,
      %get3A_94 = vector.shape_cast %get3A_93 : vector<16xi32> to vector<16xi32>
      %add3A_95 = vector.broadcast %mul3A_5 : i32 to vector<16xi32>
      %add3A_96 = arith.addi %get3A_94, %add3A_95 : vector<16xi32>
      %swap3A_97 = arith.constant 80 : index
      %swap3A_98 = tpu.vector_load %arg8[%swap3A_97] {strides = array<i32>} : memref<128xi32, #tpu.memory_space<vmem>>, vector<16xi32>,
      %swap3A_99 = vector.shape_cast %swap3A_98 : vector<16xi32> to vector<16xi32>
      %swap3A_100 = vector.shape_cast %add3A_96 : vector<16xi32> to vector<16xi32>
      tpu.vector_store %arg8[%swap3A_97], %swap3A_100 {strides = array<i32>} : memref<128xi32, #tpu.memory_space<vmem>>, vector<16xi32>,
      %get3A_101 = arith.constant 96 : index
      %get3A_102 = tpu.vector_load %arg7[%get3A_101] {strides = array<i32>} : memref<128xi32, #tpu.memory_space<vmem>>, vector<16xi32>,
      %get3A_103 = vector.shape_cast %get3A_102 : vector<16xi32> to vector<16xi32>
      %add3A_104 = vector.broadcast %mul3A_5 : i32 to vector<16xi32>
      %add3A_105 = arith.addi %get3A_103, %add3A_104 : vector<16xi32>
      %swap3A_106 = arith.constant 96 : index
      %swap3A_107 = tpu.vector_load %arg8[%swap3A_106] {strides = array<i32>} : memref<128xi32, #tpu.memory_space<vmem>>, vector<16xi32>,
      %swap3A_108 = vector.shape_cast %swap3A_107 : vector<16xi32> to vector<16xi32>
      %swap3A_109 = vector.shape_cast %add3A_105 : vector<16xi32> to vector<16xi32>
      tpu.vector_store %arg8[%swap3A_106], %swap3A_109 {strides = array<i32>} : memref<128xi32, #tpu.memory_space<vmem>>, vector<16xi32>,
      %get3A_110 = arith.constant 112 : index
      %get3A_111 = tpu.vector_load %arg7[%get3A_110] {strides = array<i32>} : memref<128xi32, #tpu.memory_space<vmem>>, vector<16xi32>,
      %get3A_112 = vector.shape_cast %get3A_111 : vector<16xi32> to vector<16xi32>
      %add3A_113 = vector.broadcast %mul3A_5 : i32 to vector<16xi32>
      %add3A_114 = arith.addi %get3A_112, %add3A_113 : vector<16xi32>
      %swap3A_115 = arith.constant 112 : index
      %swap3A_116 = tpu.vector_load %arg8[%swap3A_115] {strides = array<i32>} : memref<128xi32, #tpu.memory_space<vmem>>, vector<16xi32>,
      %swap3A_117 = vector.shape_cast %swap3A_116 : vector<16xi32> to vector<16xi32>
      %swap3A_118 = vector.shape_cast %add3A_114 : vector<16xi32> to vector<16xi32>
      tpu.vector_store %arg8[%swap3A_115], %swap3A_118 {strides = array<i32>} : memref<128xi32, #tpu.memory_space<vmem>>, vector<16xi32>,
      %dma_start3A = arith.constant 0 : i32
      %dma_start3A_119 = arith.constant 0 : i32
      %dma_start3A_120 = tpu.memref_slice %arg2[%dma_start3A, %dma_start3A_119] : memref<40448x128xf32, #tpu.memory_space<hbm>> -> memref<40448x128xf32, #tpu.memory_space<hbm>>
      tpu.enqueue_indirect_dma source(%dma_start3A_120 : memref<40448x128xf32, #tpu.memory_space<hbm>>) target(%arg10 : memref<128x128xf32, #tpu.memory_space<vmem>>) offsets(%arg8 : memref<128xi32, #tpu.memory_space<vmem>>) semaphore(%arg12 : memref<!tpu.dma_semaphore, #tpu.memory_space<semaphore_mem>>)
      %dma_wait3A = arith.constant 0 : i32
      %dma_wait3A_121 = arith.constant 0 : i32
      %dma_wait3A_122 = tpu.memref_slice %arg2[%dma_wait3A, %dma_wait3A_121] : memref<40448x128xf32, #tpu.memory_space<hbm>> -> memref<40448x128xf32, #tpu.memory_space<hbm>>
      tpu.wait_indirect_dma semaphore(%arg12 : memref<!tpu.dma_semaphore, #tpu.memory_space<semaphore_mem>>) src(%dma_wait3A_122 : memref<40448x128xf32, #tpu.memory_space<hbm>>) dst(%arg10 : memref<128x128xf32, #tpu.memory_space<vmem>>)
      "tpu.region"() ({
        %run_scoped3A = tpu.sem_alloc : memref<!tpu.dma_semaphore, #tpu.memory_space<semaphore_mem>>
        %dma_start3A_124 = tpu.memref_slice %arg4[%add3A_48] : memref<161792xi32, #tpu.memory_space<hbm>> -> memref<128xi32, #tpu.memory_space<hbm>>
        %dma_start3A_125 = tpu.memref_slice %arg4[%add3A_48] : memref<161792xi32, #tpu.memory_space<hbm>> -> memref<128xi32, #tpu.memory_space<hbm>>
        tpu.enqueue_dma source(%dma_start3A_125 : memref<128xi32, #tpu.memory_space<hbm>>) target(%arg9 : memref<128xi32, #tpu.memory_space<vmem>>) target_semaphore(%run_scoped3A : memref<!tpu.dma_semaphore, #tpu.memory_space<semaphore_mem>>)
        %dma_wait3A_126 = tpu.memref_slice %arg4[%add3A_48] : memref<161792xi32, #tpu.memory_space<hbm>> -> memref<128xi32, #tpu.memory_space<hbm>>
        %dma_wait3A_127 = tpu.memref_slice %arg4[%add3A_48] : memref<161792xi32, #tpu.memory_space<hbm>> -> memref<128xi32, #tpu.memory_space<hbm>>
        tpu.wait_dma2 semaphore(%run_scoped3A : memref<!tpu.dma_semaphore, #tpu.memory_space<semaphore_mem>>) src(%dma_wait3A_127 : memref<128xi32, #tpu.memory_space<hbm>>) dst(%arg9 : memref<128xi32, #tpu.memory_space<vmem>>)
        tpu.yield
      }) : () -> ()
      "tpu.region"() ({
        %run_scoped3A = tpu.sem_alloc : memref<!tpu.dma_semaphore, #tpu.memory_space<semaphore_mem>>
        %dma_start3A_124 = arith.constant 0 : i32
        %dma_start3A_125 = arith.constant 0 : i32
        %dma_start3A_126 = tpu.memref_slice %arg11[%dma_start3A_124, %dma_start3A_125] : memref<10112x128xf32, #tpu.memory_space<vmem_shared>> -> memref<10112x128xf32, #tpu.memory_space<vmem_shared>>
        tpu.enqueue_indirect_dma source(%arg10 : memref<128x128xf32, #tpu.memory_space<vmem>>) target(%dma_start3A_126 : memref<10112x128xf32, #tpu.memory_space<vmem_shared>>) offsets(%arg9 : memref<128xi32, #tpu.memory_space<vmem>>) semaphore(%run_scoped3A : memref<!tpu.dma_semaphore, #tpu.memory_space<semaphore_mem>>) {add = true}
        %dma_wait3A_127 = arith.constant 0 : i32
        %dma_wait3A_128 = arith.constant 0 : i32
        %dma_wait3A_129 = tpu.memref_slice %arg11[%dma_wait3A_127, %dma_wait3A_128] : memref<10112x128xf32, #tpu.memory_space<vmem_shared>> -> memref<10112x128xf32, #tpu.memory_space<vmem_shared>>
        tpu.wait_indirect_dma semaphore(%run_scoped3A : memref<!tpu.dma_semaphore, #tpu.memory_space<semaphore_mem>>) src(%arg10 : memref<128x128xf32, #tpu.memory_space<vmem>>) dst(%dma_wait3A_129 : memref<10112x128xf32, #tpu.memory_space<vmem_shared>>)
        tpu.yield
      }) : () -> ()
      %scan3A_123 = arith.constant 0 : i32
      scf.yield %scan3A_123 : i32
    }
    %scan3A_13 = arith.constant 79 : i32
    %barrier3A_14 = arith.constant 0 : index
    tpu.barrier barrier_id(%barrier3A_14)
    %mul3A_15 = arith.constant 632 : i32
    %mul3A_16 = arith.muli %arg1, %mul3A_15 : i32
    %mul3A_17 = arith.constant 632 : i32
    %mul3A_18 = arith.muli %arg1, %mul3A_17 : i32
    %add3A_19 = arith.addi %mul3A_5, %mul3A_18 : i32
    "tpu.region"() ({
      %run_scoped3A = tpu.sem_alloc : memref<!tpu.dma_semaphore, #tpu.memory_space<semaphore_mem>>
      %dma_start3A = arith.constant 0 : i32
      %dma_start3A_44 = tpu.memref_slice %arg6[%add3A_19, %dma_start3A] : memref<40448x128xf32, #tpu.memory_space<hbm>> -> memref<632x128xf32, #tpu.memory_space<hbm>>
      %dma_start3A_45 = arith.constant 0 : i32
      %dma_start3A_46 = tpu.memref_slice %arg11[%mul3A_16, %dma_start3A_45] : memref<10112x128xf32, #tpu.memory_space<vmem_shared>> -> memref<632x128xf32, #tpu.memory_space<vmem_shared>>
      tpu.enqueue_dma source(%dma_start3A_46 : memref<632x128xf32, #tpu.memory_space<vmem_shared>>) target(%dma_start3A_44 : memref<632x128xf32, #tpu.memory_space<hbm>>) target_semaphore(%run_scoped3A : memref<!tpu.dma_semaphore, #tpu.memory_space<semaphore_mem>>)
      %dma_wait3A = arith.constant 0 : i32
      %dma_wait3A_47 = tpu.memref_slice %arg6[%add3A_19, %dma_wait3A] : memref<40448x128xf32, #tpu.memory_space<hbm>> -> memref<632x128xf32, #tpu.memory_space<hbm>>
      %dma_wait3A_48 = arith.constant 0 : i32
      %dma_wait3A_49 = tpu.memref_slice %arg11[%mul3A_16, %dma_wait3A_48] : memref<10112x128xf32, #tpu.memory_space<vmem_shared>> -> memref<632x128xf32, #tpu.memory_space<vmem_shared>>
      tpu.wait_dma2 semaphore(%run_scoped3A : memref<!tpu.dma_semaphore, #tpu.memory_space<semaphore_mem>>) src(%dma_wait3A_49 : memref<632x128xf32, #tpu.memory_space<vmem_shared>>) dst(%dma_wait3A_47 : memref<632x128xf32, #tpu.memory_space<hbm>>)
      tpu.yield
    }) : () -> ()
    %barrier3A_20 = arith.constant 0 : index
    tpu.barrier barrier_id(%barrier3A_20)
    %mul3A_21 = arith.constant 2 : i32
    %mul3A_22 = arith.muli %arg0, %mul3A_21 : i32
    %add3A_23 = arith.constant 1 : i32
    %add3A_24 = arith.addi %mul3A_22, %add3A_23 : i32
    %mul3A_25 = arith.constant 10112 : i32
    %mul3A_26 = arith.muli %add3A_24, %mul3A_25 : i32
    %mul3A_27 = arith.constant 632 : i32
    %mul3A_28 = arith.muli %arg1, %mul3A_27 : i32
    "tpu.region"() ({
      %run_scoped3A = tpu.sem_alloc : memref<!tpu.dma_semaphore, #tpu.memory_space<semaphore_mem>>
      %dma_start3A = arith.constant 0 : i32
      %dma_start3A_44 = tpu.memref_slice %arg11[%mul3A_28, %dma_start3A] : memref<10112x128xf32, #tpu.memory_space<vmem_shared>> -> memref<632x128xf32, #tpu.memory_space<vmem_shared>>
      tpu.enqueue_dma source(%arg5 : memref<632x128xf32, #tpu.memory_space<hbm>>) target(%dma_start3A_44 : memref<632x128xf32, #tpu.memory_space<vmem_shared>>) target_semaphore(%run_scoped3A : memref<!tpu.dma_semaphore, #tpu.memory_space<semaphore_mem>>)
      %dma_wait3A = arith.constant 0 : i32
      %dma_wait3A_45 = tpu.memref_slice %arg11[%mul3A_28, %dma_wait3A] : memref<10112x128xf32, #tpu.memory_space<vmem_shared>> -> memref<632x128xf32, #tpu.memory_space<vmem_shared>>
      tpu.wait_dma2 semaphore(%run_scoped3A : memref<!tpu.dma_semaphore, #tpu.memory_space<semaphore_mem>>) src(%arg5 : memref<632x128xf32, #tpu.memory_space<hbm>>) dst(%dma_wait3A_45 : memref<632x128xf32, #tpu.memory_space<vmem_shared>>)
      tpu.yield
    }) : () -> ()
    %barrier3A_29 = arith.constant 0 : index
    tpu.barrier barrier_id(%barrier3A_29)
    %scan3A_30 = arith.constant 0 : i32
    %scan3A_31 = arith.constant 0 : i32
    %scan3A_32 = arith.constant 79 : i32
    %scan3A_33 = arith.addi %scan3A_31, %scan3A_32 : i32
    %scan3A_34 = arith.constant 1 : i32
    %scan3A_35 = scf.for %scan3A_44 = %scan3A_31 to %scan3A_33 step %scan3A_34 iter_args(%scan3A_45 = %scan3A_30) -> (i32)  : i32 {
      %mul3A_46 = arith.constant 128 : i32
      %mul3A_47 = arith.muli %scan3A_44, %mul3A_46 : i32
      %add3A_48 = arith.addi %mul3A_0, %mul3A_47 : i32
      "tpu.region"() ({
        %run_scoped3A = tpu.sem_alloc : memref<!tpu.dma_semaphore, #tpu.memory_space<semaphore_mem>>
        %dma_start3A_124 = tpu.memref_slice %arg3[%add3A_48] : memref<161792xi32, #tpu.memory_space<hbm>> -> memref<128xi32, #tpu.memory_space<hbm>>
        %dma_start3A_125 = tpu.memref_slice %arg3[%add3A_48] : memref<161792xi32, #tpu.memory_space<hbm>> -> memref<128xi32, #tpu.memory_space<hbm>>
        tpu.enqueue_dma source(%dma_start3A_125 : memref<128xi32, #tpu.memory_space<hbm>>) target(%arg7 : memref<128xi32, #tpu.memory_space<vmem>>) target_semaphore(%run_scoped3A : memref<!tpu.dma_semaphore, #tpu.memory_space<semaphore_mem>>)
        %dma_wait3A_126 = tpu.memref_slice %arg3[%add3A_48] : memref<161792xi32, #tpu.memory_space<hbm>> -> memref<128xi32, #tpu.memory_space<hbm>>
        %dma_wait3A_127 = tpu.memref_slice %arg3[%add3A_48] : memref<161792xi32, #tpu.memory_space<hbm>> -> memref<128xi32, #tpu.memory_space<hbm>>
        tpu.wait_dma2 semaphore(%run_scoped3A : memref<!tpu.dma_semaphore, #tpu.memory_space<semaphore_mem>>) src(%dma_wait3A_127 : memref<128xi32, #tpu.memory_space<hbm>>) dst(%arg7 : memref<128xi32, #tpu.memory_space<vmem>>)
        tpu.yield
      }) : () -> ()
      %get3A = arith.constant 0 : index
      %get3A_49 = tpu.vector_load %arg7[%get3A] {strides = array<i32>} : memref<128xi32, #tpu.memory_space<vmem>>, vector<16xi32>,
      %get3A_50 = vector.shape_cast %get3A_49 : vector<16xi32> to vector<16xi32>
      %add3A_51 = vector.broadcast %mul3A_26 : i32 to vector<16xi32>
      %add3A_52 = arith.addi %get3A_50, %add3A_51 : vector<16xi32>
      %swap3A = arith.constant 0 : index
      %swap3A_53 = tpu.vector_load %arg8[%swap3A] {strides = array<i32>} : memref<128xi32, #tpu.memory_space<vmem>>, vector<16xi32>,
      %swap3A_54 = vector.shape_cast %swap3A_53 : vector<16xi32> to vector<16xi32>
      %swap3A_55 = vector.shape_cast %add3A_52 : vector<16xi32> to vector<16xi32>
      tpu.vector_store %arg8[%swap3A], %swap3A_55 {strides = array<i32>} : memref<128xi32, #tpu.memory_space<vmem>>, vector<16xi32>,
      %get3A_56 = arith.constant 16 : index
      %get3A_57 = tpu.vector_load %arg7[%get3A_56] {strides = array<i32>} : memref<128xi32, #tpu.memory_space<vmem>>, vector<16xi32>,
      %get3A_58 = vector.shape_cast %get3A_57 : vector<16xi32> to vector<16xi32>
      %add3A_59 = vector.broadcast %mul3A_26 : i32 to vector<16xi32>
      %add3A_60 = arith.addi %get3A_58, %add3A_59 : vector<16xi32>
      %swap3A_61 = arith.constant 16 : index
      %swap3A_62 = tpu.vector_load %arg8[%swap3A_61] {strides = array<i32>} : memref<128xi32, #tpu.memory_space<vmem>>, vector<16xi32>,
      %swap3A_63 = vector.shape_cast %swap3A_62 : vector<16xi32> to vector<16xi32>
      %swap3A_64 = vector.shape_cast %add3A_60 : vector<16xi32> to vector<16xi32>
      tpu.vector_store %arg8[%swap3A_61], %swap3A_64 {strides = array<i32>} : memref<128xi32, #tpu.memory_space<vmem>>, vector<16xi32>,
      %get3A_65 = arith.constant 32 : index
      %get3A_66 = tpu.vector_load %arg7[%get3A_65] {strides = array<i32>} : memref<128xi32, #tpu.memory_space<vmem>>, vector<16xi32>,
      %get3A_67 = vector.shape_cast %get3A_66 : vector<16xi32> to vector<16xi32>
      %add3A_68 = vector.broadcast %mul3A_26 : i32 to vector<16xi32>
      %add3A_69 = arith.addi %get3A_67, %add3A_68 : vector<16xi32>
      %swap3A_70 = arith.constant 32 : index
      %swap3A_71 = tpu.vector_load %arg8[%swap3A_70] {strides = array<i32>} : memref<128xi32, #tpu.memory_space<vmem>>, vector<16xi32>,
      %swap3A_72 = vector.shape_cast %swap3A_71 : vector<16xi32> to vector<16xi32>
      %swap3A_73 = vector.shape_cast %add3A_69 : vector<16xi32> to vector<16xi32>
      tpu.vector_store %arg8[%swap3A_70], %swap3A_73 {strides = array<i32>} : memref<128xi32, #tpu.memory_space<vmem>>, vector<16xi32>,
      %get3A_74 = arith.constant 48 : index
      %get3A_75 = tpu.vector_load %arg7[%get3A_74] {strides = array<i32>} : memref<128xi32, #tpu.memory_space<vmem>>, vector<16xi32>,
      %get3A_76 = vector.shape_cast %get3A_75 : vector<16xi32> to vector<16xi32>
      %add3A_77 = vector.broadcast %mul3A_26 : i32 to vector<16xi32>
      %add3A_78 = arith.addi %get3A_76, %add3A_77 : vector<16xi32>
      %swap3A_79 = arith.constant 48 : index
      %swap3A_80 = tpu.vector_load %arg8[%swap3A_79] {strides = array<i32>} : memref<128xi32, #tpu.memory_space<vmem>>, vector<16xi32>,
      %swap3A_81 = vector.shape_cast %swap3A_80 : vector<16xi32> to vector<16xi32>
      %swap3A_82 = vector.shape_cast %add3A_78 : vector<16xi32> to vector<16xi32>
      tpu.vector_store %arg8[%swap3A_79], %swap3A_82 {strides = array<i32>} : memref<128xi32, #tpu.memory_space<vmem>>, vector<16xi32>,
      %get3A_83 = arith.constant 64 : index
      %get3A_84 = tpu.vector_load %arg7[%get3A_83] {strides = array<i32>} : memref<128xi32, #tpu.memory_space<vmem>>, vector<16xi32>,
      %get3A_85 = vector.shape_cast %get3A_84 : vector<16xi32> to vector<16xi32>
      %add3A_86 = vector.broadcast %mul3A_26 : i32 to vector<16xi32>
      %add3A_87 = arith.addi %get3A_85, %add3A_86 : vector<16xi32>
      %swap3A_88 = arith.constant 64 : index
      %swap3A_89 = tpu.vector_load %arg8[%swap3A_88] {strides = array<i32>} : memref<128xi32, #tpu.memory_space<vmem>>, vector<16xi32>,
      %swap3A_90 = vector.shape_cast %swap3A_89 : vector<16xi32> to vector<16xi32>
      %swap3A_91 = vector.shape_cast %add3A_87 : vector<16xi32> to vector<16xi32>
      tpu.vector_store %arg8[%swap3A_88], %swap3A_91 {strides = array<i32>} : memref<128xi32, #tpu.memory_space<vmem>>, vector<16xi32>,
      %get3A_92 = arith.constant 80 : index
      %get3A_93 = tpu.vector_load %arg7[%get3A_92] {strides = array<i32>} : memref<128xi32, #tpu.memory_space<vmem>>, vector<16xi32>,
      %get3A_94 = vector.shape_cast %get3A_93 : vector<16xi32> to vector<16xi32>
      %add3A_95 = vector.broadcast %mul3A_26 : i32 to vector<16xi32>
      %add3A_96 = arith.addi %get3A_94, %add3A_95 : vector<16xi32>
      %swap3A_97 = arith.constant 80 : index
      %swap3A_98 = tpu.vector_load %arg8[%swap3A_97] {strides = array<i32>} : memref<128xi32, #tpu.memory_space<vmem>>, vector<16xi32>,
      %swap3A_99 = vector.shape_cast %swap3A_98 : vector<16xi32> to vector<16xi32>
      %swap3A_100 = vector.shape_cast %add3A_96 : vector<16xi32> to vector<16xi32>
      tpu.vector_store %arg8[%swap3A_97], %swap3A_100 {strides = array<i32>} : memref<128xi32, #tpu.memory_space<vmem>>, vector<16xi32>,
      %get3A_101 = arith.constant 96 : index
      %get3A_102 = tpu.vector_load %arg7[%get3A_101] {strides = array<i32>} : memref<128xi32, #tpu.memory_space<vmem>>, vector<16xi32>,
      %get3A_103 = vector.shape_cast %get3A_102 : vector<16xi32> to vector<16xi32>
      %add3A_104 = vector.broadcast %mul3A_26 : i32 to vector<16xi32>
      %add3A_105 = arith.addi %get3A_103, %add3A_104 : vector<16xi32>
      %swap3A_106 = arith.constant 96 : index
      %swap3A_107 = tpu.vector_load %arg8[%swap3A_106] {strides = array<i32>} : memref<128xi32, #tpu.memory_space<vmem>>, vector<16xi32>,
      %swap3A_108 = vector.shape_cast %swap3A_107 : vector<16xi32> to vector<16xi32>
      %swap3A_109 = vector.shape_cast %add3A_105 : vector<16xi32> to vector<16xi32>
      tpu.vector_store %arg8[%swap3A_106], %swap3A_109 {strides = array<i32>} : memref<128xi32, #tpu.memory_space<vmem>>, vector<16xi32>,
      %get3A_110 = arith.constant 112 : index
      %get3A_111 = tpu.vector_load %arg7[%get3A_110] {strides = array<i32>} : memref<128xi32, #tpu.memory_space<vmem>>, vector<16xi32>,
      %get3A_112 = vector.shape_cast %get3A_111 : vector<16xi32> to vector<16xi32>
      %add3A_113 = vector.broadcast %mul3A_26 : i32 to vector<16xi32>
      %add3A_114 = arith.addi %get3A_112, %add3A_113 : vector<16xi32>
      %swap3A_115 = arith.constant 112 : index
      %swap3A_116 = tpu.vector_load %arg8[%swap3A_115] {strides = array<i32>} : memref<128xi32, #tpu.memory_space<vmem>>, vector<16xi32>,
      %swap3A_117 = vector.shape_cast %swap3A_116 : vector<16xi32> to vector<16xi32>
      %swap3A_118 = vector.shape_cast %add3A_114 : vector<16xi32> to vector<16xi32>
      tpu.vector_store %arg8[%swap3A_115], %swap3A_118 {strides = array<i32>} : memref<128xi32, #tpu.memory_space<vmem>>, vector<16xi32>,
      %dma_start3A = arith.constant 0 : i32
      %dma_start3A_119 = arith.constant 0 : i32
      %dma_start3A_120 = tpu.memref_slice %arg2[%dma_start3A, %dma_start3A_119] : memref<40448x128xf32, #tpu.memory_space<hbm>> -> memref<40448x128xf32, #tpu.memory_space<hbm>>
      tpu.enqueue_indirect_dma source(%dma_start3A_120 : memref<40448x128xf32, #tpu.memory_space<hbm>>) target(%arg10 : memref<128x128xf32, #tpu.memory_space<vmem>>) offsets(%arg8 : memref<128xi32, #tpu.memory_space<vmem>>) semaphore(%arg12 : memref<!tpu.dma_semaphore, #tpu.memory_space<semaphore_mem>>)
      %dma_wait3A = arith.constant 0 : i32
      %dma_wait3A_121 = arith.constant 0 : i32
      %dma_wait3A_122 = tpu.memref_slice %arg2[%dma_wait3A, %dma_wait3A_121] : memref<40448x128xf32, #tpu.memory_space<hbm>> -> memref<40448x128xf32, #tpu.memory_space<hbm>>
      tpu.wait_indirect_dma semaphore(%arg12 : memref<!tpu.dma_semaphore, #tpu.memory_space<semaphore_mem>>) src(%dma_wait3A_122 : memref<40448x128xf32, #tpu.memory_space<hbm>>) dst(%arg10 : memref<128x128xf32, #tpu.memory_space<vmem>>)
      "tpu.region"() ({
        %run_scoped3A = tpu.sem_alloc : memref<!tpu.dma_semaphore, #tpu.memory_space<semaphore_mem>>
        %dma_start3A_124 = tpu.memref_slice %arg4[%add3A_48] : memref<161792xi32, #tpu.memory_space<hbm>> -> memref<128xi32, #tpu.memory_space<hbm>>
        %dma_start3A_125 = tpu.memref_slice %arg4[%add3A_48] : memref<161792xi32, #tpu.memory_space<hbm>> -> memref<128xi32, #tpu.memory_space<hbm>>
        tpu.enqueue_dma source(%dma_start3A_125 : memref<128xi32, #tpu.memory_space<hbm>>) target(%arg9 : memref<128xi32, #tpu.memory_space<vmem>>) target_semaphore(%run_scoped3A : memref<!tpu.dma_semaphore, #tpu.memory_space<semaphore_mem>>)
        %dma_wait3A_126 = tpu.memref_slice %arg4[%add3A_48] : memref<161792xi32, #tpu.memory_space<hbm>> -> memref<128xi32, #tpu.memory_space<hbm>>
        %dma_wait3A_127 = tpu.memref_slice %arg4[%add3A_48] : memref<161792xi32, #tpu.memory_space<hbm>> -> memref<128xi32, #tpu.memory_space<hbm>>
        tpu.wait_dma2 semaphore(%run_scoped3A : memref<!tpu.dma_semaphore, #tpu.memory_space<semaphore_mem>>) src(%dma_wait3A_127 : memref<128xi32, #tpu.memory_space<hbm>>) dst(%arg9 : memref<128xi32, #tpu.memory_space<vmem>>)
        tpu.yield
      }) : () -> ()
      "tpu.region"() ({
        %run_scoped3A = tpu.sem_alloc : memref<!tpu.dma_semaphore, #tpu.memory_space<semaphore_mem>>
        %dma_start3A_124 = arith.constant 0 : i32
        %dma_start3A_125 = arith.constant 0 : i32
        %dma_start3A_126 = tpu.memref_slice %arg11[%dma_start3A_124, %dma_start3A_125] : memref<10112x128xf32, #tpu.memory_space<vmem_shared>> -> memref<10112x128xf32, #tpu.memory_space<vmem_shared>>
        tpu.enqueue_indirect_dma source(%arg10 : memref<128x128xf32, #tpu.memory_space<vmem>>) target(%dma_start3A_126 : memref<10112x128xf32, #tpu.memory_space<vmem_shared>>) offsets(%arg9 : memref<128xi32, #tpu.memory_space<vmem>>) semaphore(%run_scoped3A : memref<!tpu.dma_semaphore, #tpu.memory_space<semaphore_mem>>) {add = true}
        %dma_wait3A_127 = arith.constant 0 : i32
        %dma_wait3A_128 = arith.constant 0 : i32
        %dma_wait3A_129 = tpu.memref_slice %arg11[%dma_wait3A_127, %dma_wait3A_128] : memref<10112x128xf32, #tpu.memory_space<vmem_shared>> -> memref<10112x128xf32, #tpu.memory_space<vmem_shared>>
        tpu.wait_indirect_dma semaphore(%run_scoped3A : memref<!tpu.dma_semaphore, #tpu.memory_space<semaphore_mem>>) src(%arg10 : memref<128x128xf32, #tpu.memory_space<vmem>>) dst(%dma_wait3A_129 : memref<10112x128xf32, #tpu.memory_space<vmem_shared>>)
        tpu.yield
      }) : () -> ()
      %scan3A_123 = arith.constant 0 : i32
      scf.yield %scan3A_123 : i32
    }
    %scan3A_36 = arith.constant 79 : i32
    %barrier3A_37 = arith.constant 0 : index
    tpu.barrier barrier_id(%barrier3A_37)
    %mul3A_38 = arith.constant 632 : i32
    %mul3A_39 = arith.muli %arg1, %mul3A_38 : i32
    %mul3A_40 = arith.constant 632 : i32
    %mul3A_41 = arith.muli %arg1, %mul3A_40 : i32
    %add3A_42 = arith.addi %mul3A_26, %mul3A_41 : i32
    "tpu.region"() ({
      %run_scoped3A = tpu.sem_alloc : memref<!tpu.dma_semaphore, #tpu.memory_space<semaphore_mem>>
      %dma_start3A = arith.constant 0 : i32
      %dma_start3A_44 = tpu.memref_slice %arg6[%add3A_42, %dma_start3A] : memref<40448x128xf32, #tpu.memory_space<hbm>> -> memref<632x128xf32, #tpu.memory_space<hbm>>
      %dma_start3A_45 = arith.constant 0 : i32
      %dma_start3A_46 = tpu.memref_slice %arg11[%mul3A_39, %dma_start3A_45] : memref<10112x128xf32, #tpu.memory_space<vmem_shared>> -> memref<632x128xf32, #tpu.memory_space<vmem_shared>>
      tpu.enqueue_dma source(%dma_start3A_46 : memref<632x128xf32, #tpu.memory_space<vmem_shared>>) target(%dma_start3A_44 : memref<632x128xf32, #tpu.memory_space<hbm>>) target_semaphore(%run_scoped3A : memref<!tpu.dma_semaphore, #tpu.memory_space<semaphore_mem>>)
      %dma_wait3A = arith.constant 0 : i32
      %dma_wait3A_47 = tpu.memref_slice %arg6[%add3A_42, %dma_wait3A] : memref<40448x128xf32, #tpu.memory_space<hbm>> -> memref<632x128xf32, #tpu.memory_space<hbm>>
      %dma_wait3A_48 = arith.constant 0 : i32
      %dma_wait3A_49 = tpu.memref_slice %arg11[%mul3A_39, %dma_wait3A_48] : memref<10112x128xf32, #tpu.memory_space<vmem_shared>> -> memref<632x128xf32, #tpu.memory_space<vmem_shared>>
      tpu.wait_dma2 semaphore(%run_scoped3A : memref<!tpu.dma_semaphore, #tpu.memory_space<semaphore_mem>>) src(%dma_wait3A_49 : memref<632x128xf32, #tpu.memory_space<vmem_shared>>) dst(%dma_wait3A_47 : memref<632x128xf32, #tpu.memory_space<hbm>>)
      tpu.yield
    }) : () -> ()
    %barrier3A_43 = arith.constant 0 : index
    tpu.barrier barrier_id(%barrier3A_43)
    return
  }
}

#map = affine_map<(d0, d1) -> (0, 0)>
#map1 = affine_map<(d0, d1) -> (0)>
module attributes {stable_mosaic.version = 14 : i64} {
  func.func @_agg_body(%arg0: i32, %arg1: i32, %arg2: memref<40448x128xf32, #tpu.memory_space<hbm>>, %arg3: memref<161792xi32, #tpu.memory_space<hbm>>, %arg4: memref<161792xi32, #tpu.memory_space<hbm>>, %arg5: memref<632x128xf32, #tpu.memory_space<hbm>>, %arg6: memref<40448x128xf32, #tpu.memory_space<hbm>>, %arg7: memref<128xi32, #tpu.memory_space<vmem>>, %arg8: memref<128xi32, #tpu.memory_space<vmem>>, %arg9: memref<128xi32, #tpu.memory_space<vmem>>, %arg10: memref<128x128xf32, #tpu.memory_space<vmem>>, %arg11: memref<10112x128xf32, #tpu.memory_space<vmem_shared>>, %arg12: memref<!tpu.dma_semaphore, #tpu.memory_space<semaphore_mem>>) attributes {dimension_semantics = [#tpu.dimension_semantics<core_parallel>, #tpu.dimension_semantics<subcore_parallel>], iteration_bounds = array<i64: 2, 16>, scalar_prefetch = 0 : i64, scratch_operands = 6 : i64, tpu.core_type = #tpu.core_type<sc_vector_subcore>, window_params = [{transform_indices = #map}, {transform_indices = #map1}, {transform_indices = #map1}, {transform_indices = #map}, {transform_indices = #map}]} {
    %mul3A = arith.constant 10112 : i32
    %mul3A_0 = arith.muli %arg1, %mul3A : i32
    %mul3A_1 = arith.constant 2 : i32
    %mul3A_2 = arith.muli %arg0, %mul3A_1 : i32
    %add3A = arith.constant 0 : i32
    %add3A_3 = arith.addi %mul3A_2, %add3A : i32
    %mul3A_4 = arith.constant 10112 : i32
    %mul3A_5 = arith.muli %add3A_3, %mul3A_4 : i32
    %mul3A_6 = arith.constant 632 : i32
    %mul3A_7 = arith.muli %arg1, %mul3A_6 : i32
    "tpu.region"() ({
      %run_scoped3A = tpu.sem_alloc : memref<!tpu.dma_semaphore, #tpu.memory_space<semaphore_mem>>
      %dma_start3A = arith.constant 0 : i32
      %dma_start3A_44 = tpu.memref_slice %arg11[%mul3A_7, %dma_start3A] : memref<10112x128xf32, #tpu.memory_space<vmem_shared>> -> memref<632x128xf32, #tpu.memory_space<vmem_shared>>
      tpu.enqueue_dma source(%arg5 : memref<632x128xf32, #tpu.memory_space<hbm>>) target(%dma_start3A_44 : memref<632x128xf32, #tpu.memory_space<vmem_shared>>) target_semaphore(%run_scoped3A : memref<!tpu.dma_semaphore, #tpu.memory_space<semaphore_mem>>)
      %dma_wait3A = arith.constant 0 : i32
      %dma_wait3A_45 = tpu.memref_slice %arg11[%mul3A_7, %dma_wait3A] : memref<10112x128xf32, #tpu.memory_space<vmem_shared>> -> memref<632x128xf32, #tpu.memory_space<vmem_shared>>
      tpu.wait_dma2 semaphore(%run_scoped3A : memref<!tpu.dma_semaphore, #tpu.memory_space<semaphore_mem>>) src(%arg5 : memref<632x128xf32, #tpu.memory_space<hbm>>) dst(%dma_wait3A_45 : memref<632x128xf32, #tpu.memory_space<vmem_shared>>)
      tpu.yield
    }) : () -> ()
    %barrier3A = arith.constant 0 : index
    tpu.barrier barrier_id(%barrier3A)
    %scan3A = arith.constant 0 : i32
    %scan3A_8 = arith.constant 0 : i32
    %scan3A_9 = arith.constant 79 : i32
    %scan3A_10 = arith.addi %scan3A_8, %scan3A_9 : i32
    %scan3A_11 = arith.constant 1 : i32
    %scan3A_12 = scf.for %scan3A_44 = %scan3A_8 to %scan3A_10 step %scan3A_11 iter_args(%scan3A_45 = %scan3A) -> (i32)  : i32 {
      %mul3A_46 = arith.constant 128 : i32
      %mul3A_47 = arith.muli %scan3A_44, %mul3A_46 : i32
      %add3A_48 = arith.addi %mul3A_0, %mul3A_47 : i32
      "tpu.region"() ({
        %run_scoped3A = tpu.sem_alloc : memref<!tpu.dma_semaphore, #tpu.memory_space<semaphore_mem>>
        %dma_start3A_124 = tpu.memref_slice %arg3[%add3A_48] : memref<161792xi32, #tpu.memory_space<hbm>> -> memref<128xi32, #tpu.memory_space<hbm>>
        %dma_start3A_125 = tpu.memref_slice %arg3[%add3A_48] : memref<161792xi32, #tpu.memory_space<hbm>> -> memref<128xi32, #tpu.memory_space<hbm>>
        tpu.enqueue_dma source(%dma_start3A_125 : memref<128xi32, #tpu.memory_space<hbm>>) target(%arg7 : memref<128xi32, #tpu.memory_space<vmem>>) target_semaphore(%run_scoped3A : memref<!tpu.dma_semaphore, #tpu.memory_space<semaphore_mem>>)
        %dma_wait3A_126 = tpu.memref_slice %arg3[%add3A_48] : memref<161792xi32, #tpu.memory_space<hbm>> -> memref<128xi32, #tpu.memory_space<hbm>>
        %dma_wait3A_127 = tpu.memref_slice %arg3[%add3A_48] : memref<161792xi32, #tpu.memory_space<hbm>> -> memref<128xi32, #tpu.memory_space<hbm>>
        tpu.wait_dma2 semaphore(%run_scoped3A : memref<!tpu.dma_semaphore, #tpu.memory_space<semaphore_mem>>) src(%dma_wait3A_127 : memref<128xi32, #tpu.memory_space<hbm>>) dst(%arg7 : memref<128xi32, #tpu.memory_space<vmem>>)
        tpu.yield
      }) : () -> ()
      %get3A = arith.constant 0 : index
      %get3A_49 = tpu.vector_load %arg7[%get3A] {strides = array<i32>} : memref<128xi32, #tpu.memory_space<vmem>>, vector<16xi32>,
      %get3A_50 = vector.shape_cast %get3A_49 : vector<16xi32> to vector<16xi32>
      %add3A_51 = vector.broadcast %mul3A_5 : i32 to vector<16xi32>
      %add3A_52 = arith.addi %get3A_50, %add3A_51 : vector<16xi32>
      %swap3A = arith.constant 0 : index
      %swap3A_53 = tpu.vector_load %arg8[%swap3A] {strides = array<i32>} : memref<128xi32, #tpu.memory_space<vmem>>, vector<16xi32>,
      %swap3A_54 = vector.shape_cast %swap3A_53 : vector<16xi32> to vector<16xi32>
      %swap3A_55 = vector.shape_cast %add3A_52 : vector<16xi32> to vector<16xi32>
      tpu.vector_store %arg8[%swap3A], %swap3A_55 {strides = array<i32>} : memref<128xi32, #tpu.memory_space<vmem>>, vector<16xi32>,
      %get3A_56 = arith.constant 16 : index
      %get3A_57 = tpu.vector_load %arg7[%get3A_56] {strides = array<i32>} : memref<128xi32, #tpu.memory_space<vmem>>, vector<16xi32>,
      %get3A_58 = vector.shape_cast %get3A_57 : vector<16xi32> to vector<16xi32>
      %add3A_59 = vector.broadcast %mul3A_5 : i32 to vector<16xi32>
      %add3A_60 = arith.addi %get3A_58, %add3A_59 : vector<16xi32>
      %swap3A_61 = arith.constant 16 : index
      %swap3A_62 = tpu.vector_load %arg8[%swap3A_61] {strides = array<i32>} : memref<128xi32, #tpu.memory_space<vmem>>, vector<16xi32>,
      %swap3A_63 = vector.shape_cast %swap3A_62 : vector<16xi32> to vector<16xi32>
      %swap3A_64 = vector.shape_cast %add3A_60 : vector<16xi32> to vector<16xi32>
      tpu.vector_store %arg8[%swap3A_61], %swap3A_64 {strides = array<i32>} : memref<128xi32, #tpu.memory_space<vmem>>, vector<16xi32>,
      %get3A_65 = arith.constant 32 : index
      %get3A_66 = tpu.vector_load %arg7[%get3A_65] {strides = array<i32>} : memref<128xi32, #tpu.memory_space<vmem>>, vector<16xi32>,
      %get3A_67 = vector.shape_cast %get3A_66 : vector<16xi32> to vector<16xi32>
      %add3A_68 = vector.broadcast %mul3A_5 : i32 to vector<16xi32>
      %add3A_69 = arith.addi %get3A_67, %add3A_68 : vector<16xi32>
      %swap3A_70 = arith.constant 32 : index
      %swap3A_71 = tpu.vector_load %arg8[%swap3A_70] {strides = array<i32>} : memref<128xi32, #tpu.memory_space<vmem>>, vector<16xi32>,
      %swap3A_72 = vector.shape_cast %swap3A_71 : vector<16xi32> to vector<16xi32>
      %swap3A_73 = vector.shape_cast %add3A_69 : vector<16xi32> to vector<16xi32>
      tpu.vector_store %arg8[%swap3A_70], %swap3A_73 {strides = array<i32>} : memref<128xi32, #tpu.memory_space<vmem>>, vector<16xi32>,
      %get3A_74 = arith.constant 48 : index
      %get3A_75 = tpu.vector_load %arg7[%get3A_74] {strides = array<i32>} : memref<128xi32, #tpu.memory_space<vmem>>, vector<16xi32>,
      %get3A_76 = vector.shape_cast %get3A_75 : vector<16xi32> to vector<16xi32>
      %add3A_77 = vector.broadcast %mul3A_5 : i32 to vector<16xi32>
      %add3A_78 = arith.addi %get3A_76, %add3A_77 : vector<16xi32>
      %swap3A_79 = arith.constant 48 : index
      %swap3A_80 = tpu.vector_load %arg8[%swap3A_79] {strides = array<i32>} : memref<128xi32, #tpu.memory_space<vmem>>, vector<16xi32>,
      %swap3A_81 = vector.shape_cast %swap3A_80 : vector<16xi32> to vector<16xi32>
      %swap3A_82 = vector.shape_cast %add3A_78 : vector<16xi32> to vector<16xi32>
      tpu.vector_store %arg8[%swap3A_79], %swap3A_82 {strides = array<i32>} : memref<128xi32, #tpu.memory_space<vmem>>, vector<16xi32>,
      %get3A_83 = arith.constant 64 : index
      %get3A_84 = tpu.vector_load %arg7[%get3A_83] {strides = array<i32>} : memref<128xi32, #tpu.memory_space<vmem>>, vector<16xi32>,
      %get3A_85 = vector.shape_cast %get3A_84 : vector<16xi32> to vector<16xi32>
      %add3A_86 = vector.broadcast %mul3A_5 : i32 to vector<16xi32>
      %add3A_87 = arith.addi %get3A_85, %add3A_86 : vector<16xi32>
      %swap3A_88 = arith.constant 64 : index
      %swap3A_89 = tpu.vector_load %arg8[%swap3A_88] {strides = array<i32>} : memref<128xi32, #tpu.memory_space<vmem>>, vector<16xi32>,
      %swap3A_90 = vector.shape_cast %swap3A_89 : vector<16xi32> to vector<16xi32>
      %swap3A_91 = vector.shape_cast %add3A_87 : vector<16xi32> to vector<16xi32>
      tpu.vector_store %arg8[%swap3A_88], %swap3A_91 {strides = array<i32>} : memref<128xi32, #tpu.memory_space<vmem>>, vector<16xi32>,
      %get3A_92 = arith.constant 80 : index
      %get3A_93 = tpu.vector_load %arg7[%get3A_92] {strides = array<i32>} : memref<128xi32, #tpu.memory_space<vmem>>, vector<16xi32>,
      %get3A_94 = vector.shape_cast %get3A_93 : vector<16xi32> to vector<16xi32>
      %add3A_95 = vector.broadcast %mul3A_5 : i32 to vector<16xi32>
      %add3A_96 = arith.addi %get3A_94, %add3A_95 : vector<16xi32>
      %swap3A_97 = arith.constant 80 : index
      %swap3A_98 = tpu.vector_load %arg8[%swap3A_97] {strides = array<i32>} : memref<128xi32, #tpu.memory_space<vmem>>, vector<16xi32>,
      %swap3A_99 = vector.shape_cast %swap3A_98 : vector<16xi32> to vector<16xi32>
      %swap3A_100 = vector.shape_cast %add3A_96 : vector<16xi32> to vector<16xi32>
      tpu.vector_store %arg8[%swap3A_97], %swap3A_100 {strides = array<i32>} : memref<128xi32, #tpu.memory_space<vmem>>, vector<16xi32>,
      %get3A_101 = arith.constant 96 : index
      %get3A_102 = tpu.vector_load %arg7[%get3A_101] {strides = array<i32>} : memref<128xi32, #tpu.memory_space<vmem>>, vector<16xi32>,
      %get3A_103 = vector.shape_cast %get3A_102 : vector<16xi32> to vector<16xi32>
      %add3A_104 = vector.broadcast %mul3A_5 : i32 to vector<16xi32>
      %add3A_105 = arith.addi %get3A_103, %add3A_104 : vector<16xi32>
      %swap3A_106 = arith.constant 96 : index
      %swap3A_107 = tpu.vector_load %arg8[%swap3A_106] {strides = array<i32>} : memref<128xi32, #tpu.memory_space<vmem>>, vector<16xi32>,
      %swap3A_108 = vector.shape_cast %swap3A_107 : vector<16xi32> to vector<16xi32>
      %swap3A_109 = vector.shape_cast %add3A_105 : vector<16xi32> to vector<16xi32>
      tpu.vector_store %arg8[%swap3A_106], %swap3A_109 {strides = array<i32>} : memref<128xi32, #tpu.memory_space<vmem>>, vector<16xi32>,
      %get3A_110 = arith.constant 112 : index
      %get3A_111 = tpu.vector_load %arg7[%get3A_110] {strides = array<i32>} : memref<128xi32, #tpu.memory_space<vmem>>, vector<16xi32>,
      %get3A_112 = vector.shape_cast %get3A_111 : vector<16xi32> to vector<16xi32>
      %add3A_113 = vector.broadcast %mul3A_5 : i32 to vector<16xi32>
      %add3A_114 = arith.addi %get3A_112, %add3A_113 : vector<16xi32>
      %swap3A_115 = arith.constant 112 : index
      %swap3A_116 = tpu.vector_load %arg8[%swap3A_115] {strides = array<i32>} : memref<128xi32, #tpu.memory_space<vmem>>, vector<16xi32>,
      %swap3A_117 = vector.shape_cast %swap3A_116 : vector<16xi32> to vector<16xi32>
      %swap3A_118 = vector.shape_cast %add3A_114 : vector<16xi32> to vector<16xi32>
      tpu.vector_store %arg8[%swap3A_115], %swap3A_118 {strides = array<i32>} : memref<128xi32, #tpu.memory_space<vmem>>, vector<16xi32>,
      %dma_start3A = arith.constant 0 : i32
      %dma_start3A_119 = arith.constant 0 : i32
      %dma_start3A_120 = tpu.memref_slice %arg2[%dma_start3A, %dma_start3A_119] : memref<40448x128xf32, #tpu.memory_space<hbm>> -> memref<40448x128xf32, #tpu.memory_space<hbm>>
      tpu.enqueue_indirect_dma source(%dma_start3A_120 : memref<40448x128xf32, #tpu.memory_space<hbm>>) target(%arg10 : memref<128x128xf32, #tpu.memory_space<vmem>>) offsets(%arg8 : memref<128xi32, #tpu.memory_space<vmem>>) semaphore(%arg12 : memref<!tpu.dma_semaphore, #tpu.memory_space<semaphore_mem>>)
      %dma_wait3A = arith.constant 0 : i32
      %dma_wait3A_121 = arith.constant 0 : i32
      %dma_wait3A_122 = tpu.memref_slice %arg2[%dma_wait3A, %dma_wait3A_121] : memref<40448x128xf32, #tpu.memory_space<hbm>> -> memref<40448x128xf32, #tpu.memory_space<hbm>>
      tpu.wait_indirect_dma semaphore(%arg12 : memref<!tpu.dma_semaphore, #tpu.memory_space<semaphore_mem>>) src(%dma_wait3A_122 : memref<40448x128xf32, #tpu.memory_space<hbm>>) dst(%arg10 : memref<128x128xf32, #tpu.memory_space<vmem>>)
      "tpu.region"() ({
        %run_scoped3A = tpu.sem_alloc : memref<!tpu.dma_semaphore, #tpu.memory_space<semaphore_mem>>
        %dma_start3A_124 = tpu.memref_slice %arg4[%add3A_48] : memref<161792xi32, #tpu.memory_space<hbm>> -> memref<128xi32, #tpu.memory_space<hbm>>
        %dma_start3A_125 = tpu.memref_slice %arg4[%add3A_48] : memref<161792xi32, #tpu.memory_space<hbm>> -> memref<128xi32, #tpu.memory_space<hbm>>
        tpu.enqueue_dma source(%dma_start3A_125 : memref<128xi32, #tpu.memory_space<hbm>>) target(%arg9 : memref<128xi32, #tpu.memory_space<vmem>>) target_semaphore(%run_scoped3A : memref<!tpu.dma_semaphore, #tpu.memory_space<semaphore_mem>>)
        %dma_wait3A_126 = tpu.memref_slice %arg4[%add3A_48] : memref<161792xi32, #tpu.memory_space<hbm>> -> memref<128xi32, #tpu.memory_space<hbm>>
        %dma_wait3A_127 = tpu.memref_slice %arg4[%add3A_48] : memref<161792xi32, #tpu.memory_space<hbm>> -> memref<128xi32, #tpu.memory_space<hbm>>
        tpu.wait_dma2 semaphore(%run_scoped3A : memref<!tpu.dma_semaphore, #tpu.memory_space<semaphore_mem>>) src(%dma_wait3A_127 : memref<128xi32, #tpu.memory_space<hbm>>) dst(%arg9 : memref<128xi32, #tpu.memory_space<vmem>>)
        tpu.yield
      }) : () -> ()
      "tpu.region"() ({
        %run_scoped3A = tpu.sem_alloc : memref<!tpu.dma_semaphore, #tpu.memory_space<semaphore_mem>>
        %dma_start3A_124 = arith.constant 0 : i32
        %dma_start3A_125 = arith.constant 0 : i32
        %dma_start3A_126 = tpu.memref_slice %arg11[%dma_start3A_124, %dma_start3A_125] : memref<10112x128xf32, #tpu.memory_space<vmem_shared>> -> memref<10112x128xf32, #tpu.memory_space<vmem_shared>>
        tpu.enqueue_indirect_dma source(%arg10 : memref<128x128xf32, #tpu.memory_space<vmem>>) target(%dma_start3A_126 : memref<10112x128xf32, #tpu.memory_space<vmem_shared>>) offsets(%arg9 : memref<128xi32, #tpu.memory_space<vmem>>) semaphore(%run_scoped3A : memref<!tpu.dma_semaphore, #tpu.memory_space<semaphore_mem>>) {add = true}
        %dma_wait3A_127 = arith.constant 0 : i32
        %dma_wait3A_128 = arith.constant 0 : i32
        %dma_wait3A_129 = tpu.memref_slice %arg11[%dma_wait3A_127, %dma_wait3A_128] : memref<10112x128xf32, #tpu.memory_space<vmem_shared>> -> memref<10112x128xf32, #tpu.memory_space<vmem_shared>>
        tpu.wait_indirect_dma semaphore(%run_scoped3A : memref<!tpu.dma_semaphore, #tpu.memory_space<semaphore_mem>>) src(%arg10 : memref<128x128xf32, #tpu.memory_space<vmem>>) dst(%dma_wait3A_129 : memref<10112x128xf32, #tpu.memory_space<vmem_shared>>)
        tpu.yield
      }) : () -> ()
      %scan3A_123 = arith.constant 0 : i32
      scf.yield %scan3A_123 : i32
    }
    %scan3A_13 = arith.constant 79 : i32
    %barrier3A_14 = arith.constant 0 : index
    tpu.barrier barrier_id(%barrier3A_14)
    %mul3A_15 = arith.constant 632 : i32
    %mul3A_16 = arith.muli %arg1, %mul3A_15 : i32
    %mul3A_17 = arith.constant 632 : i32
    %mul3A_18 = arith.muli %arg1, %mul3A_17 : i32
    %add3A_19 = arith.addi %mul3A_5, %mul3A_18 : i32
    "tpu.region"() ({
      %run_scoped3A = tpu.sem_alloc : memref<!tpu.dma_semaphore, #tpu.memory_space<semaphore_mem>>
      %dma_start3A = arith.constant 0 : i32
      %dma_start3A_44 = tpu.memref_slice %arg6[%add3A_19, %dma_start3A] : memref<40448x128xf32, #tpu.memory_space<hbm>> -> memref<632x128xf32, #tpu.memory_space<hbm>>
      %dma_start3A_45 = arith.constant 0 : i32
      %dma_start3A_46 = tpu.memref_slice %arg11[%mul3A_16, %dma_start3A_45] : memref<10112x128xf32, #tpu.memory_space<vmem_shared>> -> memref<632x128xf32, #tpu.memory_space<vmem_shared>>
      tpu.enqueue_dma source(%dma_start3A_46 : memref<632x128xf32, #tpu.memory_space<vmem_shared>>) target(%dma_start3A_44 : memref<632x128xf32, #tpu.memory_space<hbm>>) target_semaphore(%run_scoped3A : memref<!tpu.dma_semaphore, #tpu.memory_space<semaphore_mem>>)
      %dma_wait3A = arith.constant 0 : i32
      %dma_wait3A_47 = tpu.memref_slice %arg6[%add3A_19, %dma_wait3A] : memref<40448x128xf32, #tpu.memory_space<hbm>> -> memref<632x128xf32, #tpu.memory_space<hbm>>
      %dma_wait3A_48 = arith.constant 0 : i32
      %dma_wait3A_49 = tpu.memref_slice %arg11[%mul3A_16, %dma_wait3A_48] : memref<10112x128xf32, #tpu.memory_space<vmem_shared>> -> memref<632x128xf32, #tpu.memory_space<vmem_shared>>
      tpu.wait_dma2 semaphore(%run_scoped3A : memref<!tpu.dma_semaphore, #tpu.memory_space<semaphore_mem>>) src(%dma_wait3A_49 : memref<632x128xf32, #tpu.memory_space<vmem_shared>>) dst(%dma_wait3A_47 : memref<632x128xf32, #tpu.memory_space<hbm>>)
      tpu.yield
    }) : () -> ()
    %barrier3A_20 = arith.constant 0 : index
    tpu.barrier barrier_id(%barrier3A_20)
    %mul3A_21 = arith.constant 2 : i32
    %mul3A_22 = arith.muli %arg0, %mul3A_21 : i32
    %add3A_23 = arith.constant 1 : i32
    %add3A_24 = arith.addi %mul3A_22, %add3A_23 : i32
    %mul3A_25 = arith.constant 10112 : i32
    %mul3A_26 = arith.muli %add3A_24, %mul3A_25 : i32
    %mul3A_27 = arith.constant 632 : i32
    %mul3A_28 = arith.muli %arg1, %mul3A_27 : i32
    "tpu.region"() ({
      %run_scoped3A = tpu.sem_alloc : memref<!tpu.dma_semaphore, #tpu.memory_space<semaphore_mem>>
      %dma_start3A = arith.constant 0 : i32
      %dma_start3A_44 = tpu.memref_slice %arg11[%mul3A_28, %dma_start3A] : memref<10112x128xf32, #tpu.memory_space<vmem_shared>> -> memref<632x128xf32, #tpu.memory_space<vmem_shared>>
      tpu.enqueue_dma source(%arg5 : memref<632x128xf32, #tpu.memory_space<hbm>>) target(%dma_start3A_44 : memref<632x128xf32, #tpu.memory_space<vmem_shared>>) target_semaphore(%run_scoped3A : memref<!tpu.dma_semaphore, #tpu.memory_space<semaphore_mem>>)
      %dma_wait3A = arith.constant 0 : i32
      %dma_wait3A_45 = tpu.memref_slice %arg11[%mul3A_28, %dma_wait3A] : memref<10112x128xf32, #tpu.memory_space<vmem_shared>> -> memref<632x128xf32, #tpu.memory_space<vmem_shared>>
      tpu.wait_dma2 semaphore(%run_scoped3A : memref<!tpu.dma_semaphore, #tpu.memory_space<semaphore_mem>>) src(%arg5 : memref<632x128xf32, #tpu.memory_space<hbm>>) dst(%dma_wait3A_45 : memref<632x128xf32, #tpu.memory_space<vmem_shared>>)
      tpu.yield
    }) : () -> ()
    %barrier3A_29 = arith.constant 0 : index
    tpu.barrier barrier_id(%barrier3A_29)
    %scan3A_30 = arith.constant 0 : i32
    %scan3A_31 = arith.constant 0 : i32
    %scan3A_32 = arith.constant 79 : i32
    %scan3A_33 = arith.addi %scan3A_31, %scan3A_32 : i32
    %scan3A_34 = arith.constant 1 : i32
    %scan3A_35 = scf.for %scan3A_44 = %scan3A_31 to %scan3A_33 step %scan3A_34 iter_args(%scan3A_45 = %scan3A_30) -> (i32)  : i32 {
      %mul3A_46 = arith.constant 128 : i32
      %mul3A_47 = arith.muli %scan3A_44, %mul3A_46 : i32
      %add3A_48 = arith.addi %mul3A_0, %mul3A_47 : i32
      "tpu.region"() ({
        %run_scoped3A = tpu.sem_alloc : memref<!tpu.dma_semaphore, #tpu.memory_space<semaphore_mem>>
        %dma_start3A_124 = tpu.memref_slice %arg3[%add3A_48] : memref<161792xi32, #tpu.memory_space<hbm>> -> memref<128xi32, #tpu.memory_space<hbm>>
        %dma_start3A_125 = tpu.memref_slice %arg3[%add3A_48] : memref<161792xi32, #tpu.memory_space<hbm>> -> memref<128xi32, #tpu.memory_space<hbm>>
        tpu.enqueue_dma source(%dma_start3A_125 : memref<128xi32, #tpu.memory_space<hbm>>) target(%arg7 : memref<128xi32, #tpu.memory_space<vmem>>) target_semaphore(%run_scoped3A : memref<!tpu.dma_semaphore, #tpu.memory_space<semaphore_mem>>)
        %dma_wait3A_126 = tpu.memref_slice %arg3[%add3A_48] : memref<161792xi32, #tpu.memory_space<hbm>> -> memref<128xi32, #tpu.memory_space<hbm>>
        %dma_wait3A_127 = tpu.memref_slice %arg3[%add3A_48] : memref<161792xi32, #tpu.memory_space<hbm>> -> memref<128xi32, #tpu.memory_space<hbm>>
        tpu.wait_dma2 semaphore(%run_scoped3A : memref<!tpu.dma_semaphore, #tpu.memory_space<semaphore_mem>>) src(%dma_wait3A_127 : memref<128xi32, #tpu.memory_space<hbm>>) dst(%arg7 : memref<128xi32, #tpu.memory_space<vmem>>)
        tpu.yield
      }) : () -> ()
      %get3A = arith.constant 0 : index
      %get3A_49 = tpu.vector_load %arg7[%get3A] {strides = array<i32>} : memref<128xi32, #tpu.memory_space<vmem>>, vector<16xi32>,
      %get3A_50 = vector.shape_cast %get3A_49 : vector<16xi32> to vector<16xi32>
      %add3A_51 = vector.broadcast %mul3A_26 : i32 to vector<16xi32>
      %add3A_52 = arith.addi %get3A_50, %add3A_51 : vector<16xi32>
      %swap3A = arith.constant 0 : index
      %swap3A_53 = tpu.vector_load %arg8[%swap3A] {strides = array<i32>} : memref<128xi32, #tpu.memory_space<vmem>>, vector<16xi32>,
      %swap3A_54 = vector.shape_cast %swap3A_53 : vector<16xi32> to vector<16xi32>
      %swap3A_55 = vector.shape_cast %add3A_52 : vector<16xi32> to vector<16xi32>
      tpu.vector_store %arg8[%swap3A], %swap3A_55 {strides = array<i32>} : memref<128xi32, #tpu.memory_space<vmem>>, vector<16xi32>,
      %get3A_56 = arith.constant 16 : index
      %get3A_57 = tpu.vector_load %arg7[%get3A_56] {strides = array<i32>} : memref<128xi32, #tpu.memory_space<vmem>>, vector<16xi32>,
      %get3A_58 = vector.shape_cast %get3A_57 : vector<16xi32> to vector<16xi32>
      %add3A_59 = vector.broadcast %mul3A_26 : i32 to vector<16xi32>
      %add3A_60 = arith.addi %get3A_58, %add3A_59 : vector<16xi32>
      %swap3A_61 = arith.constant 16 : index
      %swap3A_62 = tpu.vector_load %arg8[%swap3A_61] {strides = array<i32>} : memref<128xi32, #tpu.memory_space<vmem>>, vector<16xi32>,
      %swap3A_63 = vector.shape_cast %swap3A_62 : vector<16xi32> to vector<16xi32>
      %swap3A_64 = vector.shape_cast %add3A_60 : vector<16xi32> to vector<16xi32>
      tpu.vector_store %arg8[%swap3A_61], %swap3A_64 {strides = array<i32>} : memref<128xi32, #tpu.memory_space<vmem>>, vector<16xi32>,
      %get3A_65 = arith.constant 32 : index
      %get3A_66 = tpu.vector_load %arg7[%get3A_65] {strides = array<i32>} : memref<128xi32, #tpu.memory_space<vmem>>, vector<16xi32>,
      %get3A_67 = vector.shape_cast %get3A_66 : vector<16xi32> to vector<16xi32>
      %add3A_68 = vector.broadcast %mul3A_26 : i32 to vector<16xi32>
      %add3A_69 = arith.addi %get3A_67, %add3A_68 : vector<16xi32>
      %swap3A_70 = arith.constant 32 : index
      %swap3A_71 = tpu.vector_load %arg8[%swap3A_70] {strides = array<i32>} : memref<128xi32, #tpu.memory_space<vmem>>, vector<16xi32>,
      %swap3A_72 = vector.shape_cast %swap3A_71 : vector<16xi32> to vector<16xi32>
      %swap3A_73 = vector.shape_cast %add3A_69 : vector<16xi32> to vector<16xi32>
      tpu.vector_store %arg8[%swap3A_70], %swap3A_73 {strides = array<i32>} : memref<128xi32, #tpu.memory_space<vmem>>, vector<16xi32>,
      %get3A_74 = arith.constant 48 : index
      %get3A_75 = tpu.vector_load %arg7[%get3A_74] {strides = array<i32>} : memref<128xi32, #tpu.memory_space<vmem>>, vector<16xi32>,
      %get3A_76 = vector.shape_cast %get3A_75 : vector<16xi32> to vector<16xi32>
      %add3A_77 = vector.broadcast %mul3A_26 : i32 to vector<16xi32>
      %add3A_78 = arith.addi %get3A_76, %add3A_77 : vector<16xi32>
      %swap3A_79 = arith.constant 48 : index
      %swap3A_80 = tpu.vector_load %arg8[%swap3A_79] {strides = array<i32>} : memref<128xi32, #tpu.memory_space<vmem>>, vector<16xi32>,
      %swap3A_81 = vector.shape_cast %swap3A_80 : vector<16xi32> to vector<16xi32>
      %swap3A_82 = vector.shape_cast %add3A_78 : vector<16xi32> to vector<16xi32>
      tpu.vector_store %arg8[%swap3A_79], %swap3A_82 {strides = array<i32>} : memref<128xi32, #tpu.memory_space<vmem>>, vector<16xi32>,
      %get3A_83 = arith.constant 64 : index
      %get3A_84 = tpu.vector_load %arg7[%get3A_83] {strides = array<i32>} : memref<128xi32, #tpu.memory_space<vmem>>, vector<16xi32>,
      %get3A_85 = vector.shape_cast %get3A_84 : vector<16xi32> to vector<16xi32>
      %add3A_86 = vector.broadcast %mul3A_26 : i32 to vector<16xi32>
      %add3A_87 = arith.addi %get3A_85, %add3A_86 : vector<16xi32>
      %swap3A_88 = arith.constant 64 : index
      %swap3A_89 = tpu.vector_load %arg8[%swap3A_88] {strides = array<i32>} : memref<128xi32, #tpu.memory_space<vmem>>, vector<16xi32>,
      %swap3A_90 = vector.shape_cast %swap3A_89 : vector<16xi32> to vector<16xi32>
      %swap3A_91 = vector.shape_cast %add3A_87 : vector<16xi32> to vector<16xi32>
      tpu.vector_store %arg8[%swap3A_88], %swap3A_91 {strides = array<i32>} : memref<128xi32, #tpu.memory_space<vmem>>, vector<16xi32>,
      %get3A_92 = arith.constant 80 : index
      %get3A_93 = tpu.vector_load %arg7[%get3A_92] {strides = array<i32>} : memref<128xi32, #tpu.memory_space<vmem>>, vector<16xi32>,
      %get3A_94 = vector.shape_cast %get3A_93 : vector<16xi32> to vector<16xi32>
      %add3A_95 = vector.broadcast %mul3A_26 : i32 to vector<16xi32>
      %add3A_96 = arith.addi %get3A_94, %add3A_95 : vector<16xi32>
      %swap3A_97 = arith.constant 80 : index
      %swap3A_98 = tpu.vector_load %arg8[%swap3A_97] {strides = array<i32>} : memref<128xi32, #tpu.memory_space<vmem>>, vector<16xi32>,
      %swap3A_99 = vector.shape_cast %swap3A_98 : vector<16xi32> to vector<16xi32>
      %swap3A_100 = vector.shape_cast %add3A_96 : vector<16xi32> to vector<16xi32>
      tpu.vector_store %arg8[%swap3A_97], %swap3A_100 {strides = array<i32>} : memref<128xi32, #tpu.memory_space<vmem>>, vector<16xi32>,
      %get3A_101 = arith.constant 96 : index
      %get3A_102 = tpu.vector_load %arg7[%get3A_101] {strides = array<i32>} : memref<128xi32, #tpu.memory_space<vmem>>, vector<16xi32>,
      %get3A_103 = vector.shape_cast %get3A_102 : vector<16xi32> to vector<16xi32>
      %add3A_104 = vector.broadcast %mul3A_26 : i32 to vector<16xi32>
      %add3A_105 = arith.addi %get3A_103, %add3A_104 : vector<16xi32>
      %swap3A_106 = arith.constant 96 : index
      %swap3A_107 = tpu.vector_load %arg8[%swap3A_106] {strides = array<i32>} : memref<128xi32, #tpu.memory_space<vmem>>, vector<16xi32>,
      %swap3A_108 = vector.shape_cast %swap3A_107 : vector<16xi32> to vector<16xi32>
      %swap3A_109 = vector.shape_cast %add3A_105 : vector<16xi32> to vector<16xi32>
      tpu.vector_store %arg8[%swap3A_106], %swap3A_109 {strides = array<i32>} : memref<128xi32, #tpu.memory_space<vmem>>, vector<16xi32>,
      %get3A_110 = arith.constant 112 : index
      %get3A_111 = tpu.vector_load %arg7[%get3A_110] {strides = array<i32>} : memref<128xi32, #tpu.memory_space<vmem>>, vector<16xi32>,
      %get3A_112 = vector.shape_cast %get3A_111 : vector<16xi32> to vector<16xi32>
      %add3A_113 = vector.broadcast %mul3A_26 : i32 to vector<16xi32>
      %add3A_114 = arith.addi %get3A_112, %add3A_113 : vector<16xi32>
      %swap3A_115 = arith.constant 112 : index
      %swap3A_116 = tpu.vector_load %arg8[%swap3A_115] {strides = array<i32>} : memref<128xi32, #tpu.memory_space<vmem>>, vector<16xi32>,
      %swap3A_117 = vector.shape_cast %swap3A_116 : vector<16xi32> to vector<16xi32>
      %swap3A_118 = vector.shape_cast %add3A_114 : vector<16xi32> to vector<16xi32>
      tpu.vector_store %arg8[%swap3A_115], %swap3A_118 {strides = array<i32>} : memref<128xi32, #tpu.memory_space<vmem>>, vector<16xi32>,
      %dma_start3A = arith.constant 0 : i32
      %dma_start3A_119 = arith.constant 0 : i32
      %dma_start3A_120 = tpu.memref_slice %arg2[%dma_start3A, %dma_start3A_119] : memref<40448x128xf32, #tpu.memory_space<hbm>> -> memref<40448x128xf32, #tpu.memory_space<hbm>>
      tpu.enqueue_indirect_dma source(%dma_start3A_120 : memref<40448x128xf32, #tpu.memory_space<hbm>>) target(%arg10 : memref<128x128xf32, #tpu.memory_space<vmem>>) offsets(%arg8 : memref<128xi32, #tpu.memory_space<vmem>>) semaphore(%arg12 : memref<!tpu.dma_semaphore, #tpu.memory_space<semaphore_mem>>)
      %dma_wait3A = arith.constant 0 : i32
      %dma_wait3A_121 = arith.constant 0 : i32
      %dma_wait3A_122 = tpu.memref_slice %arg2[%dma_wait3A, %dma_wait3A_121] : memref<40448x128xf32, #tpu.memory_space<hbm>> -> memref<40448x128xf32, #tpu.memory_space<hbm>>
      tpu.wait_indirect_dma semaphore(%arg12 : memref<!tpu.dma_semaphore, #tpu.memory_space<semaphore_mem>>) src(%dma_wait3A_122 : memref<40448x128xf32, #tpu.memory_space<hbm>>) dst(%arg10 : memref<128x128xf32, #tpu.memory_space<vmem>>)
      "tpu.region"() ({
        %run_scoped3A = tpu.sem_alloc : memref<!tpu.dma_semaphore, #tpu.memory_space<semaphore_mem>>
        %dma_start3A_124 = tpu.memref_slice %arg4[%add3A_48] : memref<161792xi32, #tpu.memory_space<hbm>> -> memref<128xi32, #tpu.memory_space<hbm>>
        %dma_start3A_125 = tpu.memref_slice %arg4[%add3A_48] : memref<161792xi32, #tpu.memory_space<hbm>> -> memref<128xi32, #tpu.memory_space<hbm>>
        tpu.enqueue_dma source(%dma_start3A_125 : memref<128xi32, #tpu.memory_space<hbm>>) target(%arg9 : memref<128xi32, #tpu.memory_space<vmem>>) target_semaphore(%run_scoped3A : memref<!tpu.dma_semaphore, #tpu.memory_space<semaphore_mem>>)
        %dma_wait3A_126 = tpu.memref_slice %arg4[%add3A_48] : memref<161792xi32, #tpu.memory_space<hbm>> -> memref<128xi32, #tpu.memory_space<hbm>>
        %dma_wait3A_127 = tpu.memref_slice %arg4[%add3A_48] : memref<161792xi32, #tpu.memory_space<hbm>> -> memref<128xi32, #tpu.memory_space<hbm>>
        tpu.wait_dma2 semaphore(%run_scoped3A : memref<!tpu.dma_semaphore, #tpu.memory_space<semaphore_mem>>) src(%dma_wait3A_127 : memref<128xi32, #tpu.memory_space<hbm>>) dst(%arg9 : memref<128xi32, #tpu.memory_space<vmem>>)
        tpu.yield
      }) : () -> ()
      "tpu.region"() ({
        %run_scoped3A = tpu.sem_alloc : memref<!tpu.dma_semaphore, #tpu.memory_space<semaphore_mem>>
        %dma_start3A_124 = arith.constant 0 : i32
        %dma_start3A_125 = arith.constant 0 : i32
        %dma_start3A_126 = tpu.memref_slice %arg11[%dma_start3A_124, %dma_start3A_125] : memref<10112x128xf32, #tpu.memory_space<vmem_shared>> -> memref<10112x128xf32, #tpu.memory_space<vmem_shared>>
        tpu.enqueue_indirect_dma source(%arg10 : memref<128x128xf32, #tpu.memory_space<vmem>>) target(%dma_start3A_126 : memref<10112x128xf32, #tpu.memory_space<vmem_shared>>) offsets(%arg9 : memref<128xi32, #tpu.memory_space<vmem>>) semaphore(%run_scoped3A : memref<!tpu.dma_semaphore, #tpu.memory_space<semaphore_mem>>) {add = true}
        %dma_wait3A_127 = arith.constant 0 : i32
        %dma_wait3A_128 = arith.constant 0 : i32
        %dma_wait3A_129 = tpu.memref_slice %arg11[%dma_wait3A_127, %dma_wait3A_128] : memref<10112x128xf32, #tpu.memory_space<vmem_shared>> -> memref<10112x128xf32, #tpu.memory_space<vmem_shared>>
        tpu.wait_indirect_dma semaphore(%run_scoped3A : memref<!tpu.dma_semaphore, #tpu.memory_space<semaphore_mem>>) src(%arg10 : memref<128x128xf32, #tpu.memory_space<vmem>>) dst(%dma_wait3A_129 : memref<10112x128xf32, #tpu.memory_space<vmem_shared>>)
        tpu.yield
      }) : () -> ()
      %scan3A_123 = arith.constant 0 : i32
      scf.yield %scan3A_123 : i32
    }
    %scan3A_36 = arith.constant 79 : i32
    %barrier3A_37 = arith.constant 0 : index
    tpu.barrier barrier_id(%barrier3A_37)
    %mul3A_38 = arith.constant 632 : i32
    %mul3A_39 = arith.muli %arg1, %mul3A_38 : i32
    %mul3A_40 = arith.constant 632 : i32
    %mul3A_41 = arith.muli %arg1, %mul3A_40 : i32
    %add3A_42 = arith.addi %mul3A_26, %mul3A_41 : i32
    "tpu.region"() ({
      %run_scoped3A = tpu.sem_alloc : memref<!tpu.dma_semaphore, #tpu.memory_space<semaphore_mem>>
      %dma_start3A = arith.constant 0 : i32
      %dma_start3A_44 = tpu.memref_slice %arg6[%add3A_42, %dma_start3A] : memref<40448x128xf32, #tpu.memory_space<hbm>> -> memref<632x128xf32, #tpu.memory_space<hbm>>
      %dma_start3A_45 = arith.constant 0 : i32
      %dma_start3A_46 = tpu.memref_slice %arg11[%mul3A_39, %dma_start3A_45] : memref<10112x128xf32, #tpu.memory_space<vmem_shared>> -> memref<632x128xf32, #tpu.memory_space<vmem_shared>>
      tpu.enqueue_dma source(%dma_start3A_46 : memref<632x128xf32, #tpu.memory_space<vmem_shared>>) target(%dma_start3A_44 : memref<632x128xf32, #tpu.memory_space<hbm>>) target_semaphore(%run_scoped3A : memref<!tpu.dma_semaphore, #tpu.memory_space<semaphore_mem>>)
      %dma_wait3A = arith.constant 0 : i32
      %dma_wait3A_47 = tpu.memref_slice %arg6[%add3A_42, %dma_wait3A] : memref<40448x128xf32, #tpu.memory_space<hbm>> -> memref<632x128xf32, #tpu.memory_space<hbm>>
      %dma_wait3A_48 = arith.constant 0 : i32
      %dma_wait3A_49 = tpu.memref_slice %arg11[%mul3A_39, %dma_wait3A_48] : memref<10112x128xf32, #tpu.memory_space<vmem_shared>> -> memref<632x128xf32, #tpu.memory_space<vmem_shared>>
      tpu.wait_dma2 semaphore(%run_scoped3A : memref<!tpu.dma_semaphore, #tpu.memory_space<semaphore_mem>>) src(%dma_wait3A_49 : memref<632x128xf32, #tpu.memory_space<vmem_shared>>) dst(%dma_wait3A_47 : memref<632x128xf32, #tpu.memory_space<hbm>>)
      tpu.yield
    }) : () -> ()
    %barrier3A_43 = arith.constant 0 : index
    tpu.barrier barrier_id(%barrier3A_43)
    return
  }
}

#map = affine_map<(d0, d1) -> (0, 0)>
#map1 = affine_map<(d0, d1) -> (0)>
module attributes {stable_mosaic.version = 14 : i64} {
  func.func @_agg_body(%arg0: i32, %arg1: i32, %arg2: memref<40448x128xf32, #tpu.memory_space<hbm>>, %arg3: memref<161792xi32, #tpu.memory_space<hbm>>, %arg4: memref<161792xi32, #tpu.memory_space<hbm>>, %arg5: memref<632x128xf32, #tpu.memory_space<hbm>>, %arg6: memref<40448x128xf32, #tpu.memory_space<hbm>>, %arg7: memref<128xi32, #tpu.memory_space<vmem>>, %arg8: memref<128xi32, #tpu.memory_space<vmem>>, %arg9: memref<128xi32, #tpu.memory_space<vmem>>, %arg10: memref<128x128xf32, #tpu.memory_space<vmem>>, %arg11: memref<10112x128xf32, #tpu.memory_space<vmem_shared>>, %arg12: memref<!tpu.dma_semaphore, #tpu.memory_space<semaphore_mem>>) attributes {dimension_semantics = [#tpu.dimension_semantics<core_parallel>, #tpu.dimension_semantics<subcore_parallel>], iteration_bounds = array<i64: 2, 16>, scalar_prefetch = 0 : i64, scratch_operands = 6 : i64, tpu.core_type = #tpu.core_type<sc_vector_subcore>, window_params = [{transform_indices = #map}, {transform_indices = #map1}, {transform_indices = #map1}, {transform_indices = #map}, {transform_indices = #map}]} {
    %mul3A = arith.constant 10112 : i32
    %mul3A_0 = arith.muli %arg1, %mul3A : i32
    %mul3A_1 = arith.constant 2 : i32
    %mul3A_2 = arith.muli %arg0, %mul3A_1 : i32
    %add3A = arith.constant 0 : i32
    %add3A_3 = arith.addi %mul3A_2, %add3A : i32
    %mul3A_4 = arith.constant 10112 : i32
    %mul3A_5 = arith.muli %add3A_3, %mul3A_4 : i32
    %mul3A_6 = arith.constant 632 : i32
    %mul3A_7 = arith.muli %arg1, %mul3A_6 : i32
    "tpu.region"() ({
      %run_scoped3A = tpu.sem_alloc : memref<!tpu.dma_semaphore, #tpu.memory_space<semaphore_mem>>
      %dma_start3A = arith.constant 0 : i32
      %dma_start3A_44 = tpu.memref_slice %arg11[%mul3A_7, %dma_start3A] : memref<10112x128xf32, #tpu.memory_space<vmem_shared>> -> memref<632x128xf32, #tpu.memory_space<vmem_shared>>
      tpu.enqueue_dma source(%arg5 : memref<632x128xf32, #tpu.memory_space<hbm>>) target(%dma_start3A_44 : memref<632x128xf32, #tpu.memory_space<vmem_shared>>) target_semaphore(%run_scoped3A : memref<!tpu.dma_semaphore, #tpu.memory_space<semaphore_mem>>)
      %dma_wait3A = arith.constant 0 : i32
      %dma_wait3A_45 = tpu.memref_slice %arg11[%mul3A_7, %dma_wait3A] : memref<10112x128xf32, #tpu.memory_space<vmem_shared>> -> memref<632x128xf32, #tpu.memory_space<vmem_shared>>
      tpu.wait_dma2 semaphore(%run_scoped3A : memref<!tpu.dma_semaphore, #tpu.memory_space<semaphore_mem>>) src(%arg5 : memref<632x128xf32, #tpu.memory_space<hbm>>) dst(%dma_wait3A_45 : memref<632x128xf32, #tpu.memory_space<vmem_shared>>)
      tpu.yield
    }) : () -> ()
    %barrier3A = arith.constant 0 : index
    tpu.barrier barrier_id(%barrier3A)
    %scan3A = arith.constant 0 : i32
    %scan3A_8 = arith.constant 0 : i32
    %scan3A_9 = arith.constant 79 : i32
    %scan3A_10 = arith.addi %scan3A_8, %scan3A_9 : i32
    %scan3A_11 = arith.constant 1 : i32
    %scan3A_12 = scf.for %scan3A_44 = %scan3A_8 to %scan3A_10 step %scan3A_11 iter_args(%scan3A_45 = %scan3A) -> (i32)  : i32 {
      %mul3A_46 = arith.constant 128 : i32
      %mul3A_47 = arith.muli %scan3A_44, %mul3A_46 : i32
      %add3A_48 = arith.addi %mul3A_0, %mul3A_47 : i32
      "tpu.region"() ({
        %run_scoped3A = tpu.sem_alloc : memref<!tpu.dma_semaphore, #tpu.memory_space<semaphore_mem>>
        %dma_start3A_124 = tpu.memref_slice %arg3[%add3A_48] : memref<161792xi32, #tpu.memory_space<hbm>> -> memref<128xi32, #tpu.memory_space<hbm>>
        %dma_start3A_125 = tpu.memref_slice %arg3[%add3A_48] : memref<161792xi32, #tpu.memory_space<hbm>> -> memref<128xi32, #tpu.memory_space<hbm>>
        tpu.enqueue_dma source(%dma_start3A_125 : memref<128xi32, #tpu.memory_space<hbm>>) target(%arg7 : memref<128xi32, #tpu.memory_space<vmem>>) target_semaphore(%run_scoped3A : memref<!tpu.dma_semaphore, #tpu.memory_space<semaphore_mem>>)
        %dma_wait3A_126 = tpu.memref_slice %arg3[%add3A_48] : memref<161792xi32, #tpu.memory_space<hbm>> -> memref<128xi32, #tpu.memory_space<hbm>>
        %dma_wait3A_127 = tpu.memref_slice %arg3[%add3A_48] : memref<161792xi32, #tpu.memory_space<hbm>> -> memref<128xi32, #tpu.memory_space<hbm>>
        tpu.wait_dma2 semaphore(%run_scoped3A : memref<!tpu.dma_semaphore, #tpu.memory_space<semaphore_mem>>) src(%dma_wait3A_127 : memref<128xi32, #tpu.memory_space<hbm>>) dst(%arg7 : memref<128xi32, #tpu.memory_space<vmem>>)
        tpu.yield
      }) : () -> ()
      %get3A = arith.constant 0 : index
      %get3A_49 = tpu.vector_load %arg7[%get3A] {strides = array<i32>} : memref<128xi32, #tpu.memory_space<vmem>>, vector<16xi32>,
      %get3A_50 = vector.shape_cast %get3A_49 : vector<16xi32> to vector<16xi32>
      %add3A_51 = vector.broadcast %mul3A_5 : i32 to vector<16xi32>
      %add3A_52 = arith.addi %get3A_50, %add3A_51 : vector<16xi32>
      %swap3A = arith.constant 0 : index
      %swap3A_53 = tpu.vector_load %arg8[%swap3A] {strides = array<i32>} : memref<128xi32, #tpu.memory_space<vmem>>, vector<16xi32>,
      %swap3A_54 = vector.shape_cast %swap3A_53 : vector<16xi32> to vector<16xi32>
      %swap3A_55 = vector.shape_cast %add3A_52 : vector<16xi32> to vector<16xi32>
      tpu.vector_store %arg8[%swap3A], %swap3A_55 {strides = array<i32>} : memref<128xi32, #tpu.memory_space<vmem>>, vector<16xi32>,
      %get3A_56 = arith.constant 16 : index
      %get3A_57 = tpu.vector_load %arg7[%get3A_56] {strides = array<i32>} : memref<128xi32, #tpu.memory_space<vmem>>, vector<16xi32>,
      %get3A_58 = vector.shape_cast %get3A_57 : vector<16xi32> to vector<16xi32>
      %add3A_59 = vector.broadcast %mul3A_5 : i32 to vector<16xi32>
      %add3A_60 = arith.addi %get3A_58, %add3A_59 : vector<16xi32>
      %swap3A_61 = arith.constant 16 : index
      %swap3A_62 = tpu.vector_load %arg8[%swap3A_61] {strides = array<i32>} : memref<128xi32, #tpu.memory_space<vmem>>, vector<16xi32>,
      %swap3A_63 = vector.shape_cast %swap3A_62 : vector<16xi32> to vector<16xi32>
      %swap3A_64 = vector.shape_cast %add3A_60 : vector<16xi32> to vector<16xi32>
      tpu.vector_store %arg8[%swap3A_61], %swap3A_64 {strides = array<i32>} : memref<128xi32, #tpu.memory_space<vmem>>, vector<16xi32>,
      %get3A_65 = arith.constant 32 : index
      %get3A_66 = tpu.vector_load %arg7[%get3A_65] {strides = array<i32>} : memref<128xi32, #tpu.memory_space<vmem>>, vector<16xi32>,
      %get3A_67 = vector.shape_cast %get3A_66 : vector<16xi32> to vector<16xi32>
      %add3A_68 = vector.broadcast %mul3A_5 : i32 to vector<16xi32>
      %add3A_69 = arith.addi %get3A_67, %add3A_68 : vector<16xi32>
      %swap3A_70 = arith.constant 32 : index
      %swap3A_71 = tpu.vector_load %arg8[%swap3A_70] {strides = array<i32>} : memref<128xi32, #tpu.memory_space<vmem>>, vector<16xi32>,
      %swap3A_72 = vector.shape_cast %swap3A_71 : vector<16xi32> to vector<16xi32>
      %swap3A_73 = vector.shape_cast %add3A_69 : vector<16xi32> to vector<16xi32>
      tpu.vector_store %arg8[%swap3A_70], %swap3A_73 {strides = array<i32>} : memref<128xi32, #tpu.memory_space<vmem>>, vector<16xi32>,
      %get3A_74 = arith.constant 48 : index
      %get3A_75 = tpu.vector_load %arg7[%get3A_74] {strides = array<i32>} : memref<128xi32, #tpu.memory_space<vmem>>, vector<16xi32>,
      %get3A_76 = vector.shape_cast %get3A_75 : vector<16xi32> to vector<16xi32>
      %add3A_77 = vector.broadcast %mul3A_5 : i32 to vector<16xi32>
      %add3A_78 = arith.addi %get3A_76, %add3A_77 : vector<16xi32>
      %swap3A_79 = arith.constant 48 : index
      %swap3A_80 = tpu.vector_load %arg8[%swap3A_79] {strides = array<i32>} : memref<128xi32, #tpu.memory_space<vmem>>, vector<16xi32>,
      %swap3A_81 = vector.shape_cast %swap3A_80 : vector<16xi32> to vector<16xi32>
      %swap3A_82 = vector.shape_cast %add3A_78 : vector<16xi32> to vector<16xi32>
      tpu.vector_store %arg8[%swap3A_79], %swap3A_82 {strides = array<i32>} : memref<128xi32, #tpu.memory_space<vmem>>, vector<16xi32>,
      %get3A_83 = arith.constant 64 : index
      %get3A_84 = tpu.vector_load %arg7[%get3A_83] {strides = array<i32>} : memref<128xi32, #tpu.memory_space<vmem>>, vector<16xi32>,
      %get3A_85 = vector.shape_cast %get3A_84 : vector<16xi32> to vector<16xi32>
      %add3A_86 = vector.broadcast %mul3A_5 : i32 to vector<16xi32>
      %add3A_87 = arith.addi %get3A_85, %add3A_86 : vector<16xi32>
      %swap3A_88 = arith.constant 64 : index
      %swap3A_89 = tpu.vector_load %arg8[%swap3A_88] {strides = array<i32>} : memref<128xi32, #tpu.memory_space<vmem>>, vector<16xi32>,
      %swap3A_90 = vector.shape_cast %swap3A_89 : vector<16xi32> to vector<16xi32>
      %swap3A_91 = vector.shape_cast %add3A_87 : vector<16xi32> to vector<16xi32>
      tpu.vector_store %arg8[%swap3A_88], %swap3A_91 {strides = array<i32>} : memref<128xi32, #tpu.memory_space<vmem>>, vector<16xi32>,
      %get3A_92 = arith.constant 80 : index
      %get3A_93 = tpu.vector_load %arg7[%get3A_92] {strides = array<i32>} : memref<128xi32, #tpu.memory_space<vmem>>, vector<16xi32>,
      %get3A_94 = vector.shape_cast %get3A_93 : vector<16xi32> to vector<16xi32>
      %add3A_95 = vector.broadcast %mul3A_5 : i32 to vector<16xi32>
      %add3A_96 = arith.addi %get3A_94, %add3A_95 : vector<16xi32>
      %swap3A_97 = arith.constant 80 : index
      %swap3A_98 = tpu.vector_load %arg8[%swap3A_97] {strides = array<i32>} : memref<128xi32, #tpu.memory_space<vmem>>, vector<16xi32>,
      %swap3A_99 = vector.shape_cast %swap3A_98 : vector<16xi32> to vector<16xi32>
      %swap3A_100 = vector.shape_cast %add3A_96 : vector<16xi32> to vector<16xi32>
      tpu.vector_store %arg8[%swap3A_97], %swap3A_100 {strides = array<i32>} : memref<128xi32, #tpu.memory_space<vmem>>, vector<16xi32>,
      %get3A_101 = arith.constant 96 : index
      %get3A_102 = tpu.vector_load %arg7[%get3A_101] {strides = array<i32>} : memref<128xi32, #tpu.memory_space<vmem>>, vector<16xi32>,
      %get3A_103 = vector.shape_cast %get3A_102 : vector<16xi32> to vector<16xi32>
      %add3A_104 = vector.broadcast %mul3A_5 : i32 to vector<16xi32>
      %add3A_105 = arith.addi %get3A_103, %add3A_104 : vector<16xi32>
      %swap3A_106 = arith.constant 96 : index
      %swap3A_107 = tpu.vector_load %arg8[%swap3A_106] {strides = array<i32>} : memref<128xi32, #tpu.memory_space<vmem>>, vector<16xi32>,
      %swap3A_108 = vector.shape_cast %swap3A_107 : vector<16xi32> to vector<16xi32>
      %swap3A_109 = vector.shape_cast %add3A_105 : vector<16xi32> to vector<16xi32>
      tpu.vector_store %arg8[%swap3A_106], %swap3A_109 {strides = array<i32>} : memref<128xi32, #tpu.memory_space<vmem>>, vector<16xi32>,
      %get3A_110 = arith.constant 112 : index
      %get3A_111 = tpu.vector_load %arg7[%get3A_110] {strides = array<i32>} : memref<128xi32, #tpu.memory_space<vmem>>, vector<16xi32>,
      %get3A_112 = vector.shape_cast %get3A_111 : vector<16xi32> to vector<16xi32>
      %add3A_113 = vector.broadcast %mul3A_5 : i32 to vector<16xi32>
      %add3A_114 = arith.addi %get3A_112, %add3A_113 : vector<16xi32>
      %swap3A_115 = arith.constant 112 : index
      %swap3A_116 = tpu.vector_load %arg8[%swap3A_115] {strides = array<i32>} : memref<128xi32, #tpu.memory_space<vmem>>, vector<16xi32>,
      %swap3A_117 = vector.shape_cast %swap3A_116 : vector<16xi32> to vector<16xi32>
      %swap3A_118 = vector.shape_cast %add3A_114 : vector<16xi32> to vector<16xi32>
      tpu.vector_store %arg8[%swap3A_115], %swap3A_118 {strides = array<i32>} : memref<128xi32, #tpu.memory_space<vmem>>, vector<16xi32>,
      %dma_start3A = arith.constant 0 : i32
      %dma_start3A_119 = arith.constant 0 : i32
      %dma_start3A_120 = tpu.memref_slice %arg2[%dma_start3A, %dma_start3A_119] : memref<40448x128xf32, #tpu.memory_space<hbm>> -> memref<40448x128xf32, #tpu.memory_space<hbm>>
      tpu.enqueue_indirect_dma source(%dma_start3A_120 : memref<40448x128xf32, #tpu.memory_space<hbm>>) target(%arg10 : memref<128x128xf32, #tpu.memory_space<vmem>>) offsets(%arg8 : memref<128xi32, #tpu.memory_space<vmem>>) semaphore(%arg12 : memref<!tpu.dma_semaphore, #tpu.memory_space<semaphore_mem>>)
      %dma_wait3A = arith.constant 0 : i32
      %dma_wait3A_121 = arith.constant 0 : i32
      %dma_wait3A_122 = tpu.memref_slice %arg2[%dma_wait3A, %dma_wait3A_121] : memref<40448x128xf32, #tpu.memory_space<hbm>> -> memref<40448x128xf32, #tpu.memory_space<hbm>>
      tpu.wait_indirect_dma semaphore(%arg12 : memref<!tpu.dma_semaphore, #tpu.memory_space<semaphore_mem>>) src(%dma_wait3A_122 : memref<40448x128xf32, #tpu.memory_space<hbm>>) dst(%arg10 : memref<128x128xf32, #tpu.memory_space<vmem>>)
      "tpu.region"() ({
        %run_scoped3A = tpu.sem_alloc : memref<!tpu.dma_semaphore, #tpu.memory_space<semaphore_mem>>
        %dma_start3A_124 = tpu.memref_slice %arg4[%add3A_48] : memref<161792xi32, #tpu.memory_space<hbm>> -> memref<128xi32, #tpu.memory_space<hbm>>
        %dma_start3A_125 = tpu.memref_slice %arg4[%add3A_48] : memref<161792xi32, #tpu.memory_space<hbm>> -> memref<128xi32, #tpu.memory_space<hbm>>
        tpu.enqueue_dma source(%dma_start3A_125 : memref<128xi32, #tpu.memory_space<hbm>>) target(%arg9 : memref<128xi32, #tpu.memory_space<vmem>>) target_semaphore(%run_scoped3A : memref<!tpu.dma_semaphore, #tpu.memory_space<semaphore_mem>>)
        %dma_wait3A_126 = tpu.memref_slice %arg4[%add3A_48] : memref<161792xi32, #tpu.memory_space<hbm>> -> memref<128xi32, #tpu.memory_space<hbm>>
        %dma_wait3A_127 = tpu.memref_slice %arg4[%add3A_48] : memref<161792xi32, #tpu.memory_space<hbm>> -> memref<128xi32, #tpu.memory_space<hbm>>
        tpu.wait_dma2 semaphore(%run_scoped3A : memref<!tpu.dma_semaphore, #tpu.memory_space<semaphore_mem>>) src(%dma_wait3A_127 : memref<128xi32, #tpu.memory_space<hbm>>) dst(%arg9 : memref<128xi32, #tpu.memory_space<vmem>>)
        tpu.yield
      }) : () -> ()
      "tpu.region"() ({
        %run_scoped3A = tpu.sem_alloc : memref<!tpu.dma_semaphore, #tpu.memory_space<semaphore_mem>>
        %dma_start3A_124 = arith.constant 0 : i32
        %dma_start3A_125 = arith.constant 0 : i32
        %dma_start3A_126 = tpu.memref_slice %arg11[%dma_start3A_124, %dma_start3A_125] : memref<10112x128xf32, #tpu.memory_space<vmem_shared>> -> memref<10112x128xf32, #tpu.memory_space<vmem_shared>>
        tpu.enqueue_indirect_dma source(%arg10 : memref<128x128xf32, #tpu.memory_space<vmem>>) target(%dma_start3A_126 : memref<10112x128xf32, #tpu.memory_space<vmem_shared>>) offsets(%arg9 : memref<128xi32, #tpu.memory_space<vmem>>) semaphore(%run_scoped3A : memref<!tpu.dma_semaphore, #tpu.memory_space<semaphore_mem>>) {add = true}
        %dma_wait3A_127 = arith.constant 0 : i32
        %dma_wait3A_128 = arith.constant 0 : i32
        %dma_wait3A_129 = tpu.memref_slice %arg11[%dma_wait3A_127, %dma_wait3A_128] : memref<10112x128xf32, #tpu.memory_space<vmem_shared>> -> memref<10112x128xf32, #tpu.memory_space<vmem_shared>>
        tpu.wait_indirect_dma semaphore(%run_scoped3A : memref<!tpu.dma_semaphore, #tpu.memory_space<semaphore_mem>>) src(%arg10 : memref<128x128xf32, #tpu.memory_space<vmem>>) dst(%dma_wait3A_129 : memref<10112x128xf32, #tpu.memory_space<vmem_shared>>)
        tpu.yield
      }) : () -> ()
      %scan3A_123 = arith.constant 0 : i32
      scf.yield %scan3A_123 : i32
    }
    %scan3A_13 = arith.constant 79 : i32
    %barrier3A_14 = arith.constant 0 : index
    tpu.barrier barrier_id(%barrier3A_14)
    %mul3A_15 = arith.constant 632 : i32
    %mul3A_16 = arith.muli %arg1, %mul3A_15 : i32
    %mul3A_17 = arith.constant 632 : i32
    %mul3A_18 = arith.muli %arg1, %mul3A_17 : i32
    %add3A_19 = arith.addi %mul3A_5, %mul3A_18 : i32
    "tpu.region"() ({
      %run_scoped3A = tpu.sem_alloc : memref<!tpu.dma_semaphore, #tpu.memory_space<semaphore_mem>>
      %dma_start3A = arith.constant 0 : i32
      %dma_start3A_44 = tpu.memref_slice %arg6[%add3A_19, %dma_start3A] : memref<40448x128xf32, #tpu.memory_space<hbm>> -> memref<632x128xf32, #tpu.memory_space<hbm>>
      %dma_start3A_45 = arith.constant 0 : i32
      %dma_start3A_46 = tpu.memref_slice %arg11[%mul3A_16, %dma_start3A_45] : memref<10112x128xf32, #tpu.memory_space<vmem_shared>> -> memref<632x128xf32, #tpu.memory_space<vmem_shared>>
      tpu.enqueue_dma source(%dma_start3A_46 : memref<632x128xf32, #tpu.memory_space<vmem_shared>>) target(%dma_start3A_44 : memref<632x128xf32, #tpu.memory_space<hbm>>) target_semaphore(%run_scoped3A : memref<!tpu.dma_semaphore, #tpu.memory_space<semaphore_mem>>)
      %dma_wait3A = arith.constant 0 : i32
      %dma_wait3A_47 = tpu.memref_slice %arg6[%add3A_19, %dma_wait3A] : memref<40448x128xf32, #tpu.memory_space<hbm>> -> memref<632x128xf32, #tpu.memory_space<hbm>>
      %dma_wait3A_48 = arith.constant 0 : i32
      %dma_wait3A_49 = tpu.memref_slice %arg11[%mul3A_16, %dma_wait3A_48] : memref<10112x128xf32, #tpu.memory_space<vmem_shared>> -> memref<632x128xf32, #tpu.memory_space<vmem_shared>>
      tpu.wait_dma2 semaphore(%run_scoped3A : memref<!tpu.dma_semaphore, #tpu.memory_space<semaphore_mem>>) src(%dma_wait3A_49 : memref<632x128xf32, #tpu.memory_space<vmem_shared>>) dst(%dma_wait3A_47 : memref<632x128xf32, #tpu.memory_space<hbm>>)
      tpu.yield
    }) : () -> ()
    %barrier3A_20 = arith.constant 0 : index
    tpu.barrier barrier_id(%barrier3A_20)
    %mul3A_21 = arith.constant 2 : i32
    %mul3A_22 = arith.muli %arg0, %mul3A_21 : i32
    %add3A_23 = arith.constant 1 : i32
    %add3A_24 = arith.addi %mul3A_22, %add3A_23 : i32
    %mul3A_25 = arith.constant 10112 : i32
    %mul3A_26 = arith.muli %add3A_24, %mul3A_25 : i32
    %mul3A_27 = arith.constant 632 : i32
    %mul3A_28 = arith.muli %arg1, %mul3A_27 : i32
    "tpu.region"() ({
      %run_scoped3A = tpu.sem_alloc : memref<!tpu.dma_semaphore, #tpu.memory_space<semaphore_mem>>
      %dma_start3A = arith.constant 0 : i32
      %dma_start3A_44 = tpu.memref_slice %arg11[%mul3A_28, %dma_start3A] : memref<10112x128xf32, #tpu.memory_space<vmem_shared>> -> memref<632x128xf32, #tpu.memory_space<vmem_shared>>
      tpu.enqueue_dma source(%arg5 : memref<632x128xf32, #tpu.memory_space<hbm>>) target(%dma_start3A_44 : memref<632x128xf32, #tpu.memory_space<vmem_shared>>) target_semaphore(%run_scoped3A : memref<!tpu.dma_semaphore, #tpu.memory_space<semaphore_mem>>)
      %dma_wait3A = arith.constant 0 : i32
      %dma_wait3A_45 = tpu.memref_slice %arg11[%mul3A_28, %dma_wait3A] : memref<10112x128xf32, #tpu.memory_space<vmem_shared>> -> memref<632x128xf32, #tpu.memory_space<vmem_shared>>
      tpu.wait_dma2 semaphore(%run_scoped3A : memref<!tpu.dma_semaphore, #tpu.memory_space<semaphore_mem>>) src(%arg5 : memref<632x128xf32, #tpu.memory_space<hbm>>) dst(%dma_wait3A_45 : memref<632x128xf32, #tpu.memory_space<vmem_shared>>)
      tpu.yield
    }) : () -> ()
    %barrier3A_29 = arith.constant 0 : index
    tpu.barrier barrier_id(%barrier3A_29)
    %scan3A_30 = arith.constant 0 : i32
    %scan3A_31 = arith.constant 0 : i32
    %scan3A_32 = arith.constant 79 : i32
    %scan3A_33 = arith.addi %scan3A_31, %scan3A_32 : i32
    %scan3A_34 = arith.constant 1 : i32
    %scan3A_35 = scf.for %scan3A_44 = %scan3A_31 to %scan3A_33 step %scan3A_34 iter_args(%scan3A_45 = %scan3A_30) -> (i32)  : i32 {
      %mul3A_46 = arith.constant 128 : i32
      %mul3A_47 = arith.muli %scan3A_44, %mul3A_46 : i32
      %add3A_48 = arith.addi %mul3A_0, %mul3A_47 : i32
      "tpu.region"() ({
        %run_scoped3A = tpu.sem_alloc : memref<!tpu.dma_semaphore, #tpu.memory_space<semaphore_mem>>
        %dma_start3A_124 = tpu.memref_slice %arg3[%add3A_48] : memref<161792xi32, #tpu.memory_space<hbm>> -> memref<128xi32, #tpu.memory_space<hbm>>
        %dma_start3A_125 = tpu.memref_slice %arg3[%add3A_48] : memref<161792xi32, #tpu.memory_space<hbm>> -> memref<128xi32, #tpu.memory_space<hbm>>
        tpu.enqueue_dma source(%dma_start3A_125 : memref<128xi32, #tpu.memory_space<hbm>>) target(%arg7 : memref<128xi32, #tpu.memory_space<vmem>>) target_semaphore(%run_scoped3A : memref<!tpu.dma_semaphore, #tpu.memory_space<semaphore_mem>>)
        %dma_wait3A_126 = tpu.memref_slice %arg3[%add3A_48] : memref<161792xi32, #tpu.memory_space<hbm>> -> memref<128xi32, #tpu.memory_space<hbm>>
        %dma_wait3A_127 = tpu.memref_slice %arg3[%add3A_48] : memref<161792xi32, #tpu.memory_space<hbm>> -> memref<128xi32, #tpu.memory_space<hbm>>
        tpu.wait_dma2 semaphore(%run_scoped3A : memref<!tpu.dma_semaphore, #tpu.memory_space<semaphore_mem>>) src(%dma_wait3A_127 : memref<128xi32, #tpu.memory_space<hbm>>) dst(%arg7 : memref<128xi32, #tpu.memory_space<vmem>>)
        tpu.yield
      }) : () -> ()
      %get3A = arith.constant 0 : index
      %get3A_49 = tpu.vector_load %arg7[%get3A] {strides = array<i32>} : memref<128xi32, #tpu.memory_space<vmem>>, vector<16xi32>,
      %get3A_50 = vector.shape_cast %get3A_49 : vector<16xi32> to vector<16xi32>
      %add3A_51 = vector.broadcast %mul3A_26 : i32 to vector<16xi32>
      %add3A_52 = arith.addi %get3A_50, %add3A_51 : vector<16xi32>
      %swap3A = arith.constant 0 : index
      %swap3A_53 = tpu.vector_load %arg8[%swap3A] {strides = array<i32>} : memref<128xi32, #tpu.memory_space<vmem>>, vector<16xi32>,
      %swap3A_54 = vector.shape_cast %swap3A_53 : vector<16xi32> to vector<16xi32>
      %swap3A_55 = vector.shape_cast %add3A_52 : vector<16xi32> to vector<16xi32>
      tpu.vector_store %arg8[%swap3A], %swap3A_55 {strides = array<i32>} : memref<128xi32, #tpu.memory_space<vmem>>, vector<16xi32>,
      %get3A_56 = arith.constant 16 : index
      %get3A_57 = tpu.vector_load %arg7[%get3A_56] {strides = array<i32>} : memref<128xi32, #tpu.memory_space<vmem>>, vector<16xi32>,
      %get3A_58 = vector.shape_cast %get3A_57 : vector<16xi32> to vector<16xi32>
      %add3A_59 = vector.broadcast %mul3A_26 : i32 to vector<16xi32>
      %add3A_60 = arith.addi %get3A_58, %add3A_59 : vector<16xi32>
      %swap3A_61 = arith.constant 16 : index
      %swap3A_62 = tpu.vector_load %arg8[%swap3A_61] {strides = array<i32>} : memref<128xi32, #tpu.memory_space<vmem>>, vector<16xi32>,
      %swap3A_63 = vector.shape_cast %swap3A_62 : vector<16xi32> to vector<16xi32>
      %swap3A_64 = vector.shape_cast %add3A_60 : vector<16xi32> to vector<16xi32>
      tpu.vector_store %arg8[%swap3A_61], %swap3A_64 {strides = array<i32>} : memref<128xi32, #tpu.memory_space<vmem>>, vector<16xi32>,
      %get3A_65 = arith.constant 32 : index
      %get3A_66 = tpu.vector_load %arg7[%get3A_65] {strides = array<i32>} : memref<128xi32, #tpu.memory_space<vmem>>, vector<16xi32>,
      %get3A_67 = vector.shape_cast %get3A_66 : vector<16xi32> to vector<16xi32>
      %add3A_68 = vector.broadcast %mul3A_26 : i32 to vector<16xi32>
      %add3A_69 = arith.addi %get3A_67, %add3A_68 : vector<16xi32>
      %swap3A_70 = arith.constant 32 : index
      %swap3A_71 = tpu.vector_load %arg8[%swap3A_70] {strides = array<i32>} : memref<128xi32, #tpu.memory_space<vmem>>, vector<16xi32>,
      %swap3A_72 = vector.shape_cast %swap3A_71 : vector<16xi32> to vector<16xi32>
      %swap3A_73 = vector.shape_cast %add3A_69 : vector<16xi32> to vector<16xi32>
      tpu.vector_store %arg8[%swap3A_70], %swap3A_73 {strides = array<i32>} : memref<128xi32, #tpu.memory_space<vmem>>, vector<16xi32>,
      %get3A_74 = arith.constant 48 : index
      %get3A_75 = tpu.vector_load %arg7[%get3A_74] {strides = array<i32>} : memref<128xi32, #tpu.memory_space<vmem>>, vector<16xi32>,
      %get3A_76 = vector.shape_cast %get3A_75 : vector<16xi32> to vector<16xi32>
      %add3A_77 = vector.broadcast %mul3A_26 : i32 to vector<16xi32>
      %add3A_78 = arith.addi %get3A_76, %add3A_77 : vector<16xi32>
      %swap3A_79 = arith.constant 48 : index
      %swap3A_80 = tpu.vector_load %arg8[%swap3A_79] {strides = array<i32>} : memref<128xi32, #tpu.memory_space<vmem>>, vector<16xi32>,
      %swap3A_81 = vector.shape_cast %swap3A_80 : vector<16xi32> to vector<16xi32>
      %swap3A_82 = vector.shape_cast %add3A_78 : vector<16xi32> to vector<16xi32>
      tpu.vector_store %arg8[%swap3A_79], %swap3A_82 {strides = array<i32>} : memref<128xi32, #tpu.memory_space<vmem>>, vector<16xi32>,
      %get3A_83 = arith.constant 64 : index
      %get3A_84 = tpu.vector_load %arg7[%get3A_83] {strides = array<i32>} : memref<128xi32, #tpu.memory_space<vmem>>, vector<16xi32>,
      %get3A_85 = vector.shape_cast %get3A_84 : vector<16xi32> to vector<16xi32>
      %add3A_86 = vector.broadcast %mul3A_26 : i32 to vector<16xi32>
      %add3A_87 = arith.addi %get3A_85, %add3A_86 : vector<16xi32>
      %swap3A_88 = arith.constant 64 : index
      %swap3A_89 = tpu.vector_load %arg8[%swap3A_88] {strides = array<i32>} : memref<128xi32, #tpu.memory_space<vmem>>, vector<16xi32>,
      %swap3A_90 = vector.shape_cast %swap3A_89 : vector<16xi32> to vector<16xi32>
      %swap3A_91 = vector.shape_cast %add3A_87 : vector<16xi32> to vector<16xi32>
      tpu.vector_store %arg8[%swap3A_88], %swap3A_91 {strides = array<i32>} : memref<128xi32, #tpu.memory_space<vmem>>, vector<16xi32>,
      %get3A_92 = arith.constant 80 : index
      %get3A_93 = tpu.vector_load %arg7[%get3A_92] {strides = array<i32>} : memref<128xi32, #tpu.memory_space<vmem>>, vector<16xi32>,
      %get3A_94 = vector.shape_cast %get3A_93 : vector<16xi32> to vector<16xi32>
      %add3A_95 = vector.broadcast %mul3A_26 : i32 to vector<16xi32>
      %add3A_96 = arith.addi %get3A_94, %add3A_95 : vector<16xi32>
      %swap3A_97 = arith.constant 80 : index
      %swap3A_98 = tpu.vector_load %arg8[%swap3A_97] {strides = array<i32>} : memref<128xi32, #tpu.memory_space<vmem>>, vector<16xi32>,
      %swap3A_99 = vector.shape_cast %swap3A_98 : vector<16xi32> to vector<16xi32>
      %swap3A_100 = vector.shape_cast %add3A_96 : vector<16xi32> to vector<16xi32>
      tpu.vector_store %arg8[%swap3A_97], %swap3A_100 {strides = array<i32>} : memref<128xi32, #tpu.memory_space<vmem>>, vector<16xi32>,
      %get3A_101 = arith.constant 96 : index
      %get3A_102 = tpu.vector_load %arg7[%get3A_101] {strides = array<i32>} : memref<128xi32, #tpu.memory_space<vmem>>, vector<16xi32>,
      %get3A_103 = vector.shape_cast %get3A_102 : vector<16xi32> to vector<16xi32>
      %add3A_104 = vector.broadcast %mul3A_26 : i32 to vector<16xi32>
      %add3A_105 = arith.addi %get3A_103, %add3A_104 : vector<16xi32>
      %swap3A_106 = arith.constant 96 : index
      %swap3A_107 = tpu.vector_load %arg8[%swap3A_106] {strides = array<i32>} : memref<128xi32, #tpu.memory_space<vmem>>, vector<16xi32>,
      %swap3A_108 = vector.shape_cast %swap3A_107 : vector<16xi32> to vector<16xi32>
      %swap3A_109 = vector.shape_cast %add3A_105 : vector<16xi32> to vector<16xi32>
      tpu.vector_store %arg8[%swap3A_106], %swap3A_109 {strides = array<i32>} : memref<128xi32, #tpu.memory_space<vmem>>, vector<16xi32>,
      %get3A_110 = arith.constant 112 : index
      %get3A_111 = tpu.vector_load %arg7[%get3A_110] {strides = array<i32>} : memref<128xi32, #tpu.memory_space<vmem>>, vector<16xi32>,
      %get3A_112 = vector.shape_cast %get3A_111 : vector<16xi32> to vector<16xi32>
      %add3A_113 = vector.broadcast %mul3A_26 : i32 to vector<16xi32>
      %add3A_114 = arith.addi %get3A_112, %add3A_113 : vector<16xi32>
      %swap3A_115 = arith.constant 112 : index
      %swap3A_116 = tpu.vector_load %arg8[%swap3A_115] {strides = array<i32>} : memref<128xi32, #tpu.memory_space<vmem>>, vector<16xi32>,
      %swap3A_117 = vector.shape_cast %swap3A_116 : vector<16xi32> to vector<16xi32>
      %swap3A_118 = vector.shape_cast %add3A_114 : vector<16xi32> to vector<16xi32>
      tpu.vector_store %arg8[%swap3A_115], %swap3A_118 {strides = array<i32>} : memref<128xi32, #tpu.memory_space<vmem>>, vector<16xi32>,
      %dma_start3A = arith.constant 0 : i32
      %dma_start3A_119 = arith.constant 0 : i32
      %dma_start3A_120 = tpu.memref_slice %arg2[%dma_start3A, %dma_start3A_119] : memref<40448x128xf32, #tpu.memory_space<hbm>> -> memref<40448x128xf32, #tpu.memory_space<hbm>>
      tpu.enqueue_indirect_dma source(%dma_start3A_120 : memref<40448x128xf32, #tpu.memory_space<hbm>>) target(%arg10 : memref<128x128xf32, #tpu.memory_space<vmem>>) offsets(%arg8 : memref<128xi32, #tpu.memory_space<vmem>>) semaphore(%arg12 : memref<!tpu.dma_semaphore, #tpu.memory_space<semaphore_mem>>)
      %dma_wait3A = arith.constant 0 : i32
      %dma_wait3A_121 = arith.constant 0 : i32
      %dma_wait3A_122 = tpu.memref_slice %arg2[%dma_wait3A, %dma_wait3A_121] : memref<40448x128xf32, #tpu.memory_space<hbm>> -> memref<40448x128xf32, #tpu.memory_space<hbm>>
      tpu.wait_indirect_dma semaphore(%arg12 : memref<!tpu.dma_semaphore, #tpu.memory_space<semaphore_mem>>) src(%dma_wait3A_122 : memref<40448x128xf32, #tpu.memory_space<hbm>>) dst(%arg10 : memref<128x128xf32, #tpu.memory_space<vmem>>)
      "tpu.region"() ({
        %run_scoped3A = tpu.sem_alloc : memref<!tpu.dma_semaphore, #tpu.memory_space<semaphore_mem>>
        %dma_start3A_124 = tpu.memref_slice %arg4[%add3A_48] : memref<161792xi32, #tpu.memory_space<hbm>> -> memref<128xi32, #tpu.memory_space<hbm>>
        %dma_start3A_125 = tpu.memref_slice %arg4[%add3A_48] : memref<161792xi32, #tpu.memory_space<hbm>> -> memref<128xi32, #tpu.memory_space<hbm>>
        tpu.enqueue_dma source(%dma_start3A_125 : memref<128xi32, #tpu.memory_space<hbm>>) target(%arg9 : memref<128xi32, #tpu.memory_space<vmem>>) target_semaphore(%run_scoped3A : memref<!tpu.dma_semaphore, #tpu.memory_space<semaphore_mem>>)
        %dma_wait3A_126 = tpu.memref_slice %arg4[%add3A_48] : memref<161792xi32, #tpu.memory_space<hbm>> -> memref<128xi32, #tpu.memory_space<hbm>>
        %dma_wait3A_127 = tpu.memref_slice %arg4[%add3A_48] : memref<161792xi32, #tpu.memory_space<hbm>> -> memref<128xi32, #tpu.memory_space<hbm>>
        tpu.wait_dma2 semaphore(%run_scoped3A : memref<!tpu.dma_semaphore, #tpu.memory_space<semaphore_mem>>) src(%dma_wait3A_127 : memref<128xi32, #tpu.memory_space<hbm>>) dst(%arg9 : memref<128xi32, #tpu.memory_space<vmem>>)
        tpu.yield
      }) : () -> ()
      "tpu.region"() ({
        %run_scoped3A = tpu.sem_alloc : memref<!tpu.dma_semaphore, #tpu.memory_space<semaphore_mem>>
        %dma_start3A_124 = arith.constant 0 : i32
        %dma_start3A_125 = arith.constant 0 : i32
        %dma_start3A_126 = tpu.memref_slice %arg11[%dma_start3A_124, %dma_start3A_125] : memref<10112x128xf32, #tpu.memory_space<vmem_shared>> -> memref<10112x128xf32, #tpu.memory_space<vmem_shared>>
        tpu.enqueue_indirect_dma source(%arg10 : memref<128x128xf32, #tpu.memory_space<vmem>>) target(%dma_start3A_126 : memref<10112x128xf32, #tpu.memory_space<vmem_shared>>) offsets(%arg9 : memref<128xi32, #tpu.memory_space<vmem>>) semaphore(%run_scoped3A : memref<!tpu.dma_semaphore, #tpu.memory_space<semaphore_mem>>) {add = true}
        %dma_wait3A_127 = arith.constant 0 : i32
        %dma_wait3A_128 = arith.constant 0 : i32
        %dma_wait3A_129 = tpu.memref_slice %arg11[%dma_wait3A_127, %dma_wait3A_128] : memref<10112x128xf32, #tpu.memory_space<vmem_shared>> -> memref<10112x128xf32, #tpu.memory_space<vmem_shared>>
        tpu.wait_indirect_dma semaphore(%run_scoped3A : memref<!tpu.dma_semaphore, #tpu.memory_space<semaphore_mem>>) src(%arg10 : memref<128x128xf32, #tpu.memory_space<vmem>>) dst(%dma_wait3A_129 : memref<10112x128xf32, #tpu.memory_space<vmem_shared>>)
        tpu.yield
      }) : () -> ()
      %scan3A_123 = arith.constant 0 : i32
      scf.yield %scan3A_123 : i32
    }
    %scan3A_36 = arith.constant 79 : i32
    %barrier3A_37 = arith.constant 0 : index
    tpu.barrier barrier_id(%barrier3A_37)
    %mul3A_38 = arith.constant 632 : i32
    %mul3A_39 = arith.muli %arg1, %mul3A_38 : i32
    %mul3A_40 = arith.constant 632 : i32
    %mul3A_41 = arith.muli %arg1, %mul3A_40 : i32
    %add3A_42 = arith.addi %mul3A_26, %mul3A_41 : i32
    "tpu.region"() ({
      %run_scoped3A = tpu.sem_alloc : memref<!tpu.dma_semaphore, #tpu.memory_space<semaphore_mem>>
      %dma_start3A = arith.constant 0 : i32
      %dma_start3A_44 = tpu.memref_slice %arg6[%add3A_42, %dma_start3A] : memref<40448x128xf32, #tpu.memory_space<hbm>> -> memref<632x128xf32, #tpu.memory_space<hbm>>
      %dma_start3A_45 = arith.constant 0 : i32
      %dma_start3A_46 = tpu.memref_slice %arg11[%mul3A_39, %dma_start3A_45] : memref<10112x128xf32, #tpu.memory_space<vmem_shared>> -> memref<632x128xf32, #tpu.memory_space<vmem_shared>>
      tpu.enqueue_dma source(%dma_start3A_46 : memref<632x128xf32, #tpu.memory_space<vmem_shared>>) target(%dma_start3A_44 : memref<632x128xf32, #tpu.memory_space<hbm>>) target_semaphore(%run_scoped3A : memref<!tpu.dma_semaphore, #tpu.memory_space<semaphore_mem>>)
      %dma_wait3A = arith.constant 0 : i32
      %dma_wait3A_47 = tpu.memref_slice %arg6[%add3A_42, %dma_wait3A] : memref<40448x128xf32, #tpu.memory_space<hbm>> -> memref<632x128xf32, #tpu.memory_space<hbm>>
      %dma_wait3A_48 = arith.constant 0 : i32
      %dma_wait3A_49 = tpu.memref_slice %arg11[%mul3A_39, %dma_wait3A_48] : memref<10112x128xf32, #tpu.memory_space<vmem_shared>> -> memref<632x128xf32, #tpu.memory_space<vmem_shared>>
      tpu.wait_dma2 semaphore(%run_scoped3A : memref<!tpu.dma_semaphore, #tpu.memory_space<semaphore_mem>>) src(%dma_wait3A_49 : memref<632x128xf32, #tpu.memory_space<vmem_shared>>) dst(%dma_wait3A_47 : memref<632x128xf32, #tpu.memory_space<hbm>>)
      tpu.yield
    }) : () -> ()
    %barrier3A_43 = arith.constant 0 : index
    tpu.barrier barrier_id(%barrier3A_43)
    return
  }
}

module attributes {stable_mosaic.version = 14 : i64} {
  func.func @_fc_body(%arg0: i32, %arg1: memref<632x256xf32, #tpu.memory_space<vmem>>, %arg2: memref<256x512xf32, #tpu.memory_space<vmem>>, %arg3: memref<1x512xf32, #tpu.memory_space<vmem>>, %arg4: memref<4x632x128xf32, #tpu.memory_space<vmem>>) attributes {dimension_semantics = [#tpu.dimension_semantics<arbitrary>], iteration_bounds = array<i64: 16>, scalar_prefetch = 0 : i64, scratch_operands = 0 : i64, tpu.core_type = #tpu.core_type<tc>, window_params = [{transform_indices = @transform_0, window_bounds = array<i64: 632, 256>}, {pipeline_mode = #tpu.pipeline_mode<synchronous>, transform_indices = @transform_1, window_bounds = array<i64: 256, 512>}, {pipeline_mode = #tpu.pipeline_mode<synchronous>, transform_indices = @transform_2, window_bounds = array<i64: 1, 512>}, {transform_indices = @transform_3, window_bounds = array<i64: 4, 632, 128>}]} {
    %get3A = arith.constant 0 : index
    %get3A_0 = arith.constant 0 : index
    %get3A_1 = vector.load %arg1[%get3A, %get3A_0] : memref<632x256xf32, #tpu.memory_space<vmem>>, vector<632x256xf32>
    %get3A_2 = arith.constant 0 : index
    %get3A_3 = arith.constant 0 : index
    %get3A_4 = vector.load %arg2[%get3A_2, %get3A_3] : memref<256x512xf32, #tpu.memory_space<vmem>>, vector<256x512xf32>
    %dot_general3A = arith.constant dense<0.000000e+00> : vector<632x512xf32>
    %dot_general3A_5 = tpu.matmul %get3A_1, %get3A_4, %dot_general3A {dimension_numbers = #tpu.dot_dimension_numbers<[1], [0], [0], [1], [0, 0, 1, 1], [], []>, transpose_lhs_hint = false} : vector<632x256xf32>, vector<256x512xf32>, vector<632x512xf32> -> vector<632x512xf32>
    %get3A_6 = arith.constant 0 : index
    %get3A_7 = arith.constant 0 : index
    %get3A_8 = vector.load %arg3[%get3A_6, %get3A_7] : memref<1x512xf32, #tpu.memory_space<vmem>>, vector<1x512xf32>
    %add3A = vector.broadcast %get3A_8 : vector<1x512xf32> to vector<632x512xf32>
    %add3A_9 = arith.addf %dot_general3A_5, %add3A : vector<632x512xf32>
    %max3A = arith.constant 0.000000e+00 : f32
    %max3A_10 = vector.broadcast %max3A : f32 to vector<632x512xf32>
    %max3A_11 = arith.maximumf %add3A_9, %max3A_10 : vector<632x512xf32>
    %slice3A = vector.extract_strided_slice %max3A_11 {offsets = [0, 0], sizes = [632, 128], strides = [1, 1]} : vector<632x512xf32> to vector<632x128xf32>
    %swap3A = arith.constant 0 : index
    %swap3A_12 = arith.constant 0 : index
    %swap3A_13 = arith.constant 0 : index
    %swap3A_14 = vector.load %arg4[%swap3A, %swap3A_12, %swap3A_13] : memref<4x632x128xf32, #tpu.memory_space<vmem>>, vector<1x632x128xf32>
    %swap3A_15 = vector.shape_cast %swap3A_14 : vector<1x632x128xf32> to vector<632x128xf32>
    %swap3A_16 = vector.shape_cast %slice3A : vector<632x128xf32> to vector<1x632x128xf32>
    tpu.vector_store %arg4[%swap3A, %swap3A_12, %swap3A_13], %swap3A_16 {strides = array<i32>} : memref<4x632x128xf32, #tpu.memory_space<vmem>>, vector<1x632x128xf32>,
    %slice3A_17 = vector.extract_strided_slice %max3A_11 {offsets = [0, 128], sizes = [632, 128], strides = [1, 1]} : vector<632x512xf32> to vector<632x128xf32>
    %swap3A_18 = arith.constant 1 : index
    %swap3A_19 = arith.constant 0 : index
    %swap3A_20 = arith.constant 0 : index
    %swap3A_21 = vector.load %arg4[%swap3A_18, %swap3A_19, %swap3A_20] : memref<4x632x128xf32, #tpu.memory_space<vmem>>, vector<1x632x128xf32>
    %swap3A_22 = vector.shape_cast %swap3A_21 : vector<1x632x128xf32> to vector<632x128xf32>
    %swap3A_23 = vector.shape_cast %slice3A_17 : vector<632x128xf32> to vector<1x632x128xf32>
    tpu.vector_store %arg4[%swap3A_18, %swap3A_19, %swap3A_20], %swap3A_23 {strides = array<i32>} : memref<4x632x128xf32, #tpu.memory_space<vmem>>, vector<1x632x128xf32>,
    %slice3A_24 = vector.extract_strided_slice %max3A_11 {offsets = [0, 256], sizes = [632, 128], strides = [1, 1]} : vector<632x512xf32> to vector<632x128xf32>
    %swap3A_25 = arith.constant 2 : index
    %swap3A_26 = arith.constant 0 : index
    %swap3A_27 = arith.constant 0 : index
    %swap3A_28 = vector.load %arg4[%swap3A_25, %swap3A_26, %swap3A_27] : memref<4x632x128xf32, #tpu.memory_space<vmem>>, vector<1x632x128xf32>
    %swap3A_29 = vector.shape_cast %swap3A_28 : vector<1x632x128xf32> to vector<632x128xf32>
    %swap3A_30 = vector.shape_cast %slice3A_24 : vector<632x128xf32> to vector<1x632x128xf32>
    tpu.vector_store %arg4[%swap3A_25, %swap3A_26, %swap3A_27], %swap3A_30 {strides = array<i32>} : memref<4x632x128xf32, #tpu.memory_space<vmem>>, vector<1x632x128xf32>,
    %slice3A_31 = vector.extract_strided_slice %max3A_11 {offsets = [0, 384], sizes = [632, 128], strides = [1, 1]} : vector<632x512xf32> to vector<632x128xf32>
    %swap3A_32 = arith.constant 3 : index
    %swap3A_33 = arith.constant 0 : index
    %swap3A_34 = arith.constant 0 : index
    %swap3A_35 = vector.load %arg4[%swap3A_32, %swap3A_33, %swap3A_34] : memref<4x632x128xf32, #tpu.memory_space<vmem>>, vector<1x632x128xf32>
    %swap3A_36 = vector.shape_cast %swap3A_35 : vector<1x632x128xf32> to vector<632x128xf32>
    %swap3A_37 = vector.shape_cast %slice3A_31 : vector<632x128xf32> to vector<1x632x128xf32>
    tpu.vector_store %arg4[%swap3A_32, %swap3A_33, %swap3A_34], %swap3A_37 {strides = array<i32>} : memref<4x632x128xf32, #tpu.memory_space<vmem>>, vector<1x632x128xf32>,
    return
  }
  func.func @transform_0(%arg0: i32) -> (i32, i32) {
    %c0_i32 = arith.constant 0 : i32
    %c0_i32_0 = arith.constant 0 : i32
    return %arg0, %c0_i32 : i32, i32
  }
  func.func @transform_1(%arg0: i32) -> (i32, i32) {
    %c0_i32 = arith.constant 0 : i32
    %c0_i32_0 = arith.constant 0 : i32
    %c0_i32_1 = arith.constant 0 : i32
    return %c0_i32, %c0_i32_0 : i32, i32
  }
  func.func @transform_2(%arg0: i32) -> (i32, i32) {
    %c0_i32 = arith.constant 0 : i32
    %c0_i32_0 = arith.constant 0 : i32
    %c0_i32_1 = arith.constant 0 : i32
    return %c0_i32, %c0_i32_0 : i32, i32
  }
  func.func @transform_3(%arg0: i32) -> (i32, i32, i32) {
    %c0_i32 = arith.constant 0 : i32
    %c0_i32_0 = arith.constant 0 : i32
    %c0_i32_1 = arith.constant 0 : i32
    return %c0_i32, %arg0, %c0_i32_0 : i32, i32, i32
  }
}

module attributes {stable_mosaic.version = 14 : i64} {
  func.func @_gin_body(%arg0: i32, %arg1: memref<1x1xf32, #tpu.memory_space<smem>>, %arg2: memref<4x632x128xf32, #tpu.memory_space<vmem>>, %arg3: memref<4x632x128xf32, #tpu.memory_space<vmem>>, %arg4: memref<632x1xf32, #tpu.memory_space<vmem>>, %arg5: memref<512x512xf32, #tpu.memory_space<vmem>>, %arg6: memref<1x512xf32, #tpu.memory_space<vmem>>, %arg7: memref<4x632x128xf32, #tpu.memory_space<vmem>>) attributes {dimension_semantics = [#tpu.dimension_semantics<arbitrary>], iteration_bounds = array<i64: 16>, scalar_prefetch = 0 : i64, scratch_operands = 0 : i64, tpu.core_type = #tpu.core_type<tc>, window_params = [{transform_indices = @transform_0, window_bounds = array<i64: 1, 1>}, {transform_indices = @transform_1, window_bounds = array<i64: 4, 632, 128>}, {transform_indices = @transform_2, window_bounds = array<i64: 4, 632, 128>}, {transform_indices = @transform_3, window_bounds = array<i64: 632, 1>}, {pipeline_mode = #tpu.pipeline_mode<synchronous>, transform_indices = @transform_4, window_bounds = array<i64: 512, 512>}, {pipeline_mode = #tpu.pipeline_mode<synchronous>, transform_indices = @transform_5, window_bounds = array<i64: 1, 512>}, {transform_indices = @transform_6, window_bounds = array<i64: 4, 632, 128>}]} {
    %get3A = arith.constant 0 : index
    %get3A_0 = arith.constant 0 : index
    %get3A_1 = memref.load %arg1[%get3A, %get3A_0] : memref<1x1xf32, #tpu.memory_space<smem>>
    %get3A_2 = arith.constant 0 : index
    %get3A_3 = arith.constant 0 : index
    %get3A_4 = vector.load %arg4[%get3A_2, %get3A_3] : memref<632x1xf32, #tpu.memory_space<vmem>>, vector<632x1xf32>
    %get3A_5 = arith.constant 0 : index
    %get3A_6 = arith.constant 0 : index
    %get3A_7 = vector.load %arg5[%get3A_5, %get3A_6] : memref<512x512xf32, #tpu.memory_space<vmem>>, vector<512x512xf32>
    %broadcast_in_dim3A = arith.constant 0.000000e+00 : f32
    %broadcast_in_dim3A_8 = vector.broadcast %broadcast_in_dim3A : f32 to vector<632x512xf32>
    %get3A_9 = arith.constant 0 : index
    %get3A_10 = arith.constant 0 : index
    %get3A_11 = arith.constant 0 : index
    %get3A_12 = vector.load %arg2[%get3A_9, %get3A_10, %get3A_11] : memref<4x632x128xf32, #tpu.memory_space<vmem>>, vector<1x632x128xf32>
    %get3A_13 = vector.shape_cast %get3A_12 : vector<1x632x128xf32> to vector<632x128xf32>
    %mul3A = vector.broadcast %get3A_1 : f32 to vector<632x128xf32>
    %mul3A_14 = arith.mulf %mul3A, %get3A_13 : vector<632x128xf32>
    %get3A_15 = arith.constant 0 : index
    %get3A_16 = arith.constant 0 : index
    %get3A_17 = arith.constant 0 : index
    %get3A_18 = vector.load %arg3[%get3A_15, %get3A_16, %get3A_17] : memref<4x632x128xf32, #tpu.memory_space<vmem>>, vector<1x632x128xf32>
    %get3A_19 = vector.shape_cast %get3A_18 : vector<1x632x128xf32> to vector<632x128xf32>
    %mul3A_20 = vector.broadcast %get3A_4 : vector<632x1xf32> to vector<632x128xf32>
    %mul3A_21 = arith.mulf %mul3A_20, %get3A_19 : vector<632x128xf32>
    %add3A = arith.addf %mul3A_14, %mul3A_21 : vector<632x128xf32>
    %slice3A = vector.extract_strided_slice %get3A_7 {offsets = [0, 0], sizes = [128, 512], strides = [1, 1]} : vector<512x512xf32> to vector<128x512xf32>
    %dot_general3A = arith.constant dense<0.000000e+00> : vector<632x512xf32>
    %dot_general3A_22 = tpu.matmul %add3A, %slice3A, %dot_general3A {dimension_numbers = #tpu.dot_dimension_numbers<[1], [0], [0], [1], [0, 0, 1, 1], [], []>, transpose_lhs_hint = false} : vector<632x128xf32>, vector<128x512xf32>, vector<632x512xf32> -> vector<632x512xf32>
    %add3A_23 = arith.addf %broadcast_in_dim3A_8, %dot_general3A_22 : vector<632x512xf32>
    %get3A_24 = arith.constant 1 : index
    %get3A_25 = arith.constant 0 : index
    %get3A_26 = arith.constant 0 : index
    %get3A_27 = vector.load %arg2[%get3A_24, %get3A_25, %get3A_26] : memref<4x632x128xf32, #tpu.memory_space<vmem>>, vector<1x632x128xf32>
    %get3A_28 = vector.shape_cast %get3A_27 : vector<1x632x128xf32> to vector<632x128xf32>
    %mul3A_29 = vector.broadcast %get3A_1 : f32 to vector<632x128xf32>
    %mul3A_30 = arith.mulf %mul3A_29, %get3A_28 : vector<632x128xf32>
    %get3A_31 = arith.constant 1 : index
    %get3A_32 = arith.constant 0 : index
    %get3A_33 = arith.constant 0 : index
    %get3A_34 = vector.load %arg3[%get3A_31, %get3A_32, %get3A_33] : memref<4x632x128xf32, #tpu.memory_space<vmem>>, vector<1x632x128xf32>
    %get3A_35 = vector.shape_cast %get3A_34 : vector<1x632x128xf32> to vector<632x128xf32>
    %mul3A_36 = vector.broadcast %get3A_4 : vector<632x1xf32> to vector<632x128xf32>
    %mul3A_37 = arith.mulf %mul3A_36, %get3A_35 : vector<632x128xf32>
    %add3A_38 = arith.addf %mul3A_30, %mul3A_37 : vector<632x128xf32>
    %slice3A_39 = vector.extract_strided_slice %get3A_7 {offsets = [128, 0], sizes = [128, 512], strides = [1, 1]} : vector<512x512xf32> to vector<128x512xf32>
    %dot_general3A_40 = arith.constant dense<0.000000e+00> : vector<632x512xf32>
    %dot_general3A_41 = tpu.matmul %add3A_38, %slice3A_39, %dot_general3A_40 {dimension_numbers = #tpu.dot_dimension_numbers<[1], [0], [0], [1], [0, 0, 1, 1], [], []>, transpose_lhs_hint = false} : vector<632x128xf32>, vector<128x512xf32>, vector<632x512xf32> -> vector<632x512xf32>
    %add3A_42 = arith.addf %add3A_23, %dot_general3A_41 : vector<632x512xf32>
    %get3A_43 = arith.constant 2 : index
    %get3A_44 = arith.constant 0 : index
    %get3A_45 = arith.constant 0 : index
    %get3A_46 = vector.load %arg2[%get3A_43, %get3A_44, %get3A_45] : memref<4x632x128xf32, #tpu.memory_space<vmem>>, vector<1x632x128xf32>
    %get3A_47 = vector.shape_cast %get3A_46 : vector<1x632x128xf32> to vector<632x128xf32>
    %mul3A_48 = vector.broadcast %get3A_1 : f32 to vector<632x128xf32>
    %mul3A_49 = arith.mulf %mul3A_48, %get3A_47 : vector<632x128xf32>
    %get3A_50 = arith.constant 2 : index
    %get3A_51 = arith.constant 0 : index
    %get3A_52 = arith.constant 0 : index
    %get3A_53 = vector.load %arg3[%get3A_50, %get3A_51, %get3A_52] : memref<4x632x128xf32, #tpu.memory_space<vmem>>, vector<1x632x128xf32>
    %get3A_54 = vector.shape_cast %get3A_53 : vector<1x632x128xf32> to vector<632x128xf32>
    %mul3A_55 = vector.broadcast %get3A_4 : vector<632x1xf32> to vector<632x128xf32>
    %mul3A_56 = arith.mulf %mul3A_55, %get3A_54 : vector<632x128xf32>
    %add3A_57 = arith.addf %mul3A_49, %mul3A_56 : vector<632x128xf32>
    %slice3A_58 = vector.extract_strided_slice %get3A_7 {offsets = [256, 0], sizes = [128, 512], strides = [1, 1]} : vector<512x512xf32> to vector<128x512xf32>
    %dot_general3A_59 = arith.constant dense<0.000000e+00> : vector<632x512xf32>
    %dot_general3A_60 = tpu.matmul %add3A_57, %slice3A_58, %dot_general3A_59 {dimension_numbers = #tpu.dot_dimension_numbers<[1], [0], [0], [1], [0, 0, 1, 1], [], []>, transpose_lhs_hint = false} : vector<632x128xf32>, vector<128x512xf32>, vector<632x512xf32> -> vector<632x512xf32>
    %add3A_61 = arith.addf %add3A_42, %dot_general3A_60 : vector<632x512xf32>
    %get3A_62 = arith.constant 3 : index
    %get3A_63 = arith.constant 0 : index
    %get3A_64 = arith.constant 0 : index
    %get3A_65 = vector.load %arg2[%get3A_62, %get3A_63, %get3A_64] : memref<4x632x128xf32, #tpu.memory_space<vmem>>, vector<1x632x128xf32>
    %get3A_66 = vector.shape_cast %get3A_65 : vector<1x632x128xf32> to vector<632x128xf32>
    %mul3A_67 = vector.broadcast %get3A_1 : f32 to vector<632x128xf32>
    %mul3A_68 = arith.mulf %mul3A_67, %get3A_66 : vector<632x128xf32>
    %get3A_69 = arith.constant 3 : index
    %get3A_70 = arith.constant 0 : index
    %get3A_71 = arith.constant 0 : index
    %get3A_72 = vector.load %arg3[%get3A_69, %get3A_70, %get3A_71] : memref<4x632x128xf32, #tpu.memory_space<vmem>>, vector<1x632x128xf32>
    %get3A_73 = vector.shape_cast %get3A_72 : vector<1x632x128xf32> to vector<632x128xf32>
    %mul3A_74 = vector.broadcast %get3A_4 : vector<632x1xf32> to vector<632x128xf32>
    %mul3A_75 = arith.mulf %mul3A_74, %get3A_73 : vector<632x128xf32>
    %add3A_76 = arith.addf %mul3A_68, %mul3A_75 : vector<632x128xf32>
    %slice3A_77 = vector.extract_strided_slice %get3A_7 {offsets = [384, 0], sizes = [128, 512], strides = [1, 1]} : vector<512x512xf32> to vector<128x512xf32>
    %dot_general3A_78 = arith.constant dense<0.000000e+00> : vector<632x512xf32>
    %dot_general3A_79 = tpu.matmul %add3A_76, %slice3A_77, %dot_general3A_78 {dimension_numbers = #tpu.dot_dimension_numbers<[1], [0], [0], [1], [0, 0, 1, 1], [], []>, transpose_lhs_hint = false} : vector<632x128xf32>, vector<128x512xf32>, vector<632x512xf32> -> vector<632x512xf32>
    %add3A_80 = arith.addf %add3A_61, %dot_general3A_79 : vector<632x512xf32>
    %get3A_81 = arith.constant 0 : index
    %get3A_82 = arith.constant 0 : index
    %get3A_83 = vector.load %arg6[%get3A_81, %get3A_82] : memref<1x512xf32, #tpu.memory_space<vmem>>, vector<1x512xf32>
    %add3A_84 = vector.broadcast %get3A_83 : vector<1x512xf32> to vector<632x512xf32>
    %add3A_85 = arith.addf %add3A_80, %add3A_84 : vector<632x512xf32>
    %max3A = arith.constant 0.000000e+00 : f32
    %max3A_86 = vector.broadcast %max3A : f32 to vector<632x512xf32>
    %max3A_87 = arith.maximumf %add3A_85, %max3A_86 : vector<632x512xf32>
    %slice3A_88 = vector.extract_strided_slice %max3A_87 {offsets = [0, 0], sizes = [632, 128], strides = [1, 1]} : vector<632x512xf32> to vector<632x128xf32>
    %swap3A = arith.constant 0 : index
    %swap3A_89 = arith.constant 0 : index
    %swap3A_90 = arith.constant 0 : index
    %swap3A_91 = vector.load %arg7[%swap3A, %swap3A_89, %swap3A_90] : memref<4x632x128xf32, #tpu.memory_space<vmem>>, vector<1x632x128xf32>
    %swap3A_92 = vector.shape_cast %swap3A_91 : vector<1x632x128xf32> to vector<632x128xf32>
    %swap3A_93 = vector.shape_cast %slice3A_88 : vector<632x128xf32> to vector<1x632x128xf32>
    tpu.vector_store %arg7[%swap3A, %swap3A_89, %swap3A_90], %swap3A_93 {strides = array<i32>} : memref<4x632x128xf32, #tpu.memory_space<vmem>>, vector<1x632x128xf32>,
    %slice3A_94 = vector.extract_strided_slice %max3A_87 {offsets = [0, 128], sizes = [632, 128], strides = [1, 1]} : vector<632x512xf32> to vector<632x128xf32>
    %swap3A_95 = arith.constant 1 : index
    %swap3A_96 = arith.constant 0 : index
    %swap3A_97 = arith.constant 0 : index
    %swap3A_98 = vector.load %arg7[%swap3A_95, %swap3A_96, %swap3A_97] : memref<4x632x128xf32, #tpu.memory_space<vmem>>, vector<1x632x128xf32>
    %swap3A_99 = vector.shape_cast %swap3A_98 : vector<1x632x128xf32> to vector<632x128xf32>
    %swap3A_100 = vector.shape_cast %slice3A_94 : vector<632x128xf32> to vector<1x632x128xf32>
    tpu.vector_store %arg7[%swap3A_95, %swap3A_96, %swap3A_97], %swap3A_100 {strides = array<i32>} : memref<4x632x128xf32, #tpu.memory_space<vmem>>, vector<1x632x128xf32>,
    %slice3A_101 = vector.extract_strided_slice %max3A_87 {offsets = [0, 256], sizes = [632, 128], strides = [1, 1]} : vector<632x512xf32> to vector<632x128xf32>
    %swap3A_102 = arith.constant 2 : index
    %swap3A_103 = arith.constant 0 : index
    %swap3A_104 = arith.constant 0 : index
    %swap3A_105 = vector.load %arg7[%swap3A_102, %swap3A_103, %swap3A_104] : memref<4x632x128xf32, #tpu.memory_space<vmem>>, vector<1x632x128xf32>
    %swap3A_106 = vector.shape_cast %swap3A_105 : vector<1x632x128xf32> to vector<632x128xf32>
    %swap3A_107 = vector.shape_cast %slice3A_101 : vector<632x128xf32> to vector<1x632x128xf32>
    tpu.vector_store %arg7[%swap3A_102, %swap3A_103, %swap3A_104], %swap3A_107 {strides = array<i32>} : memref<4x632x128xf32, #tpu.memory_space<vmem>>, vector<1x632x128xf32>,
    %slice3A_108 = vector.extract_strided_slice %max3A_87 {offsets = [0, 384], sizes = [632, 128], strides = [1, 1]} : vector<632x512xf32> to vector<632x128xf32>
    %swap3A_109 = arith.constant 3 : index
    %swap3A_110 = arith.constant 0 : index
    %swap3A_111 = arith.constant 0 : index
    %swap3A_112 = vector.load %arg7[%swap3A_109, %swap3A_110, %swap3A_111] : memref<4x632x128xf32, #tpu.memory_space<vmem>>, vector<1x632x128xf32>
    %swap3A_113 = vector.shape_cast %swap3A_112 : vector<1x632x128xf32> to vector<632x128xf32>
    %swap3A_114 = vector.shape_cast %slice3A_108 : vector<632x128xf32> to vector<1x632x128xf32>
    tpu.vector_store %arg7[%swap3A_109, %swap3A_110, %swap3A_111], %swap3A_114 {strides = array<i32>} : memref<4x632x128xf32, #tpu.memory_space<vmem>>, vector<1x632x128xf32>,
    return
  }
  func.func @transform_0(%arg0: i32) -> (i32, i32) {
    %c0_i32 = arith.constant 0 : i32
    %c0_i32_0 = arith.constant 0 : i32
    %c0_i32_1 = arith.constant 0 : i32
    return %c0_i32, %c0_i32_0 : i32, i32
  }
  func.func @transform_1(%arg0: i32) -> (i32, i32, i32) {
    %c0_i32 = arith.constant 0 : i32
    %c0_i32_0 = arith.constant 0 : i32
    %c0_i32_1 = arith.constant 0 : i32
    return %c0_i32, %arg0, %c0_i32_0 : i32, i32, i32
  }
  func.func @transform_2(%arg0: i32) -> (i32, i32, i32) {
    %c0_i32 = arith.constant 0 : i32
    %c0_i32_0 = arith.constant 0 : i32
    %c0_i32_1 = arith.constant 0 : i32
    return %c0_i32, %arg0, %c0_i32_0 : i32, i32, i32
  }
  func.func @transform_3(%arg0: i32) -> (i32, i32) {
    %c0_i32 = arith.constant 0 : i32
    %c0_i32_0 = arith.constant 0 : i32
    return %arg0, %c0_i32 : i32, i32
  }
  func.func @transform_4(%arg0: i32) -> (i32, i32) {
    %c0_i32 = arith.constant 0 : i32
    %c0_i32_0 = arith.constant 0 : i32
    %c0_i32_1 = arith.constant 0 : i32
    return %c0_i32, %c0_i32_0 : i32, i32
  }
  func.func @transform_5(%arg0: i32) -> (i32, i32) {
    %c0_i32 = arith.constant 0 : i32
    %c0_i32_0 = arith.constant 0 : i32
    %c0_i32_1 = arith.constant 0 : i32
    return %c0_i32, %c0_i32_0 : i32, i32
  }
  func.func @transform_6(%arg0: i32) -> (i32, i32, i32) {
    %c0_i32 = arith.constant 0 : i32
    %c0_i32_0 = arith.constant 0 : i32
    %c0_i32_1 = arith.constant 0 : i32
    return %c0_i32, %arg0, %c0_i32_0 : i32, i32, i32
  }
}

module attributes {stable_mosaic.version = 14 : i64} {
  func.func @_final_body(%arg0: i32, %arg1: memref<4x632x128xf32, #tpu.memory_space<vmem>>, %arg2: memref<4x632x128xf32, #tpu.memory_space<vmem>>, %arg3: memref<4x632x128xf32, #tpu.memory_space<vmem>>, %arg4: memref<4x632x128xf32, #tpu.memory_space<vmem>>, %arg5: memref<632x1xi32, #tpu.memory_space<vmem>>, %arg6: memref<512x128xf32, #tpu.memory_space<vmem>>, %arg7: memref<1x128xf32, #tpu.memory_space<vmem>>, %arg8: memref<8x128xf32, #tpu.memory_space<vmem>>, %arg9: memref<8x512xf32, #tpu.memory_space<vmem>>) attributes {dimension_semantics = [#tpu.dimension_semantics<arbitrary>], iteration_bounds = array<i64: 16>, scalar_prefetch = 0 : i64, scratch_operands = 1 : i64, tpu.core_type = #tpu.core_type<tc>, window_params = [{transform_indices = @transform_0, window_bounds = array<i64: 4, 632, 128>}, {transform_indices = @transform_1, window_bounds = array<i64: 4, 632, 128>}, {transform_indices = @transform_2, window_bounds = array<i64: 4, 632, 128>}, {transform_indices = @transform_3, window_bounds = array<i64: 4, 632, 128>}, {transform_indices = @transform_4, window_bounds = array<i64: 632, 1>}, {pipeline_mode = #tpu.pipeline_mode<synchronous>, transform_indices = @transform_5, window_bounds = array<i64: 512, 128>}, {pipeline_mode = #tpu.pipeline_mode<synchronous>, transform_indices = @transform_6, window_bounds = array<i64: 1, 128>}, {pipeline_mode = #tpu.pipeline_mode<synchronous>, transform_indices = @transform_7, window_bounds = array<i64: 8, 128>}]} {
    %eq3A = arith.constant 0 : i32
    %eq3A_0 = arith.cmpi eq, %arg0, %eq3A : i32
    %convert_element_type3A = arith.extui %eq3A_0 : i1 to i32
    %cond3A = arith.constant 0 : i32
    %cond3A_1 = arith.cmpi ne, %convert_element_type3A, %cond3A : i32
    scf.if %cond3A_1 {
      %broadcast_in_dim3A = arith.constant 0.000000e+00 : f32
      %broadcast_in_dim3A_111 = vector.broadcast %broadcast_in_dim3A : f32 to vector<8x512xf32>
      %swap3A_112 = arith.constant 0 : index
      %swap3A_113 = arith.constant 0 : index
      %swap3A_114 = vector.load %arg9[%swap3A_112, %swap3A_113] : memref<8x512xf32, #tpu.memory_space<vmem>>, vector<8x512xf32>
      tpu.vector_store %arg9[%swap3A_112, %swap3A_113], %broadcast_in_dim3A_111 {strides = array<i32>} : memref<8x512xf32, #tpu.memory_space<vmem>>, vector<8x512xf32>,
    } else {
    }
    %get3A = arith.constant 0 : index
    %get3A_2 = arith.constant 0 : index
    %get3A_3 = arith.constant 0 : index
    %get3A_4 = vector.load %arg1[%get3A, %get3A_2, %get3A_3] : memref<4x632x128xf32, #tpu.memory_space<vmem>>, vector<1x632x128xf32>
    %get3A_5 = vector.shape_cast %get3A_4 : vector<1x632x128xf32> to vector<632x128xf32>
    %get3A_6 = arith.constant 0 : index
    %get3A_7 = arith.constant 0 : index
    %get3A_8 = arith.constant 0 : index
    %get3A_9 = vector.load %arg2[%get3A_6, %get3A_7, %get3A_8] : memref<4x632x128xf32, #tpu.memory_space<vmem>>, vector<1x632x128xf32>
    %get3A_10 = vector.shape_cast %get3A_9 : vector<1x632x128xf32> to vector<632x128xf32>
    %add3A = arith.addf %get3A_5, %get3A_10 : vector<632x128xf32>
    %get3A_11 = arith.constant 0 : index
    %get3A_12 = arith.constant 0 : index
    %get3A_13 = arith.constant 0 : index
    %get3A_14 = vector.load %arg3[%get3A_11, %get3A_12, %get3A_13] : memref<4x632x128xf32, #tpu.memory_space<vmem>>, vector<1x632x128xf32>
    %get3A_15 = vector.shape_cast %get3A_14 : vector<1x632x128xf32> to vector<632x128xf32>
    %add3A_16 = arith.addf %add3A, %get3A_15 : vector<632x128xf32>
    %get3A_17 = arith.constant 0 : index
    %get3A_18 = arith.constant 0 : index
    %get3A_19 = arith.constant 0 : index
    %get3A_20 = vector.load %arg4[%get3A_17, %get3A_18, %get3A_19] : memref<4x632x128xf32, #tpu.memory_space<vmem>>, vector<1x632x128xf32>
    %get3A_21 = vector.shape_cast %get3A_20 : vector<1x632x128xf32> to vector<632x128xf32>
    %add3A_22 = arith.addf %add3A_16, %get3A_21 : vector<632x128xf32>
    %get3A_23 = arith.constant 1 : index
    %get3A_24 = arith.constant 0 : index
    %get3A_25 = arith.constant 0 : index
    %get3A_26 = vector.load %arg1[%get3A_23, %get3A_24, %get3A_25] : memref<4x632x128xf32, #tpu.memory_space<vmem>>, vector<1x632x128xf32>
    %get3A_27 = vector.shape_cast %get3A_26 : vector<1x632x128xf32> to vector<632x128xf32>
    %get3A_28 = arith.constant 1 : index
    %get3A_29 = arith.constant 0 : index
    %get3A_30 = arith.constant 0 : index
    %get3A_31 = vector.load %arg2[%get3A_28, %get3A_29, %get3A_30] : memref<4x632x128xf32, #tpu.memory_space<vmem>>, vector<1x632x128xf32>
    %get3A_32 = vector.shape_cast %get3A_31 : vector<1x632x128xf32> to vector<632x128xf32>
    %add3A_33 = arith.addf %get3A_27, %get3A_32 : vector<632x128xf32>
    %get3A_34 = arith.constant 1 : index
    %get3A_35 = arith.constant 0 : index
    %get3A_36 = arith.constant 0 : index
    %get3A_37 = vector.load %arg3[%get3A_34, %get3A_35, %get3A_36] : memref<4x632x128xf32, #tpu.memory_space<vmem>>, vector<1x632x128xf32>
    %get3A_38 = vector.shape_cast %get3A_37 : vector<1x632x128xf32> to vector<632x128xf32>
    %add3A_39 = arith.addf %add3A_33, %get3A_38 : vector<632x128xf32>
    %get3A_40 = arith.constant 1 : index
    %get3A_41 = arith.constant 0 : index
    %get3A_42 = arith.constant 0 : index
    %get3A_43 = vector.load %arg4[%get3A_40, %get3A_41, %get3A_42] : memref<4x632x128xf32, #tpu.memory_space<vmem>>, vector<1x632x128xf32>
    %get3A_44 = vector.shape_cast %get3A_43 : vector<1x632x128xf32> to vector<632x128xf32>
    %add3A_45 = arith.addf %add3A_39, %get3A_44 : vector<632x128xf32>
    %get3A_46 = arith.constant 2 : index
    %get3A_47 = arith.constant 0 : index
    %get3A_48 = arith.constant 0 : index
    %get3A_49 = vector.load %arg1[%get3A_46, %get3A_47, %get3A_48] : memref<4x632x128xf32, #tpu.memory_space<vmem>>, vector<1x632x128xf32>
    %get3A_50 = vector.shape_cast %get3A_49 : vector<1x632x128xf32> to vector<632x128xf32>
    %get3A_51 = arith.constant 2 : index
    %get3A_52 = arith.constant 0 : index
    %get3A_53 = arith.constant 0 : index
    %get3A_54 = vector.load %arg2[%get3A_51, %get3A_52, %get3A_53] : memref<4x632x128xf32, #tpu.memory_space<vmem>>, vector<1x632x128xf32>
    %get3A_55 = vector.shape_cast %get3A_54 : vector<1x632x128xf32> to vector<632x128xf32>
    %add3A_56 = arith.addf %get3A_50, %get3A_55 : vector<632x128xf32>
    %get3A_57 = arith.constant 2 : index
    %get3A_58 = arith.constant 0 : index
    %get3A_59 = arith.constant 0 : index
    %get3A_60 = vector.load %arg3[%get3A_57, %get3A_58, %get3A_59] : memref<4x632x128xf32, #tpu.memory_space<vmem>>, vector<1x632x128xf32>
    %get3A_61 = vector.shape_cast %get3A_60 : vector<1x632x128xf32> to vector<632x128xf32>
    %add3A_62 = arith.addf %add3A_56, %get3A_61 : vector<632x128xf32>
    %get3A_63 = arith.constant 2 : index
    %get3A_64 = arith.constant 0 : index
    %get3A_65 = arith.constant 0 : index
    %get3A_66 = vector.load %arg4[%get3A_63, %get3A_64, %get3A_65] : memref<4x632x128xf32, #tpu.memory_space<vmem>>, vector<1x632x128xf32>
    %get3A_67 = vector.shape_cast %get3A_66 : vector<1x632x128xf32> to vector<632x128xf32>
    %add3A_68 = arith.addf %add3A_62, %get3A_67 : vector<632x128xf32>
    %get3A_69 = arith.constant 3 : index
    %get3A_70 = arith.constant 0 : index
    %get3A_71 = arith.constant 0 : index
    %get3A_72 = vector.load %arg1[%get3A_69, %get3A_70, %get3A_71] : memref<4x632x128xf32, #tpu.memory_space<vmem>>, vector<1x632x128xf32>
    %get3A_73 = vector.shape_cast %get3A_72 : vector<1x632x128xf32> to vector<632x128xf32>
    %get3A_74 = arith.constant 3 : index
    %get3A_75 = arith.constant 0 : index
    %get3A_76 = arith.constant 0 : index
    %get3A_77 = vector.load %arg2[%get3A_74, %get3A_75, %get3A_76] : memref<4x632x128xf32, #tpu.memory_space<vmem>>, vector<1x632x128xf32>
    %get3A_78 = vector.shape_cast %get3A_77 : vector<1x632x128xf32> to vector<632x128xf32>
    %add3A_79 = arith.addf %get3A_73, %get3A_78 : vector<632x128xf32>
    %get3A_80 = arith.constant 3 : index
    %get3A_81 = arith.constant 0 : index
    %get3A_82 = arith.constant 0 : index
    %get3A_83 = vector.load %arg3[%get3A_80, %get3A_81, %get3A_82] : memref<4x632x128xf32, #tpu.memory_space<vmem>>, vector<1x632x128xf32>
    %get3A_84 = vector.shape_cast %get3A_83 : vector<1x632x128xf32> to vector<632x128xf32>
    %add3A_85 = arith.addf %add3A_79, %get3A_84 : vector<632x128xf32>
    %get3A_86 = arith.constant 3 : index
    %get3A_87 = arith.constant 0 : index
    %get3A_88 = arith.constant 0 : index
    %get3A_89 = vector.load %arg4[%get3A_86, %get3A_87, %get3A_88] : memref<4x632x128xf32, #tpu.memory_space<vmem>>, vector<1x632x128xf32>
    %get3A_90 = vector.shape_cast %get3A_89 : vector<1x632x128xf32> to vector<632x128xf32>
    %add3A_91 = arith.addf %add3A_85, %get3A_90 : vector<632x128xf32>
    %concatenate3A = tpu.concatenate %add3A_22, %add3A_45, %add3A_68, %add3A_91 in 1 : vector<632x128xf32>, vector<632x128xf32>, vector<632x128xf32>, vector<632x128xf32> -> vector<632x512xf32>
    %get3A_92 = arith.constant 0 : index
    %get3A_93 = arith.constant 0 : index
    %get3A_94 = vector.load %arg5[%get3A_92, %get3A_93] : memref<632x1xi32, #tpu.memory_space<vmem>>, vector<632x1xi32>
    %iota3A = tpu.iota {dimensions = array<i32: 1>} : vector<632x8xi32>
    %eq3A_95 = vector.broadcast %get3A_94 : vector<632x1xi32> to vector<632x8xi32>
    %eq3A_96 = arith.cmpi eq, %eq3A_95, %iota3A : vector<632x8xi32>
    %convert_element_type3A_97 = arith.extui %eq3A_96 : vector<632x8xi1> to vector<632x8xi32>
    %convert_element_type3A_98 = arith.sitofp %convert_element_type3A_97 : vector<632x8xi32> to vector<632x8xf32>
    %get3A_99 = arith.constant 0 : index
    %get3A_100 = arith.constant 0 : index
    %get3A_101 = vector.load %arg9[%get3A_99, %get3A_100] : memref<8x512xf32, #tpu.memory_space<vmem>>, vector<8x512xf32>
    %dot_general3A = arith.constant dense<0.000000e+00> : vector<8x512xf32>
    %dot_general3A_102 = tpu.matmul %convert_element_type3A_98, %concatenate3A, %dot_general3A {dimension_numbers = #tpu.dot_dimension_numbers<[0], [0], [1], [1], [0, 1, 1, 1], [], []>, transpose_lhs_hint = false} : vector<632x8xf32>, vector<632x512xf32>, vector<8x512xf32> -> vector<8x512xf32>
    %add3A_103 = arith.addf %get3A_101, %dot_general3A_102 : vector<8x512xf32>
    %swap3A = arith.constant 0 : index
    %swap3A_104 = arith.constant 0 : index
    %swap3A_105 = vector.load %arg9[%swap3A, %swap3A_104] : memref<8x512xf32, #tpu.memory_space<vmem>>, vector<8x512xf32>
    tpu.vector_store %arg9[%swap3A, %swap3A_104], %add3A_103 {strides = array<i32>} : memref<8x512xf32, #tpu.memory_space<vmem>>, vector<8x512xf32>,
    %eq3A_106 = arith.constant 15 : i32
    %eq3A_107 = arith.cmpi eq, %arg0, %eq3A_106 : i32
    %convert_element_type3A_108 = arith.extui %eq3A_107 : i1 to i32
    %cond3A_109 = arith.constant 0 : i32
    %cond3A_110 = arith.cmpi ne, %convert_element_type3A_108, %cond3A_109 : i32
    scf.if %cond3A_110 {
      %get3A_111 = arith.constant 0 : index
      %get3A_112 = arith.constant 0 : index
      %get3A_113 = vector.load %arg9[%get3A_111, %get3A_112] : memref<8x512xf32, #tpu.memory_space<vmem>>, vector<8x512xf32>
      %get3A_114 = arith.constant 0 : index
      %get3A_115 = arith.constant 0 : index
      %get3A_116 = vector.load %arg6[%get3A_114, %get3A_115] : memref<512x128xf32, #tpu.memory_space<vmem>>, vector<512x128xf32>
      %dot_general3A_117 = arith.constant dense<0.000000e+00> : vector<8x128xf32>
      %dot_general3A_118 = tpu.matmul %get3A_113, %get3A_116, %dot_general3A_117 {dimension_numbers = #tpu.dot_dimension_numbers<[1], [0], [0], [1], [0, 0, 1, 1], [], []>, transpose_lhs_hint = false} : vector<8x512xf32>, vector<512x128xf32>, vector<8x128xf32> -> vector<8x128xf32>
      %get3A_119 = arith.constant 0 : index
      %get3A_120 = arith.constant 0 : index
      %get3A_121 = vector.load %arg7[%get3A_119, %get3A_120] : memref<1x128xf32, #tpu.memory_space<vmem>>, vector<1x128xf32>
      %mul3A = arith.constant 4.000000e+00 : f32
      %mul3A_122 = vector.broadcast %mul3A : f32 to vector<1x128xf32>
      %mul3A_123 = arith.mulf %mul3A_122, %get3A_121 : vector<1x128xf32>
      %add3A_124 = vector.broadcast %mul3A_123 : vector<1x128xf32> to vector<8x128xf32>
      %add3A_125 = arith.addf %dot_general3A_118, %add3A_124 : vector<8x128xf32>
      %swap3A_126 = arith.constant 0 : index
      %swap3A_127 = arith.constant 0 : index
      %swap3A_128 = vector.load %arg8[%swap3A_126, %swap3A_127] : memref<8x128xf32, #tpu.memory_space<vmem>>, vector<8x128xf32>
      tpu.vector_store %arg8[%swap3A_126, %swap3A_127], %add3A_125 {strides = array<i32>} : memref<8x128xf32, #tpu.memory_space<vmem>>, vector<8x128xf32>,
    } else {
    }
    return
  }
  func.func @transform_0(%arg0: i32) -> (i32, i32, i32) {
    %c0_i32 = arith.constant 0 : i32
    %c0_i32_0 = arith.constant 0 : i32
    %c0_i32_1 = arith.constant 0 : i32
    return %c0_i32, %arg0, %c0_i32_0 : i32, i32, i32
  }
  func.func @transform_1(%arg0: i32) -> (i32, i32, i32) {
    %c0_i32 = arith.constant 0 : i32
    %c0_i32_0 = arith.constant 0 : i32
    %c0_i32_1 = arith.constant 0 : i32
    return %c0_i32, %arg0, %c0_i32_0 : i32, i32, i32
  }
  func.func @transform_2(%arg0: i32) -> (i32, i32, i32) {
    %c0_i32 = arith.constant 0 : i32
    %c0_i32_0 = arith.constant 0 : i32
    %c0_i32_1 = arith.constant 0 : i32
    return %c0_i32, %arg0, %c0_i32_0 : i32, i32, i32
  }
  func.func @transform_3(%arg0: i32) -> (i32, i32, i32) {
    %c0_i32 = arith.constant 0 : i32
    %c0_i32_0 = arith.constant 0 : i32
    %c0_i32_1 = arith.constant 0 : i32
    return %c0_i32, %arg0, %c0_i32_0 : i32, i32, i32
  }
  func.func @transform_4(%arg0: i32) -> (i32, i32) {
    %c0_i32 = arith.constant 0 : i32
    %c0_i32_0 = arith.constant 0 : i32
    return %arg0, %c0_i32 : i32, i32
  }
  func.func @transform_5(%arg0: i32) -> (i32, i32) {
    %c0_i32 = arith.constant 0 : i32
    %c0_i32_0 = arith.constant 0 : i32
    %c0_i32_1 = arith.constant 0 : i32
    return %c0_i32, %c0_i32_0 : i32, i32
  }
  func.func @transform_6(%arg0: i32) -> (i32, i32) {
    %c0_i32 = arith.constant 0 : i32
    %c0_i32_0 = arith.constant 0 : i32
    %c0_i32_1 = arith.constant 0 : i32
    return %c0_i32, %c0_i32_0 : i32, i32
  }
  func.func @transform_7(%arg0: i32) -> (i32, i32) {
    %c0_i32 = arith.constant 0 : i32
    %c0_i32_0 = arith.constant 0 : i32
    %c0_i32_1 = arith.constant 0 : i32
    return %c0_i32, %c0_i32_0 : i32, i32
  }
}

</mosaic_0001>

<sc_bundles>
// kernel: kernel.11.cloned.1.call-start
scs
__scs_entry_jumppad:
0x0: {  	(pc) =	sbr.rel $0x88, $3  }
0x1: {  	(tag) =	ssettag $0x0;
	lr =	simm.s32 $0x1  }
0x2: {  	[smem:$0x3F91] =	sst lr;
	_ =	strace $0xD0000000  }
0x3: {  	_ = 	snop  }
0x4: {  	_ = 	snop  }
0x5: {  	_ = 	snop  }
0x6: {  	_ = 	snop  }
0x7: {  	_ = 	snop  }
__scs_overlays_trampoline_lowered:
0x8: {  	[smem:$0x3FA0] =	sst s0  }
0x9: {  	[smem:$0x3FA1] =	sst s1  }
0xa: {  	[smem:$0x3FA2] =	sst s2  }
0xb: {  	[smem:$0x3FA3] =	sst s3  }
0xc: {  	[smem:$0x3FA4] =	sst s4  }
0xd: {  	[smem:$0x3FA5] =	sst s5  }
0xe: {  	[smem:$0x3FA6] =	sst s6  }
0xf: {  	[smem:$0x3FA7] =	sst s7  }
0x10: {  	[smem:$0x3FA8] =	sst s8  }
0x11: {  	[smem:$0x3FA9] =	sst s9;
	s0 =	simm.s32 @!p0 $0x0  }
0x12: {  	s1 =	sld [smem:$0x3F8F];
	s0 =	simm.s32 @p0 $0x1  }
0x13: {  	[smem:$0x3FAA] =	sst s0;
	s0 =	simm.s32 @!p1 $0x0  }
0x14: {  	s2 =	sld [smem:$0x3F8E];
	s0 =	simm.s32 @p1 $0x1  }
0x15: {  	[smem:$0x3FAB] =	sst s0;
	s0 =	simm.s32 @!p2 $0x0  }
0x16: {  	s3 =	sld [smem:$0x3FDB];
	s0 =	simm.s32 @p2 $0x1  }
0x17: {  	s4 =	simm.s32 $0x1BF5;
	[smem:$0x3FAD] =	sst s0  }
0x18: {  	s0 =	sld [smem:$0x3F90];
	_ =	swait.ge [sflag:s4], $0x0  }
0x19: {  	s7 =	sld [smem:$0x3F91]  }
0x1a: {  	s8 =	sadd.s32 $0xFFFFE003, lr  }
0x1b: {  	s9 =	sadd.s32 $0xFFFFFEF7, lr;
	s5 =	simm.s32 $0xFFFFFFFF;
	p2 =	slt.u32 s8, $0xFFFFF086  }
0x1c: {  	p1 =	slt.u32 s9, $0xF7A;
	s5 =	simm.s32 @!p2 $0x0  }
0x1d: {  	s5 =	simm.s32 @p1 $0x1;
	p0 =	seq.s32 s7, s2  }
0x1e: {  	s7 =	smul.u32 @!p0 $0xF7A, s2;
	p2 =	seq.s32 @!p0 s5, $0x0  }
0x1f: {  	s9 =	smul.u32 $0xF7A, s1;
	s8 =	simm.s32 @!p0 $0x1BF5;
	p2 =	por !p2, p0  }
0x20: {  	[sflag:s8] =	ssyncset.s32 @!p0 $0xFFFFF086;
	s6 =	sadd.s32 @!p0 s3, s7;
	s7 =	simm.s32 @!p0 $0x108  }
0x21: {  	s3 =	sadd.s32 s3, s9;
	s6 =	sadd.s32 @!p0 $0x88, s6;
	s7 =	simm.s32 @p2 $0x1082  }
0x22: {  	[simem:s7], [sflag:s8] =	dma.local @!p0 [hbm:s6], $0xF7A  }
0x23: {  	s9 =	sor.u32 $0xD0000000, s2;
	s6 =	simm.s32 $0x108;
	_ =	swait.ge @!p0 [sflag:s8], $0x0  }
0x24: {  	s3 =	sadd.s32 $0x88, s3;
	s6 =	simm.s32 @!p1 $0x1082;
	[sflag:s4] =	ssyncset.s32 $0xFFFFF086  }
0x25: {  	[simem:s6], [sflag:s4] =	dma.local [hbm:s3], $0xF7A  }
0x26: {  	[smem:$0x3F91] =	sst s1;
	(tag) =	ssettag s2;
	_ =	strace s9  }
0x27: {  	s1 =	sld [smem:$0x3FA1]  }
0x28: {  	s2 =	sld [smem:$0x3FA2]  }
0x29: {  	s4 =	sld [smem:$0x3FA4]  }
0x2a: {  	p0 =	seq.s32 s5, $0x0;
	s5 =	sld [smem:$0x3FA5]  }
0x2b: {  	s6 =	sld [smem:$0x3FA6]  }
0x2c: {  	s7 =	sld [smem:$0x3FA7]  }
0x2d: {  	s3 =	simm.s32 $0x108;
	s8 =	sld [smem:$0x3FA8]  }
0x2e: {  	s3 =	simm.s32 @!p0 $0x1082;
	s9 =	sld [smem:$0x3FA9]  }
0x2f: {  	lr =	sadd.s32 s0, s3;
	s0 =	sld [smem:$0x3FA0]  }
0x30: {  	s3 =	sld [smem:$0x3FA3]  }
0x31: {  	[smem:$0x3FAC] =	sst s10  }
0x32: {  	s10 =	sld [smem:$0x3FAA];
	_ =	sdelay $0x3  }
0x33: {  	p0 =	seq.s32 s10, $0x1;
	s10 =	sld [smem:$0x3FAC];
	_ =	sdelay $0x3  }
0x34: {  	[smem:$0x3FAC] =	sst s10  }
0x35: {  	s10 =	sld [smem:$0x3FAB];
	_ =	sdelay $0x3  }
0x36: {  	p1 =	seq.s32 s10, $0x1;
	s10 =	sld [smem:$0x3FAC];
	_ =	sdelay $0x3  }
0x37: {  	[smem:$0x3FAC] =	sst s10  }
0x38: {  	s10 =	sld [smem:$0x3FAD]  }
0x39: {  	_ = 	snop;
	(pc) =	sbr.ind lr, $3  }
0x3a: {  	_ = 	snop  }
0x3b: {  	_ = 	snop  }
0x3c: {  	p2 =	seq.s32 s10, $0x1;
	s10 =	sld [smem:$0x3FAC]  }
0x3d: {  	_ =	shalt  }
0x3e: {  	_ =	shalt  }
0x3f: {  	_ =	shalt  }
0x40: {  	_ =	shalt  }
0x41: {  	_ =	shalt  }
0x42: {  	_ =	shalt  }
0x43: {  	_ =	shalt  }
0x44: {  	_ =	shalt  }
0x45: {  	_ =	shalt  }
0x46: {  	_ =	shalt  }
0x47: {  	_ =	shalt  }
0x48: {  	_ =	shalt  }
0x49: {  	_ =	shalt  }
0x4a: {  	_ =	shalt  }
0x4b: {  	_ =	shalt  }
0x4c: {  	_ =	shalt  }
0x4d: {  	_ =	shalt  }
0x4e: {  	_ =	shalt  }
0x4f: {  	_ =	shalt  }
0x50: {  	_ =	shalt  }
0x51: {  	_ =	shalt  }
0x52: {  	_ =	shalt  }
0x53: {  	_ =	shalt  }
0x54: {  	_ =	shalt  }
0x55: {  	_ =	shalt  }
0x56: {  	_ =	shalt  }
0x57: {  	_ =	shalt  }
0x58: {  	_ =	shalt  }
0x59: {  	_ =	shalt  }
0x5a: {  	_ =	shalt  }
0x5b: {  	_ =	shalt  }
0x5c: {  	_ =	shalt  }
0x5d: {  	_ =	shalt  }
0x5e: {  	_ =	shalt  }
0x5f: {  	_ =	shalt  }
0x60: {  	_ =	shalt  }
0x61: {  	_ =	shalt  }
0x62: {  	_ =	shalt  }
0x63: {  	_ =	shalt  }
0x64: {  	_ =	shalt  }
0x65: {  	_ =	shalt  }
0x66: {  	_ =	shalt  }
0x67: {  	_ =	shalt  }
0x68: {  	_ =	shalt  }
0x69: {  	_ =	shalt  }
0x6a: {  	_ =	shalt  }
0x6b: {  	_ =	shalt  }
0x6c: {  	_ =	shalt  }
0x6d: {  	_ =	shalt  }
0x6e: {  	_ =	shalt  }
0x6f: {  	_ =	shalt  }
0x70: {  	_ =	shalt  }
0x71: {  	_ =	shalt  }
0x72: {  	_ =	shalt  }
0x73: {  	_ =	shalt  }
0x74: {  	_ =	shalt  }
0x75: {  	_ =	shalt  }
0x76: {  	_ =	shalt  }
0x77: {  	_ =	shalt  }
0x78: {  	_ =	shalt  }
0x79: {  	_ =	shalt  }
0x7a: {  	_ =	shalt  }
0x7b: {  	_ =	shalt  }
0x7c: {  	_ =	shalt  }
0x7d: {  	_ =	shalt  }
0x7e: {  	_ =	shalt  }
0x7f: {  	_ =	shalt  }
0x80: {  	_ =	shalt  }
0x81: {  	_ =	shalt  }
0x82: {  	_ =	shalt  }
0x83: {  	_ =	shalt  }
0x84: {  	_ =	shalt  }
0x85: {  	_ =	shalt  }
0x86: {  	_ =	shalt  }
0x87: {  	_ =	shalt  }
.Lfunc_end0:
.L_simem_size_0:
called_computation_lowered:
.L_overlay_start_0:
0x88: {  	s2 =	sld [smem:$0x3FD9]  }
0x89: {  	s3 =	sld [smem:$0x3FFE];
	_ =	sdelay $0x1  }
0x8a: {  	s1 =	srdreg.scid  }
0x8b: {  	s0 =	sand.u32 $0x1, s1  }
0x8c: {  	s16 =	sshll.u32 s0, $0xA;
	s2 =	sadd.s32 s3, s2  }
0x8d: {  	s2 =	sadd.s32 s2, s16  }
0x8e: {  	[smem:$0x3FB8] =	sst s2  }
0x8f: {  	_ = 	snop  }
0x90: {  	(tm) =	ssettm $0x1  }
0x91: {  	s17 =	sld [smem:$0x3FFB];
	_ =	sdelay $0x3  }
0x92: {  	_ =	strace s17  }
0x93: {  	s2 =	sld [smem:$0x3FFC];
	_ =	sdelay $0x3  }
0x94: {  	_ =	strace s2  }
0x95: {  	s2 =	sld [smem:$0x3FFD];
	_ =	sdelay $0x3  }
0x96: {  	_ =	strace s2  }
0x97: {  	_ =	strace $0x8FFFFFFF  }
0x98: {  	s18 =	sld [smem:$0x3FDB];
	_ =	sdelay $0x1  }
0x99: {  	s19 =	simm.s32 $_scs_section_size  }
0x9a: {  	s4 =	simm.s32 $_size__tile_overlayer_lowered;
	s5 =	simm.s32 $_tile_overlayer_lowered  }
0x9b: {  	s22 =	simm.s32 $0x1BFF;
	s21 =	sshll.u32 s5, $0x1;
	s2 =	sadd.s32 s19, s18  }
0x9c: {  	s6 =	simm.s32 $0x0;
	s20 =	sshll.u32 s4, $0x1;
	s4 =	sadd.s32 s21, s2  }
0x9d: {  	[timem:s6], [sflag:s22] =	dma.local [hbm:s4], s20  }
0x9e: {  	_ =	swait.ge [sflag:s22], s20  }
0x9f: {  	s3 =	ssub.s32 $0x0, s20;
	[sflag:s22] =	ssyncset.done $0x0  }
0xa0: {  	[sflag:s22] =	ssyncadd.s32 s3;
	_ =	sdelay $0x1  }
0xa1: {  	s23 =	simm.s32 $0x1B8B  }
0xa2: {  	_ =	swait.ge [sflag:s23], $0x1  }
0xa3: {  	[sflag:s23] =	ssyncset.done $0x0  }
0xa4: {  	s25 =	simm.s32 $0x1B8E;
	s24 =	sld [smem:$0x3FFE];
	[sflag:s23] =	ssyncadd.s32 $0xFFFFFFFF  }
0xa5: {  	s26 =	simm.s32 $execute0_lowered;
	[smem:$0x3FD2] =	sst s25  }
0xa6: {  	s4 =	sshll.u32 s26, $0x1;
	_ =	strace $0x80000046;
	[dreg:$0x1] =	wrdreg $0xFFFFFFFF  }
0xa7: {  	s28 =	simm.s32 $_size_execute0_lowered;
	s2 =	sadd.s32 s2, s4;
	[dreg:$0x0] =	wrdreg $0x0  }
0xa8: {  	s4 =	sshll.u32 s28, $0x1;
	[dreg:$0x2] =	wrdreg s2  }
0xa9: {  	[dreg:$0x3] =	wrdreg s4  }
0xaa: {  	[dreg:$0x4] =	wrdreg $0xC0  }
0xab: {  	_ =	task [dreg:s6], $0x5FFFF  }
0xac: {  	[dreg:$0x1] =	wrdreg $0xFFFFFFFF  }
0xad: {  	[dreg:$0x0] =	wrdreg $0x60  }
0xae: {  	[dreg:$0x2] =	wrdreg s24  }
0xaf: {  	[dreg:$0x3] =	wrdreg $0x6000  }
0xb0: {  	[dreg:$0x4] =	wrdreg $0x9  }
0xb1: {  	_ =	task.clear_ibuf [dreg:s6], $0x5FFFF;
	_ =	strace $0x90000046  }
0xb2: {  	s29 =	simm.s32 $0x9;
	_ =	strace $0x80000048  }
0xb3: {  	_ =	swait.ge [sflag:s29], $0x1  }
0xb4: {  	[sflag:s29] =	ssyncadd.s32 $0xFFFFFFFF  }
0xb5: {  	_ =	strace $0x90000048  }
0xb6: {  	_ =	sfence  }
0xb7: {  	s30 =	sld [smem:$0x0];
	_ =	sdelay $0x2  }
0xb8: {  	s31 =	sshll.u32 s1, $0xD;
	s1 =	sshrl.u32 s1, $0x2  }
0xb9: {  	s3 =	sand.u32 $0x4000, s31;
	s1 =	sadd.s32 s1, s30  }
0xba: {  	s0 =	sor.u32 s3, s0;
	s1 =	sshll.u32 s1, $0x11  }
0xbb: {  	s0 =	sor.u32 s1, s0  }
0xbc: {  	s0 =	sadd.s32 $0x8F2B, s0  }
0xbd: {  	[sflag:s0] =	ssyncadd.remote.s32 $0x1  }
0xbe: {  	_ =	sfence.sel $0xFFFF  }
0xbf: {  	[dreg:$0x0] =	wrdreg $0xFFFFFFFF;
	(pc) =	sbr.abs _section_cstart, $3  }
0xc0: {  	[dreg:$0x1] =	wrdreg $0xFFFFFFFF  }
0xc1: {  	_ =	task.clear_ibuf [dreg:s6], $0x2FFFF;
	_ =	strace $0x9FFFFFFF  }
0xc2: {  	(tm) =	ssettm $0x7FFFFFFF  }
0xc3: {  	_ =	shalt  }
tec
execute0_lowered:
.L_overlay_start_1:
0x0: {  	(tag) =	ssettag $0x1  }
0x1: {  	s4 =	rddreg [dreg:$0x0]  }
0x2: {  	s2 =	rddreg [dreg:$0x1]  }
0x3: {  	s0 =	rddreg [dreg:$0x2];
	s1 =	stileid.u32  }
0x4: {  	s3 =	simm.s32 $0x0;
	s6 =	srdreg.scid;
	s10 =	simm.s32 $0x80  }
0x5: {  	s12 =	simm.s32 $0x0;
	s5 =	smul.u32 $0x4F0, s1;
	[smem:$0x7FF] =	sst s3  }
0x6: {  	s7 =	smul.u32 $0x278, s1;
	s11 =	sand.u32 $0x1, s6;
	_ =	strace $0x80000047  }
.Ltmp0:
0x7: {  	s6 =	ssub.s32 $0x2, s11;
	p0 =	sne.s32 s11, $0x0;
	(pc) =	sbr.rel .LBB2_1-.Ltmp0, $4  }
0x8: {  	s11 =	simm.s32 $0x380;
	s31 =	sshrl.u32 s7, $0x3;
	s9 =	sshrl.u32 s6, $0x1  }
0x9: {  	s8 =	sadd.s32 s5, s4;
	s5 =	sadd.s32 s31, s4;
	s6 =	ssub.s32 s6, s9  }
0xa: {  	s4 =	sadd.s32 s7, s2;
	s7 =	sadd.s32 $0x1E00, s8;
	s8 =	simm.s32 $0x100  }
0xb: {  	v0 =	vimm.f32 $0.0e+00;
	v1 =	vimm.f32 $1.000000000e+00;
	s9 =	simm.s32 $0x1;
	s5 =	sadd.s32 $0x6E00, s5;
	s6 =	smax.u32 s6, $0x1  }
.LBB2_6:
0xc: {  	v2 =	vld [tilespmem:s13+$0x380];
	_ =	sdelay $0x4  }
0xd: {  	v2 =	vmax.f32 v2, $1.000000000e+00  }
0xe: {  	(erf) = vrcp.f32 v2;
	_ =	sdelay $0x8  }
0xf: {  	v2 =	vpop (erf)  }
0x10: {  	[tilespmem:s13+$0x380] =	vst v2  }
0x11: {  	[hbm4b:s5+s3] =	stream.linear.scatter [tilespmem:s11], [sflag:$0x1], $0x278, $0x38;
	[tilespmem:$0x878] =	vst v63  }
0x12: {  	_ =	swait.ge [sflag:s9], $0x278  }
0x13: {  	[sflag:s9] =	ssyncset.done $0x0  }
0x14: {  	[sflag:s9] =	ssyncadd.s32 $0xFFFFFD88  }
.LBB2_7:
0x15: {  	s12 =	sadd.s32 $0x1, s12  }
0x16: {  	p1 =	sne.s32 s12, s6  }
.Ltmp1:
0x17: {  	_ = 	snop;
	(pc) =	sbr.rel @!p1 .LBB2_8-.Ltmp1, $1  }
0x18: {  	_ =	sdelay $0x3  }
.LBB2_1:
0x19: {  	[tilespmem:$0x100] =	vst v0  }
0x1a: {  	[tilespmem:$0x110] =	vst v0  }
0x1b: {  	[tilespmem:$0x120] =	vst v0  }
0x1c: {  	[tilespmem:$0x130] =	vst v0  }
0x1d: {  	[tilespmem:$0x140] =	vst v0  }
0x1e: {  	[tilespmem:$0x150] =	vst v0  }
0x1f: {  	[tilespmem:$0x160] =	vst v0  }
0x20: {  	[tilespmem:$0x170] =	vst v0  }
0x21: {  	[tilespmem:$0x180] =	vst v0  }
0x22: {  	[tilespmem:$0x190] =	vst v0  }
0x23: {  	[tilespmem:$0x1A0] =	vst v0  }
0x24: {  	[tilespmem:$0x1B0] =	vst v0  }
0x25: {  	[tilespmem:$0x1C0] =	vst v0  }
0x26: {  	[tilespmem:$0x1D0] =	vst v0  }
0x27: {  	[tilespmem:$0x1E0] =	vst v0  }
0x28: {  	[tilespmem:$0x1F0] =	vst v0  }
0x29: {  	[tilespmem:$0x200] =	vst v0  }
0x2a: {  	[tilespmem:$0x210] =	vst v0  }
0x2b: {  	[tilespmem:$0x220] =	vst v0  }
0x2c: {  	[tilespmem:$0x230] =	vst v0  }
0x2d: {  	[tilespmem:$0x240] =	vst v0  }
0x2e: {  	[tilespmem:$0x250] =	vst v0  }
0x2f: {  	[tilespmem:$0x260] =	vst v0  }
0x30: {  	[tilespmem:$0x270] =	vst v0  }
0x31: {  	[tilespmem:$0x280] =	vst v0  }
0x32: {  	[tilespmem:$0x290] =	vst v0  }
0x33: {  	[tilespmem:$0x2A0] =	vst v0  }
0x34: {  	[tilespmem:$0x2B0] =	vst v0  }
0x35: {  	[tilespmem:$0x2C0] =	vst v0  }
0x36: {  	[tilespmem:$0x2D0] =	vst v0  }
0x37: {  	[tilespmem:$0x2E0] =	vst v0  }
0x38: {  	[tilespmem:$0x2F0] =	vst v0  }
0x39: {  	[tilespmem:$0x300] =	vst v0  }
0x3a: {  	[tilespmem:$0x310] =	vst v0  }
0x3b: {  	[tilespmem:$0x320] =	vst v0  }
0x3c: {  	[tilespmem:$0x330] =	vst v0  }
0x3d: {  	[tilespmem:$0x340] =	vst v0  }
0x3e: {  	[tilespmem:$0x350] =	vst v0  }
0x3f: {  	[tilespmem:$0x360] =	vst v0  }
0x40: {  	[tilespmem:$0x370] =	vst v0  }
0x41: {  	[tilespmem:$0x80] =	vst v1  }
0x42: {  	[tilespmem:$0x90] =	vst v1  }
0x43: {  	[tilespmem:$0xA0] =	vst v1  }
0x44: {  	[tilespmem:$0xB0] =	vst v1  }
0x45: {  	[tilespmem:$0xC0] =	vst v1  }
0x46: {  	[tilespmem:$0xD0] =	vst v1  }
0x47: {  	[tilespmem:$0xE0] =	vst v1  }
0x48: {  	[tilespmem:$0xF0] =	vst v1  }
0x49: {  	[spmem:s4] =	stream.linear.scatter [tilespmem:s8], [sflag:$0x1], $0x278, $0x38;
	[tilespmem:$0x878] =	vst v63  }
0x4a: {  	_ =	swait.ge [sflag:s9], $0x278  }
0x4b: {  	[sflag:s9] =	ssyncset.done $0x0  }
0x4c: {  	[sflag:s9] =	ssyncadd.s32 $0xFFFFFD88  }
0x4d: {  	s13 =	sadd.s32 $0x0, s7;
	[bflag:$0x0] =	sbarrier.arrive $0xFFFF  }
0x4e: {  	[tilespmem:s3], [sflag:$0x1] =	stream.linear.gather [hbm4b:s13+s3], $0x80, $0x38;
	[tilespmem:$0x878] =	vst v63  }
0x4f: {  	_ =	swait.ge [sflag:s9], $0x80  }
0x50: {  	[sflag:s9] =	ssyncset.done $0x0  }
0x51: {  	[sflag:s9] =	ssyncadd.s32 $0xFFFFFF80  }
0x52: {  	[spmem:s2] =	stream.indirect.scatter.add.f32 [tilespmem:s10], [sflag:$0x1], $0x1, s3, s10, $0xb8;
	[tilespmem:$0x878] =	vst v63  }
0x53: {  	_ =	swait.ge [sflag:s9], $0x80  }
0x54: {  	s14 =	simm.s32 $0x20;
	s13 =	simm.s32 $0x10;
	[sflag:s9] =	ssyncset.done $0x0  }
.LBB2_2:
0x55: {  	s15 =	sadd.s32 s13, s7  }
0x56: {  	[sflag:s9] =	ssyncadd.s32 $0xFFFFFF80;
	s13 =	smov.u32 s14;
	s16 =	sadd.s32 $0x10, s14  }
0x57: {  	[tilespmem:s3], [sflag:$0x1] =	stream.linear.gather [hbm4b:s15+s3], $0x80, $0x38;
	[tilespmem:$0x878] =	vst v63  }
0x58: {  	p1 =	sne.s32 s14, $0x4E0;
	_ =	swait.ge [sflag:s9], $0x80  }
.Ltmp2:
0x59: {  	[sflag:s9] =	ssyncset.done $0x0;
	(pc) =	sbr.rel @p1 .LBB2_2-.Ltmp2, $4  }
0x5a: {  	[sflag:s9] =	ssyncadd.s32 $0xFFFFFF80  }
0x5b: {  	[spmem:s2] =	stream.indirect.scatter.add.f32 [tilespmem:s10], [sflag:$0x1], $0x1, s3, s10, $0xb8;
	[tilespmem:$0x878] =	vst v63  }
0x5c: {  	_ =	swait.ge [sflag:s9], $0x80  }
0x5d: {  	s14 =	smov.u32 s16;
	[sflag:s9] =	ssyncset.done $0x0  }
0x5e: {  	s13 =	sadd.s32 s13, s7;
	[sflag:s9] =	ssyncadd.s32 $0xFFFFFF80  }
0x5f: {  	[tilespmem:s3], [sflag:$0x1] =	stream.linear.gather [hbm4b:s13+s3], $0x80, $0x38;
	[tilespmem:$0x878] =	vst v63  }
0x60: {  	_ =	swait.ge [sflag:s9], $0x80  }
0x61: {  	[sflag:s9] =	ssyncset.done $0x0  }
0x62: {  	[sflag:s9] =	ssyncadd.s32 $0xFFFFFF80  }
0x63: {  	[spmem:s2] =	stream.indirect.scatter.add.f32 [tilespmem:s10], [sflag:$0x1], $0x1, s3, s10, $0xb8;
	[tilespmem:$0x878] =	vst v63  }
.Ltmp3:
0x64: {  	_ =	swait.ge [sflag:s9], $0x80;
	(pc) =	sbr.rel @p0 .LBB2_7-.Ltmp3, $3  }
0x65: {  	[sflag:s9] =	ssyncset.done $0x0  }
0x66: {  	[sflag:s9] =	ssyncadd.s32 $0xFFFFFF80  }
0x67: {  	[bflag:$0x0] =	sbarrier.arrive $0xFFFF;
	_ =	sdelay $0x1  }
0x68: {  	[tilespmem:s11], [sflag:$0x1] =	stream.linear.gather [spmem:s4], $0x278, $0x38;
	[tilespmem:$0x878] =	vst v63  }
0x69: {  	_ =	swait.ge [sflag:s9], $0x278  }
0x6a: {  	[sflag:s9] =	ssyncset.done $0x0  }
0x6b: {  	s13 =	simm.s32 $0x0;
	s14 =	simm.s32 $0x40;
	[sflag:s9] =	ssyncadd.s32 $0xFFFFFD88  }
.LBB2_5:
0x6c: {  	p1 =	sne.s32 s14, $0x9C0;
	v2 =	vld [tilespmem:s13+$0x380];
	_ =	sdelay $0x4  }
0x6d: {  	v2 =	vmax.f32 v2, $1.000000000e+00  }
0x6e: {  	(erf) = vrcp.f32 v2;
	_ =	sdelay $0x5  }
.Ltmp4:
0x6f: {  	(pc) =	sbr.rel @p1 .LBB2_5-.Ltmp4, $3  }
0x70: {  	_ =	sdelay $0x1  }
0x71: {  	v2 =	vpop (erf)  }
0x72: {  	[tilespmem:s13+$0x380] =	vst v2;
	s13 =	sshra.s32 s14, $0x2;
	s14 =	sadd.s32 $0x40, s14  }
.Ltmp5:
0x73: {  	_ = 	snop;
	(pc) =	sbr.rel .LBB2_6-.Ltmp5, $1  }
0x74: {  	_ =	sdelay $0x3  }
.LBB2_8:
0x75: {  	_ =	sfence.sel $0x180000  }
0x76: {  	[bflag:$0x0] =	sbarrier.arrive $0xFFFF  }
0x77: {  	p0 =	sne.s32 s1, $0x0;
	_ =	strace $0x90000047  }
0x78: {  	s0 =	sadd.s32 @!p0 $0x100000, s0;
	[bflag:$0x2] =	sbarrier.arrive $0xFFFF  }
0x79: {  	[sflag:s0] =	ssyncadd.tile.s32 @!p0 $0x1;
	_ =	shalt  }
.Lfunc_end2:
_tile_overlayer_lowered:
.L_overlay_start_2:
0x7a: {  	(tag) =	ssettag $0x2  }
0x7b: {  	s0 =	rddreg [dreg:$0x0];
	s2 =	stileid.u32  }
0x7c: {  	s1 =	rddreg [dreg:$0x1];
	p0 =	sne.s32 s2, $0x0  }
0x7d: {  	s3 =	rddreg [dreg:$0x2];
	[bflag:$0x3] =	sbarrier.arrive $0xFFFF;
	s2 =	simm.s32 @!p0 $0x1C01  }
0x7e: {  	[timem:s3], [sflag:s2] =	dma.local @!p0 [hbm:s0], s1  }
0x7f: {  	s0 =	simm.s32 @!p0 $0x1  }
0x80: {  	_ =	swait.ge @!p0 [sflag:s0], s1  }
0x81: {  	s1 =	ssub.s32 @!p0 $0x0, s1;
	[sflag:s0] =	ssyncset.done @!p0 $0x0  }
0x82: {  	[sflag:s0] =	ssyncadd.s32 @!p0 s1  }
0x83: {  	[bflag:$0x3] =	sbarrier.arrive $0xFFFF  }
0x84: {  	_ =	shalt  }

// kernel: kernel.14.cloned.1.call-start
scs
__scs_entry_jumppad:
0x0: {  	(pc) =	sbr.rel $0x88, $3  }
0x1: {  	(tag) =	ssettag $0x0;
	lr =	simm.s32 $0x1  }
0x2: {  	[smem:$0x3F91] =	sst lr;
	_ =	strace $0xD0000000  }
0x3: {  	_ = 	snop  }
0x4: {  	_ = 	snop  }
0x5: {  	_ = 	snop  }
0x6: {  	_ = 	snop  }
0x7: {  	_ = 	snop  }
__scs_overlays_trampoline_lowered:
0x8: {  	[smem:$0x3FA0] =	sst s0  }
0x9: {  	[smem:$0x3FA1] =	sst s1  }
0xa: {  	[smem:$0x3FA2] =	sst s2  }
0xb: {  	[smem:$0x3FA3] =	sst s3  }
0xc: {  	[smem:$0x3FA4] =	sst s4  }
0xd: {  	[smem:$0x3FA5] =	sst s5  }
0xe: {  	[smem:$0x3FA6] =	sst s6  }
0xf: {  	[smem:$0x3FA7] =	sst s7  }
0x10: {  	[smem:$0x3FA8] =	sst s8  }
0x11: {  	[smem:$0x3FA9] =	sst s9;
	s0 =	simm.s32 @!p0 $0x0  }
0x12: {  	s1 =	sld [smem:$0x3F8F];
	s0 =	simm.s32 @p0 $0x1  }
0x13: {  	[smem:$0x3FAA] =	sst s0;
	s0 =	simm.s32 @!p1 $0x0  }
0x14: {  	s2 =	sld [smem:$0x3F8E];
	s0 =	simm.s32 @p1 $0x1  }
0x15: {  	[smem:$0x3FAB] =	sst s0;
	s0 =	simm.s32 @!p2 $0x0  }
0x16: {  	s3 =	sld [smem:$0x3FDB];
	s0 =	simm.s32 @p2 $0x1  }
0x17: {  	s4 =	simm.s32 $0x1BF5;
	[smem:$0x3FAD] =	sst s0  }
0x18: {  	s0 =	sld [smem:$0x3F90];
	_ =	swait.ge [sflag:s4], $0x0  }
0x19: {  	s7 =	sld [smem:$0x3F91]  }
0x1a: {  	s8 =	sadd.s32 $0xFFFFE003, lr  }
0x1b: {  	s9 =	sadd.s32 $0xFFFFFEF7, lr;
	s5 =	simm.s32 $0xFFFFFFFF;
	p2 =	slt.u32 s8, $0xFFFFF086  }
0x1c: {  	p1 =	slt.u32 s9, $0xF7A;
	s5 =	simm.s32 @!p2 $0x0  }
0x1d: {  	s5 =	simm.s32 @p1 $0x1;
	p0 =	seq.s32 s7, s2  }
0x1e: {  	s7 =	smul.u32 @!p0 $0xF7A, s2;
	p2 =	seq.s32 @!p0 s5, $0x0  }
0x1f: {  	s9 =	smul.u32 $0xF7A, s1;
	s8 =	simm.s32 @!p0 $0x1BF5;
	p2 =	por !p2, p0  }
0x20: {  	[sflag:s8] =	ssyncset.s32 @!p0 $0xFFFFF086;
	s6 =	sadd.s32 @!p0 s3, s7;
	s7 =	simm.s32 @!p0 $0x108  }
0x21: {  	s3 =	sadd.s32 s3, s9;
	s6 =	sadd.s32 @!p0 $0x88, s6;
	s7 =	simm.s32 @p2 $0x1082  }
0x22: {  	[simem:s7], [sflag:s8] =	dma.local @!p0 [hbm:s6], $0xF7A  }
0x23: {  	s9 =	sor.u32 $0xD0000000, s2;
	s6 =	simm.s32 $0x108;
	_ =	swait.ge @!p0 [sflag:s8], $0x0  }
0x24: {  	s3 =	sadd.s32 $0x88, s3;
	s6 =	simm.s32 @!p1 $0x1082;
	[sflag:s4] =	ssyncset.s32 $0xFFFFF086  }
0x25: {  	[simem:s6], [sflag:s4] =	dma.local [hbm:s3], $0xF7A  }
0x26: {  	[smem:$0x3F91] =	sst s1;
	(tag) =	ssettag s2;
	_ =	strace s9  }
0x27: {  	s1 =	sld [smem:$0x3FA1]  }
0x28: {  	s2 =	sld [smem:$0x3FA2]  }
0x29: {  	s4 =	sld [smem:$0x3FA4]  }
0x2a: {  	p0 =	seq.s32 s5, $0x0;
	s5 =	sld [smem:$0x3FA5]  }
0x2b: {  	s6 =	sld [smem:$0x3FA6]  }
0x2c: {  	s7 =	sld [smem:$0x3FA7]  }
0x2d: {  	s3 =	simm.s32 $0x108;
	s8 =	sld [smem:$0x3FA8]  }
0x2e: {  	s3 =	simm.s32 @!p0 $0x1082;
	s9 =	sld [smem:$0x3FA9]  }
0x2f: {  	lr =	sadd.s32 s0, s3;
	s0 =	sld [smem:$0x3FA0]  }
0x30: {  	s3 =	sld [smem:$0x3FA3]  }
0x31: {  	[smem:$0x3FAC] =	sst s10  }
0x32: {  	s10 =	sld [smem:$0x3FAA];
	_ =	sdelay $0x3  }
0x33: {  	p0 =	seq.s32 s10, $0x1;
	s10 =	sld [smem:$0x3FAC];
	_ =	sdelay $0x3  }
0x34: {  	[smem:$0x3FAC] =	sst s10  }
0x35: {  	s10 =	sld [smem:$0x3FAB];
	_ =	sdelay $0x3  }
0x36: {  	p1 =	seq.s32 s10, $0x1;
	s10 =	sld [smem:$0x3FAC];
	_ =	sdelay $0x3  }
0x37: {  	[smem:$0x3FAC] =	sst s10  }
0x38: {  	s10 =	sld [smem:$0x3FAD]  }
0x39: {  	_ = 	snop;
	(pc) =	sbr.ind lr, $3  }
0x3a: {  	_ = 	snop  }
0x3b: {  	_ = 	snop  }
0x3c: {  	p2 =	seq.s32 s10, $0x1;
	s10 =	sld [smem:$0x3FAC]  }
0x3d: {  	_ =	shalt  }
0x3e: {  	_ =	shalt  }
0x3f: {  	_ =	shalt  }
0x40: {  	_ =	shalt  }
0x41: {  	_ =	shalt  }
0x42: {  	_ =	shalt  }
0x43: {  	_ =	shalt  }
0x44: {  	_ =	shalt  }
0x45: {  	_ =	shalt  }
0x46: {  	_ =	shalt  }
0x47: {  	_ =	shalt  }
0x48: {  	_ =	shalt  }
0x49: {  	_ =	shalt  }
0x4a: {  	_ =	shalt  }
0x4b: {  	_ =	shalt  }
0x4c: {  	_ =	shalt  }
0x4d: {  	_ =	shalt  }
0x4e: {  	_ =	shalt  }
0x4f: {  	_ =	shalt  }
0x50: {  	_ =	shalt  }
0x51: {  	_ =	shalt  }
0x52: {  	_ =	shalt  }
0x53: {  	_ =	shalt  }
0x54: {  	_ =	shalt  }
0x55: {  	_ =	shalt  }
0x56: {  	_ =	shalt  }
0x57: {  	_ =	shalt  }
0x58: {  	_ =	shalt  }
0x59: {  	_ =	shalt  }
0x5a: {  	_ =	shalt  }
0x5b: {  	_ =	shalt  }
0x5c: {  	_ =	shalt  }
0x5d: {  	_ =	shalt  }
0x5e: {  	_ =	shalt  }
0x5f: {  	_ =	shalt  }
0x60: {  	_ =	shalt  }
0x61: {  	_ =	shalt  }
0x62: {  	_ =	shalt  }
0x63: {  	_ =	shalt  }
0x64: {  	_ =	shalt  }
0x65: {  	_ =	shalt  }
0x66: {  	_ =	shalt  }
0x67: {  	_ =	shalt  }
0x68: {  	_ =	shalt  }
0x69: {  	_ =	shalt  }
0x6a: {  	_ =	shalt  }
0x6b: {  	_ =	shalt  }
0x6c: {  	_ =	shalt  }
0x6d: {  	_ =	shalt  }
0x6e: {  	_ =	shalt  }
0x6f: {  	_ =	shalt  }
0x70: {  	_ =	shalt  }
0x71: {  	_ =	shalt  }
0x72: {  	_ =	shalt  }
0x73: {  	_ =	shalt  }
0x74: {  	_ =	shalt  }
0x75: {  	_ =	shalt  }
0x76: {  	_ =	shalt  }
0x77: {  	_ =	shalt  }
0x78: {  	_ =	shalt  }
0x79: {  	_ =	shalt  }
0x7a: {  	_ =	shalt  }
0x7b: {  	_ =	shalt  }
0x7c: {  	_ =	shalt  }
0x7d: {  	_ =	shalt  }
0x7e: {  	_ =	shalt  }
0x7f: {  	_ =	shalt  }
0x80: {  	_ =	shalt  }
0x81: {  	_ =	shalt  }
0x82: {  	_ =	shalt  }
0x83: {  	_ =	shalt  }
0x84: {  	_ =	shalt  }
0x85: {  	_ =	shalt  }
0x86: {  	_ =	shalt  }
0x87: {  	_ =	shalt  }
.Lfunc_end0:
.L_simem_size_0:
called_computation.1_lowered:
.L_overlay_start_0:
0x88: {  	s2 =	sld [smem:$0x3FD9]  }
0x89: {  	s3 =	sld [smem:$0x3FFE];
	_ =	sdelay $0x1  }
0x8a: {  	s1 =	srdreg.scid  }
0x8b: {  	s0 =	sand.u32 $0x1, s1  }
0x8c: {  	s17 =	sshll.u32 s0, $0xA;
	s2 =	sadd.s32 s3, s2  }
0x8d: {  	s2 =	sadd.s32 s2, s17  }
0x8e: {  	[smem:$0x3FB8] =	sst s2  }
0x8f: {  	_ = 	snop  }
0x90: {  	(tm) =	ssettm $0x1  }
0x91: {  	s18 =	sld [smem:$0x3FFB];
	_ =	sdelay $0x3  }
0x92: {  	_ =	strace s18  }
0x93: {  	s2 =	sld [smem:$0x3FFC];
	_ =	sdelay $0x3  }
0x94: {  	_ =	strace s2  }
0x95: {  	s2 =	sld [smem:$0x3FFD];
	_ =	sdelay $0x3  }
0x96: {  	_ =	strace s2  }
0x97: {  	_ =	strace $0x8FFFFFFF  }
0x98: {  	s19 =	sld [smem:$0x3FDB];
	_ =	sdelay $0x1  }
0x99: {  	s20 =	simm.s32 $_scs_section_size  }
0x9a: {  	s4 =	simm.s32 $_size__tile_overlayer_lowered;
	s5 =	simm.s32 $_tile_overlayer_lowered  }
0x9b: {  	s6 =	simm.s32 $0x1BFF;
	s21 =	sshll.u32 s5, $0x1;
	s3 =	sadd.s32 s20, s19  }
0x9c: {  	s22 =	simm.s32 $0x0;
	s4 =	sshll.u32 s4, $0x1;
	s5 =	sadd.s32 s21, s3  }
0x9d: {  	[timem:s22], [sflag:s6] =	dma.local [hbm:s5], s4  }
0x9e: {  	_ =	swait.ge [sflag:s6], s4  }
0x9f: {  	s4 =	ssub.s32 $0x0, s4;
	[sflag:s6] =	ssyncset.done $0x0  }
0xa0: {  	[sflag:s6] =	ssyncadd.s32 s4;
	_ =	sdelay $0x1  }
0xa1: {  	s23 =	simm.s32 $0x1B8B  }
0xa2: {  	_ =	swait.ge [sflag:s23], $0x1  }
0xa3: {  	[sflag:s23] =	ssyncset.done $0x0  }
0xa4: {  	[sflag:s23] =	ssyncadd.s32 $0xFFFFFFFF  }
0xa5: {  	s4 =	sld [smem:$0x0]  }
0xa6: {  	s5 =	sand.u32 $0xFFFFFFFE, s1  }
0xa7: {  	p0 =	sne.s32 s1, s5  }
0xa8: {  	s5 =	sshll.u32 @p0 s5, $0xE  }
0xa9: {  	s5 =	sadd.s32 @p0 $0x11B8D, s5;
	s6 =	sshll.u32 @p0 s4, $0x11  }
0xaa: {  	s5 =	sor.u32 @p0 s6, s5  }
0xab: {  	[sflag:s5] =	ssyncadd.remote.s32 @p0 $0x1;
	_ =	sdelay $0x1  }
0xac: {  	s5 =	simm.s32 @p0 $0x1B8D  }
0xad: {  	_ =	swait.eq @p0 [sflag:s5], $0x1  }
0xae: {  	[sflag:s5] =	ssyncadd.s32 @p0 $0xFFFFFFFF  }
0xaf: {  	s6 =	sshll.u32 @!p0 s1, $0xE  }
0xb0: {  	s6 =	sor.u32 @!p0 $0x4000, s6;
	s5 =	simm.s32 @!p0 $0x1B8D  }
0xb1: {  	s4 =	sshll.u32 @!p0 s4, $0x11;
	s6 =	sadd.s32 @!p0 $0x11B8D, s6;
	_ =	swait.eq @!p0 [sflag:s5], $0x1  }
0xb2: {  	s4 =	sor.u32 @!p0 s4, s6;
	[sflag:s5] =	ssyncadd.s32 @!p0 $0xFFFFFFFF  }
0xb3: {  	s25 =	simm.s32 $0x1B8E;
	s24 =	sld [smem:$0x3FFE];
	[sflag:s4] =	ssyncadd.remote.s32 @!p0 $0x1  }
0xb4: {  	s26 =	simm.s32 $execute0_lowered;
	[smem:$0x3FD2] =	sst s25  }
0xb5: {  	s5 =	sshll.u32 s26, $0x1;
	_ =	strace $0x80000049;
	[dreg:$0x1] =	wrdreg $0xFFFFFFFF  }
0xb6: {  	s28 =	simm.s32 $_size_execute0_lowered;
	s3 =	sadd.s32 s3, s5;
	[dreg:$0x0] =	wrdreg $0x0  }
0xb7: {  	s5 =	sshll.u32 s28, $0x1;
	[dreg:$0x2] =	wrdreg s3  }
0xb8: {  	[dreg:$0x3] =	wrdreg s5  }
0xb9: {  	[dreg:$0x4] =	wrdreg $0xC0  }
0xba: {  	_ =	task [dreg:s22], $0x5FFFF  }
0xbb: {  	[dreg:$0x1] =	wrdreg $0xFFFFFFFF  }
0xbc: {  	[dreg:$0x0] =	wrdreg $0x60  }
0xbd: {  	[dreg:$0x2] =	wrdreg s24  }
0xbe: {  	[dreg:$0x3] =	wrdreg $0x41800  }
0xbf: {  	[dreg:$0x4] =	wrdreg $0xA  }
0xc0: {  	_ =	task.clear_ibuf [dreg:s22], $0x5FFFF;
	_ =	strace $0x90000049  }
0xc1: {  	s29 =	simm.s32 $0xA;
	_ =	strace $0x8000004B  }
0xc2: {  	_ =	swait.ge [sflag:s29], $0x1  }
0xc3: {  	[sflag:s29] =	ssyncadd.s32 $0xFFFFFFFF  }
0xc4: {  	_ =	strace $0x9000004B  }
0xc5: {  	_ =	sfence  }
0xc6: {  	s30 =	sld [smem:$0x0];
	_ =	sdelay $0x2  }
0xc7: {  	s31 =	sshll.u32 s1, $0xD;
	s1 =	sshrl.u32 s1, $0x2  }
0xc8: {  	s4 =	sand.u32 $0x4000, s31;
	s1 =	sadd.s32 s1, s30  }
0xc9: {  	s0 =	sor.u32 s4, s0;
	s1 =	sshll.u32 s1, $0x11  }
0xca: {  	s0 =	sor.u32 s1, s0  }
0xcb: {  	s0 =	sadd.s32 $0x8F2B, s0  }
0xcc: {  	[sflag:s0] =	ssyncadd.remote.s32 $0x1  }
0xcd: {  	_ =	sfence.sel $0xFFFF  }
0xce: {  	[dreg:$0x0] =	wrdreg $0xFFFFFFFF;
	(pc) =	sbr.abs _section_cstart, $3  }
0xcf: {  	[dreg:$0x1] =	wrdreg $0xFFFFFFFF  }
0xd0: {  	_ =	task.clear_ibuf [dreg:s22], $0x2FFFF;
	_ =	strace $0x9FFFFFFF  }
0xd1: {  	(tm) =	ssettm $0x7FFFFFFF  }
tec
execute0_lowered:
.L_overlay_start_1:
0x0: {  	(tag) =	ssettag $0x1  }
0x1: {  	s6 =	rddreg [dreg:$0x0]  }
0x2: {  	s2 =	rddreg [dreg:$0x1]  }
0x3: {  	s0 =	rddreg [dreg:$0x2];
	s3 =	simm.s32 $0x0;
	s1 =	stileid.u32  }
0x4: {  	s7 =	srdreg.scid;
	s14 =	simm.s32 $0x80;
	s15 =	simm.s32 $0x180  }
0x5: {  	s18 =	simm.s32 $0x0;
	[smem:$0x7FF] =	sst s3;
	s5 =	smul.u32 $0x4F0, s1  }
0x6: {  	s4 =	sadd.s32 $0xC400, s6;
	s7 =	sand.u32 $0x1, s7;
	s8 =	smul.u32 $0x4F000, s1  }
0x7: {  	s9 =	sadd.s32 $0xACC00, s6;
	s10 =	smul.u32 $0x278, s1;
	s29 =	sshll.u32 s1, $0x6  }
0x8: {  	_ =	strace $0x8000004A;
	s26 =	ssub.s32 $0x2, s7;
	s16 =	smul.u32 $0x4F00, s7  }
0x9: {  	s11 =	sadd.s32 s5, s6;
	s5 =	sadd.s32 $0xAA400, s6;
	s28 =	sshrl.u32 s26, $0x1  }
0xa: {  	s8 =	sshrl.u32 s8, $0x2;
	s6 =	sor.u32 $0x1C02, s29;
	s12 =	ssub.s32 s26, s28  }
0xb: {  	s13 =	sadd.s32 s8, s2;
	s17 =	sadd.s32 $0x2780, s16;
	s30 =	sadd.s32 s10, s16  }
0xc: {  	v0 =	vmov s16;
	s16 =	simm.s32 $0x1;
	s31 =	sadd.s32 s10, s17;
	s7 =	sshll.u32 s30, $0x4  }
0xd: {  	s10 =	sadd.s32 $0x1E00, s11;
	s11 =	sadd.s32 $0x7400, s11;
	s8 =	sshll.u32 s31, $0x4  }
0xe: {  	v1 =	vmov s17;
	s17 =	simm.s32 $0x100;
	s7 =	sadd.s32 s9, s7;
	s8 =	sadd.s32 s9, s8  }
0xf: {  	s9 =	smax.u32 s12, $0x1;
	s12 =	sshrl.u32 s13, $0x3;
	s13 =	simm.s32 $0x2  }
.LBB2_1:
0x10: {  	[spmem:s12], [sflag:s6] =	dma.local [hbm:s5], $0x2780  }
0x11: {  	_ =	swait.ge [sflag:s13], $0x2780  }
0x12: {  	[sflag:s13] =	ssyncset.done $0x0  }
0x13: {  	[sflag:s13] =	ssyncadd.s32 $0xFFFFD880  }
0x14: {  	s19 =	sadd.s32 $0x0, s11;
	[bflag:$0x0] =	sbarrier.arrive $0xFFFF  }
0x15: {  	[tilespmem:s3], [sflag:$0x2] =	stream.linear.gather [hbm4b:s19+s3], $0x80, $0x38;
	[tilespmem:$0x17D80] =	vst v63  }
0x16: {  	_ =	swait.ge [sflag:s13], $0x80  }
0x17: {  	[sflag:s13] =	ssyncset.done $0x0  }
0x18: {  	[sflag:s13] =	ssyncadd.s32 $0xFFFFFF80  }
0x19: {  	v2 =	vld [tilespmem:$0x70]  }
0x1a: {  	v3 =	vld [tilespmem:$0x30]  }
0x1b: {  	v6 =	vld [tilespmem:$0x20]  }
0x1c: {  	v4 =	vld [tilespmem:$0x50]  }
0x1d: {  	v5 =	vld [tilespmem:$0x60]  }
0x1e: {  	v7 =	vld [tilespmem:$0x10];
	v2 =	vadd.s32 v0, v2  }
0x1f: {  	v8 =	vld [tilespmem:$0x40];
	v3 =	vadd.s32 v0, v3;
	[tilespmem:$0xF0] =	vst v2  }
0x20: {  	v63 =	vadd.s32 v0, v6;
	v2 =	vld [tilespmem:$0x0];
	[tilespmem:$0xB0] =	vst v3  }
0x21: {  	v3 =	vadd.s32 v0, v4;
	[tilespmem:$0xA0] =	vst v63  }
0x22: {  	[tilespmem:$0xD0] =	vst v3;
	v3 =	vadd.s32 v0, v5  }
0x23: {  	[tilespmem:$0xE0] =	vst v3;
	v3 =	vadd.s32 v0, v7  }
0x24: {  	[tilespmem:$0x90] =	vst v3;
	v3 =	vadd.s32 v0, v8  }
0x25: {  	[tilespmem:$0xC0] =	vst v3;
	v2 =	vadd.s32 v0, v2  }
0x26: {  	[tilespmem:$0x80] =	vst v2  }
0x27: {  	[tilespmem:s15], [sflag:$0x1] =	stream.indirect.gather [hbm4b:s4+s14], $0x80, s14, s14, $0xb8;
	[tilespmem:$0x17D80] =	vst v63  }
0x28: {  	_ =	swait.ge [sflag:s16], $0x4000  }
0x29: {  	[sflag:s16] =	ssyncset.done $0x0  }
0x2a: {  	s20 =	sadd.s32 $0x0, s10;
	s19 =	simm.s32 $0x10;
	[sflag:s16] =	ssyncadd.s32 $0xFFFFC000  }
.LBB2_2:
0x2b: {  	[tilespmem:s17], [sflag:$0x2] =	stream.linear.gather [hbm4b:s20+s3], $0x80, $0x38;
	[tilespmem:$0x17D80] =	vst v63  }
0x2c: {  	s20 =	smov.u32 s19  }
0x2d: {  	p0 =	sne.s32 s19, $0x4E0;
	s19 =	sadd.s32 $0x10, s19;
	_ =	swait.ge [sflag:s13], $0x80  }
0x2e: {  	[sflag:s13] =	ssyncset.done $0x0  }
0x2f: {  	[sflag:s13] =	ssyncadd.s32 $0xFFFFFF80  }
0x30: {  	[spmem:s2] =	stream.indirect.scatter.add.f32 [tilespmem:s15], [sflag:$0x2], $0x80, s17, s14, $0xb8;
	[tilespmem:$0x17D80] =	vst v63  }
0x31: {  	_ =	swait.ge [sflag:s13], $0x4000  }
0x32: {  	[sflag:s13] =	ssyncset.done $0x0  }
0x33: {  	s21 =	sadd.s32 s20, s11;
	[sflag:s13] =	ssyncadd.s32 $0xFFFFC000  }
0x34: {  	[tilespmem:s3], [sflag:$0x2] =	stream.linear.gather [hbm4b:s21+s3], $0x80, $0x38;
	[tilespmem:$0x17D80] =	vst v63  }
0x35: {  	_ =	swait.ge [sflag:s13], $0x80  }
0x36: {  	[sflag:s13] =	ssyncset.done $0x0  }
0x37: {  	[sflag:s13] =	ssyncadd.s32 $0xFFFFFF80  }
0x38: {  	v2 =	vld [tilespmem:$0x70]  }
0x39: {  	v3 =	vld [tilespmem:$0x30]  }
0x3a: {  	v4 =	vld [tilespmem:$0x50]  }
0x3b: {  	v5 =	vld [tilespmem:$0x60]  }
0x3c: {  	v6 =	vld [tilespmem:$0x20]  }
0x3d: {  	v7 =	vld [tilespmem:$0x10];
	v2 =	vadd.s32 v0, v2  }
0x3e: {  	v3 =	vadd.s32 v0, v3;
	v8 =	vld [tilespmem:$0x40];
	[tilespmem:$0xF0] =	vst v2  }
0x3f: {  	v2 =	vld [tilespmem:$0x0];
	[tilespmem:$0xB0] =	vst v3;
	v3 =	vadd.s32 v0, v4  }
0x40: {  	[tilespmem:$0xD0] =	vst v3;
	v3 =	vadd.s32 v0, v5  }
0x41: {  	v4 =	vadd.s32 v0, v6;
	[tilespmem:$0xE0] =	vst v3  }
0x42: {  	v3 =	vadd.s32 v0, v7;
	[tilespmem:$0xA0] =	vst v4  }
0x43: {  	[tilespmem:$0x90] =	vst v3;
	v3 =	vadd.s32 v0, v8  }
0x44: {  	v2 =	vadd.s32 v0, v2;
	[tilespmem:$0xC0] =	vst v3  }
.Ltmp0:
0x45: {  	[tilespmem:$0x80] =	vst v2;
	(pc) =	sbr.rel @p0 .LBB2_2-.Ltmp0, $4  }
0x46: {  	[tilespmem:s15], [sflag:$0x1] =	stream.indirect.gather [hbm4b:s4+s14], $0x80, s14, s14, $0xb8;
	[tilespmem:$0x17D80] =	vst v63  }
0x47: {  	_ =	swait.ge [sflag:s16], $0x4000  }
0x48: {  	[sflag:s16] =	ssyncset.done $0x0  }
0x49: {  	s20 =	sadd.s32 s20, s10;
	[sflag:s16] =	ssyncadd.s32 $0xFFFFC000  }
0x4a: {  	[tilespmem:s17], [sflag:$0x2] =	stream.linear.gather [hbm4b:s20+s3], $0x80, $0x38;
	[tilespmem:$0x17D80] =	vst v63  }
0x4b: {  	_ =	swait.ge [sflag:s13], $0x80  }
0x4c: {  	[sflag:s13] =	ssyncset.done $0x0  }
0x4d: {  	[sflag:s13] =	ssyncadd.s32 $0xFFFFFF80  }
0x4e: {  	[spmem:s2] =	stream.indirect.scatter.add.f32 [tilespmem:s15], [sflag:$0x2], $0x80, s17, s14, $0xb8;
	[tilespmem:$0x17D80] =	vst v63  }
0x4f: {  	_ =	swait.ge [sflag:s13], $0x4000  }
0x50: {  	[sflag:s13] =	ssyncset.done $0x0  }
0x51: {  	[sflag:s13] =	ssyncadd.s32 $0xFFFFC000  }
0x52: {  	[bflag:$0x0] =	sbarrier.arrive $0xFFFF  }
0x53: {  	[hbm:s7], [sflag:s6] =	dma.local [spmem:s12], $0x2780  }
0x54: {  	_ =	swait.ge [sflag:s13], $0x2780  }
0x55: {  	[sflag:s13] =	ssyncset.done $0x0  }
0x56: {  	[sflag:s13] =	ssyncadd.s32 $0xFFFFD880  }
0x57: {  	[bflag:$0x0] =	sbarrier.arrive $0xFFFF  }
0x58: {  	[spmem:s12], [sflag:s6] =	dma.local [hbm:s5], $0x2780  }
0x59: {  	_ =	swait.ge [sflag:s13], $0x2780  }
0x5a: {  	[sflag:s13] =	ssyncset.done $0x0  }
0x5b: {  	[sflag:s13] =	ssyncadd.s32 $0xFFFFD880  }
0x5c: {  	s19 =	sadd.s32 $0x0, s11;
	[bflag:$0x0] =	sbarrier.arrive $0xFFFF  }
0x5d: {  	[tilespmem:s3], [sflag:$0x2] =	stream.linear.gather [hbm4b:s19+s3], $0x80, $0x38;
	[tilespmem:$0x17D80] =	vst v63  }
0x5e: {  	_ =	swait.ge [sflag:s13], $0x80  }
0x5f: {  	[sflag:s13] =	ssyncset.done $0x0  }
0x60: {  	[sflag:s13] =	ssyncadd.s32 $0xFFFFFF80  }
0x61: {  	v2 =	vld [tilespmem:$0x70]  }
0x62: {  	v3 =	vld [tilespmem:$0x30]  }
0x63: {  	v6 =	vld [tilespmem:$0x20]  }
0x64: {  	v4 =	vld [tilespmem:$0x50]  }
0x65: {  	v5 =	vld [tilespmem:$0x60]  }
0x66: {  	v7 =	vld [tilespmem:$0x10];
	v2 =	vadd.s32 v1, v2  }
0x67: {  	v8 =	vld [tilespmem:$0x40];
	v3 =	vadd.s32 v1, v3;
	[tilespmem:$0xF0] =	vst v2  }
0x68: {  	v63 =	vadd.s32 v1, v6;
	v2 =	vld [tilespmem:$0x0];
	[tilespmem:$0xB0] =	vst v3  }
0x69: {  	v3 =	vadd.s32 v1, v4;
	[tilespmem:$0xA0] =	vst v63  }
0x6a: {  	[tilespmem:$0xD0] =	vst v3;
	v3 =	vadd.s32 v1, v5  }
0x6b: {  	[tilespmem:$0xE0] =	vst v3;
	v3 =	vadd.s32 v1, v7  }
0x6c: {  	[tilespmem:$0x90] =	vst v3;
	v3 =	vadd.s32 v1, v8  }
0x6d: {  	[tilespmem:$0xC0] =	vst v3;
	v2 =	vadd.s32 v1, v2  }
0x6e: {  	[tilespmem:$0x80] =	vst v2  }
0x6f: {  	[tilespmem:s15], [sflag:$0x1] =	stream.indirect.gather [hbm4b:s4+s14], $0x80, s14, s14, $0xb8;
	[tilespmem:$0x17D80] =	vst v63  }
0x70: {  	_ =	swait.ge [sflag:s16], $0x4000  }
0x71: {  	[sflag:s16] =	ssyncset.done $0x0  }
0x72: {  	s20 =	sadd.s32 $0x0, s10;
	s19 =	simm.s32 $0x10;
	[sflag:s16] =	ssyncadd.s32 $0xFFFFC000  }
.LBB2_4:
0x73: {  	[tilespmem:s17], [sflag:$0x2] =	stream.linear.gather [hbm4b:s20+s3], $0x80, $0x38;
	[tilespmem:$0x17D80] =	vst v63  }
0x74: {  	s20 =	smov.u32 s19  }
0x75: {  	p0 =	sne.s32 s19, $0x4E0;
	s19 =	sadd.s32 $0x10, s19;
	_ =	swait.ge [sflag:s13], $0x80  }
0x76: {  	[sflag:s13] =	ssyncset.done $0x0  }
0x77: {  	[sflag:s13] =	ssyncadd.s32 $0xFFFFFF80  }
0x78: {  	[spmem:s2] =	stream.indirect.scatter.add.f32 [tilespmem:s15], [sflag:$0x2], $0x80, s17, s14, $0xb8;
	[tilespmem:$0x17D80] =	vst v63  }
0x79: {  	_ =	swait.ge [sflag:s13], $0x4000  }
0x7a: {  	[sflag:s13] =	ssyncset.done $0x0  }
0x7b: {  	s21 =	sadd.s32 s20, s11;
	[sflag:s13] =	ssyncadd.s32 $0xFFFFC000  }
0x7c: {  	[tilespmem:s3], [sflag:$0x2] =	stream.linear.gather [hbm4b:s21+s3], $0x80, $0x38;
	[tilespmem:$0x17D80] =	vst v63  }
0x7d: {  	_ =	swait.ge [sflag:s13], $0x80  }
0x7e: {  	[sflag:s13] =	ssyncset.done $0x0  }
0x7f: {  	[sflag:s13] =	ssyncadd.s32 $0xFFFFFF80  }
0x80: {  	v2 =	vld [tilespmem:$0x70]  }
0x81: {  	v3 =	vld [tilespmem:$0x30]  }
0x82: {  	v4 =	vld [tilespmem:$0x50]  }
0x83: {  	v5 =	vld [tilespmem:$0x60]  }
0x84: {  	v6 =	vld [tilespmem:$0x20]  }
0x85: {  	v7 =	vld [tilespmem:$0x10];
	v2 =	vadd.s32 v1, v2  }
0x86: {  	v3 =	vadd.s32 v1, v3;
	v8 =	vld [tilespmem:$0x40];
	[tilespmem:$0xF0] =	vst v2  }
0x87: {  	v2 =	vld [tilespmem:$0x0];
	[tilespmem:$0xB0] =	vst v3;
	v3 =	vadd.s32 v1, v4  }
0x88: {  	[tilespmem:$0xD0] =	vst v3;
	v3 =	vadd.s32 v1, v5  }
0x89: {  	v4 =	vadd.s32 v1, v6;
	[tilespmem:$0xE0] =	vst v3  }
0x8a: {  	v3 =	vadd.s32 v1, v7;
	[tilespmem:$0xA0] =	vst v4  }
0x8b: {  	[tilespmem:$0x90] =	vst v3;
	v3 =	vadd.s32 v1, v8  }
0x8c: {  	v2 =	vadd.s32 v1, v2;
	[tilespmem:$0xC0] =	vst v3  }
.Ltmp1:
0x8d: {  	[tilespmem:$0x80] =	vst v2;
	(pc) =	sbr.rel @p0 .LBB2_4-.Ltmp1, $4  }
0x8e: {  	[tilespmem:s15], [sflag:$0x1] =	stream.indirect.gather [hbm4b:s4+s14], $0x80, s14, s14, $0xb8;
	[tilespmem:$0x17D80] =	vst v63  }
0x8f: {  	_ =	swait.ge [sflag:s16], $0x4000  }
0x90: {  	[sflag:s16] =	ssyncset.done $0x0  }
0x91: {  	s20 =	sadd.s32 s20, s10;
	[sflag:s16] =	ssyncadd.s32 $0xFFFFC000  }
0x92: {  	[tilespmem:s17], [sflag:$0x2] =	stream.linear.gather [hbm4b:s20+s3], $0x80, $0x38;
	[tilespmem:$0x17D80] =	vst v63  }
0x93: {  	_ =	swait.ge [sflag:s13], $0x80  }
0x94: {  	[sflag:s13] =	ssyncset.done $0x0  }
0x95: {  	[sflag:s13] =	ssyncadd.s32 $0xFFFFFF80  }
0x96: {  	[spmem:s2] =	stream.indirect.scatter.add.f32 [tilespmem:s15], [sflag:$0x2], $0x80, s17, s14, $0xb8;
	[tilespmem:$0x17D80] =	vst v63  }
0x97: {  	_ =	swait.ge [sflag:s13], $0x4000  }
0x98: {  	[sflag:s13] =	ssyncset.done $0x0  }
0x99: {  	s18 =	sadd.s32 $0x1, s18;
	[sflag:s13] =	ssyncadd.s32 $0xFFFFC000  }
0x9a: {  	p0 =	sne.s32 s18, s9;
	[bflag:$0x0] =	sbarrier.arrive $0xFFFF  }
0x9b: {  	[hbm:s8], [sflag:s6] =	dma.local [spmem:s12], $0x2780  }
.Ltmp2:
0x9c: {  	_ =	swait.ge [sflag:s13], $0x2780;
	(pc) =	sbr.rel @p0 .LBB2_1-.Ltmp2, $3  }
0x9d: {  	[sflag:s13] =	ssyncset.done $0x0  }
0x9e: {  	[sflag:s13] =	ssyncadd.s32 $0xFFFFD880  }
0x9f: {  	[bflag:$0x0] =	sbarrier.arrive $0xFFFF;
	_ =	sdelay $0x1  }
0xa0: {  	_ =	sfence.sel $0x180000  }
0xa1: {  	[bflag:$0x0] =	sbarrier.arrive $0xFFFF  }
0xa2: {  	p0 =	sne.s32 s1, $0x0;
	_ =	strace $0x9000004A  }
0xa3: {  	s0 =	sadd.s32 @!p0 $0x100000, s0;
	[bflag:$0x2] =	sbarrier.arrive $0xFFFF  }
0xa4: {  	[sflag:s0] =	ssyncadd.tile.s32 @!p0 $0x1;
	_ =	shalt  }
.Lfunc_end2:
_tile_overlayer_lowered:
.L_overlay_start_2:
0xa5: {  	(tag) =	ssettag $0x2  }
0xa6: {  	s0 =	rddreg [dreg:$0x0];
	s2 =	stileid.u32  }
0xa7: {  	s1 =	rddreg [dreg:$0x1];
	p0 =	sne.s32 s2, $0x0  }
0xa8: {  	s3 =	rddreg [dreg:$0x2];
	[bflag:$0x3] =	sbarrier.arrive $0xFFFF;
	s2 =	simm.s32 @!p0 $0x1C02  }
0xa9: {  	[timem:s3], [sflag:s2] =	dma.local @!p0 [hbm:s0], s1  }
0xaa: {  	s0 =	simm.s32 @!p0 $0x2  }
0xab: {  	_ =	swait.ge @!p0 [sflag:s0], s1  }
0xac: {  	s1 =	ssub.s32 @!p0 $0x0, s1;
	[sflag:s0] =	ssyncset.done @!p0 $0x0  }
0xad: {  	[sflag:s0] =	ssyncadd.s32 @!p0 s1  }
0xae: {  	[bflag:$0x3] =	sbarrier.arrive $0xFFFF  }
0xaf: {  	_ =	shalt  }

// kernel: kernel.17.cloned.1.call-start
scs
__scs_entry_jumppad:
0x0: {  	(pc) =	sbr.rel $0x88, $3  }
0x1: {  	(tag) =	ssettag $0x0;
	lr =	simm.s32 $0x1  }
0x2: {  	[smem:$0x3F91] =	sst lr;
	_ =	strace $0xD0000000  }
0x3: {  	_ = 	snop  }
0x4: {  	_ = 	snop  }
0x5: {  	_ = 	snop  }
0x6: {  	_ = 	snop  }
0x7: {  	_ = 	snop  }
__scs_overlays_trampoline_lowered:
0x8: {  	[smem:$0x3FA0] =	sst s0  }
0x9: {  	[smem:$0x3FA1] =	sst s1  }
0xa: {  	[smem:$0x3FA2] =	sst s2  }
0xb: {  	[smem:$0x3FA3] =	sst s3  }
0xc: {  	[smem:$0x3FA4] =	sst s4  }
0xd: {  	[smem:$0x3FA5] =	sst s5  }
0xe: {  	[smem:$0x3FA6] =	sst s6  }
0xf: {  	[smem:$0x3FA7] =	sst s7  }
0x10: {  	[smem:$0x3FA8] =	sst s8  }
0x11: {  	[smem:$0x3FA9] =	sst s9;
	s0 =	simm.s32 @!p0 $0x0  }
0x12: {  	s1 =	sld [smem:$0x3F8F];
	s0 =	simm.s32 @p0 $0x1  }
0x13: {  	[smem:$0x3FAA] =	sst s0;
	s0 =	simm.s32 @!p1 $0x0  }
0x14: {  	s2 =	sld [smem:$0x3F8E];
	s0 =	simm.s32 @p1 $0x1  }
0x15: {  	[smem:$0x3FAB] =	sst s0;
	s0 =	simm.s32 @!p2 $0x0  }
0x16: {  	s3 =	sld [smem:$0x3FDB];
	s0 =	simm.s32 @p2 $0x1  }
0x17: {  	s4 =	simm.s32 $0x1BF5;
	[smem:$0x3FAD] =	sst s0  }
0x18: {  	s0 =	sld [smem:$0x3F90];
	_ =	swait.ge [sflag:s4], $0x0  }
0x19: {  	s7 =	sld [smem:$0x3F91]  }
0x1a: {  	s8 =	sadd.s32 $0xFFFFE003, lr  }
0x1b: {  	s9 =	sadd.s32 $0xFFFFFEF7, lr;
	s5 =	simm.s32 $0xFFFFFFFF;
	p2 =	slt.u32 s8, $0xFFFFF086  }
0x1c: {  	p1 =	slt.u32 s9, $0xF7A;
	s5 =	simm.s32 @!p2 $0x0  }
0x1d: {  	s5 =	simm.s32 @p1 $0x1;
	p0 =	seq.s32 s7, s2  }
0x1e: {  	s7 =	smul.u32 @!p0 $0xF7A, s2;
	p2 =	seq.s32 @!p0 s5, $0x0  }
0x1f: {  	s9 =	smul.u32 $0xF7A, s1;
	s8 =	simm.s32 @!p0 $0x1BF5;
	p2 =	por !p2, p0  }
0x20: {  	[sflag:s8] =	ssyncset.s32 @!p0 $0xFFFFF086;
	s6 =	sadd.s32 @!p0 s3, s7;
	s7 =	simm.s32 @!p0 $0x108  }
0x21: {  	s3 =	sadd.s32 s3, s9;
	s6 =	sadd.s32 @!p0 $0x88, s6;
	s7 =	simm.s32 @p2 $0x1082  }
0x22: {  	[simem:s7], [sflag:s8] =	dma.local @!p0 [hbm:s6], $0xF7A  }
0x23: {  	s9 =	sor.u32 $0xD0000000, s2;
	s6 =	simm.s32 $0x108;
	_ =	swait.ge @!p0 [sflag:s8], $0x0  }
0x24: {  	s3 =	sadd.s32 $0x88, s3;
	s6 =	simm.s32 @!p1 $0x1082;
	[sflag:s4] =	ssyncset.s32 $0xFFFFF086  }
0x25: {  	[simem:s6], [sflag:s4] =	dma.local [hbm:s3], $0xF7A  }
0x26: {  	[smem:$0x3F91] =	sst s1;
	(tag) =	ssettag s2;
	_ =	strace s9  }
0x27: {  	s1 =	sld [smem:$0x3FA1]  }
0x28: {  	s2 =	sld [smem:$0x3FA2]  }
0x29: {  	s4 =	sld [smem:$0x3FA4]  }
0x2a: {  	p0 =	seq.s32 s5, $0x0;
	s5 =	sld [smem:$0x3FA5]  }
0x2b: {  	s6 =	sld [smem:$0x3FA6]  }
0x2c: {  	s7 =	sld [smem:$0x3FA7]  }
0x2d: {  	s3 =	simm.s32 $0x108;
	s8 =	sld [smem:$0x3FA8]  }
0x2e: {  	s3 =	simm.s32 @!p0 $0x1082;
	s9 =	sld [smem:$0x3FA9]  }
0x2f: {  	lr =	sadd.s32 s0, s3;
	s0 =	sld [smem:$0x3FA0]  }
0x30: {  	s3 =	sld [smem:$0x3FA3]  }
0x31: {  	[smem:$0x3FAC] =	sst s10  }
0x32: {  	s10 =	sld [smem:$0x3FAA];
	_ =	sdelay $0x3  }
0x33: {  	p0 =	seq.s32 s10, $0x1;
	s10 =	sld [smem:$0x3FAC];
	_ =	sdelay $0x3  }
0x34: {  	[smem:$0x3FAC] =	sst s10  }
0x35: {  	s10 =	sld [smem:$0x3FAB];
	_ =	sdelay $0x3  }
0x36: {  	p1 =	seq.s32 s10, $0x1;
	s10 =	sld [smem:$0x3FAC];
	_ =	sdelay $0x3  }
0x37: {  	[smem:$0x3FAC] =	sst s10  }
0x38: {  	s10 =	sld [smem:$0x3FAD]  }
0x39: {  	_ = 	snop;
	(pc) =	sbr.ind lr, $3  }
0x3a: {  	_ = 	snop  }
0x3b: {  	_ = 	snop  }
0x3c: {  	p2 =	seq.s32 s10, $0x1;
	s10 =	sld [smem:$0x3FAC]  }
0x3d: {  	_ =	shalt  }
0x3e: {  	_ =	shalt  }
0x3f: {  	_ =	shalt  }
0x40: {  	_ =	shalt  }
0x41: {  	_ =	shalt  }
0x42: {  	_ =	shalt  }
0x43: {  	_ =	shalt  }
0x44: {  	_ =	shalt  }
0x45: {  	_ =	shalt  }
0x46: {  	_ =	shalt  }
0x47: {  	_ =	shalt  }
0x48: {  	_ =	shalt  }
0x49: {  	_ =	shalt  }
0x4a: {  	_ =	shalt  }
0x4b: {  	_ =	shalt  }
0x4c: {  	_ =	shalt  }
0x4d: {  	_ =	shalt  }
0x4e: {  	_ =	shalt  }
0x4f: {  	_ =	shalt  }
0x50: {  	_ =	shalt  }
0x51: {  	_ =	shalt  }
0x52: {  	_ =	shalt  }
0x53: {  	_ =	shalt  }
0x54: {  	_ =	shalt  }
0x55: {  	_ =	shalt  }
0x56: {  	_ =	shalt  }
0x57: {  	_ =	shalt  }
0x58: {  	_ =	shalt  }
0x59: {  	_ =	shalt  }
0x5a: {  	_ =	shalt  }
0x5b: {  	_ =	shalt  }
0x5c: {  	_ =	shalt  }
0x5d: {  	_ =	shalt  }
0x5e: {  	_ =	shalt  }
0x5f: {  	_ =	shalt  }
0x60: {  	_ =	shalt  }
0x61: {  	_ =	shalt  }
0x62: {  	_ =	shalt  }
0x63: {  	_ =	shalt  }
0x64: {  	_ =	shalt  }
0x65: {  	_ =	shalt  }
0x66: {  	_ =	shalt  }
0x67: {  	_ =	shalt  }
0x68: {  	_ =	shalt  }
0x69: {  	_ =	shalt  }
0x6a: {  	_ =	shalt  }
0x6b: {  	_ =	shalt  }
0x6c: {  	_ =	shalt  }
0x6d: {  	_ =	shalt  }
0x6e: {  	_ =	shalt  }
0x6f: {  	_ =	shalt  }
0x70: {  	_ =	shalt  }
0x71: {  	_ =	shalt  }
0x72: {  	_ =	shalt  }
0x73: {  	_ =	shalt  }
0x74: {  	_ =	shalt  }
0x75: {  	_ =	shalt  }
0x76: {  	_ =	shalt  }
0x77: {  	_ =	shalt  }
0x78: {  	_ =	shalt  }
0x79: {  	_ =	shalt  }
0x7a: {  	_ =	shalt  }
0x7b: {  	_ =	shalt  }
0x7c: {  	_ =	shalt  }
0x7d: {  	_ =	shalt  }
0x7e: {  	_ =	shalt  }
0x7f: {  	_ =	shalt  }
0x80: {  	_ =	shalt  }
0x81: {  	_ =	shalt  }
0x82: {  	_ =	shalt  }
0x83: {  	_ =	shalt  }
0x84: {  	_ =	shalt  }
0x85: {  	_ =	shalt  }
0x86: {  	_ =	shalt  }
0x87: {  	_ =	shalt  }
.Lfunc_end0:
.L_simem_size_0:
called_computation.2_lowered:
.L_overlay_start_0:
0x88: {  	s2 =	sld [smem:$0x3FD9]  }
0x89: {  	s3 =	sld [smem:$0x3FFE];
	_ =	sdelay $0x1  }
0x8a: {  	s1 =	srdreg.scid  }
0x8b: {  	s0 =	sand.u32 $0x1, s1  }
0x8c: {  	s16 =	sshll.u32 s0, $0xA;
	s2 =	sadd.s32 s3, s2  }
0x8d: {  	s2 =	sadd.s32 s2, s16  }
0x8e: {  	[smem:$0x3FB8] =	sst s2  }
0x8f: {  	_ = 	snop  }
0x90: {  	(tm) =	ssettm $0x1  }
0x91: {  	s17 =	sld [smem:$0x3FFB];
	_ =	sdelay $0x3  }
0x92: {  	_ =	strace s17  }
0x93: {  	s2 =	sld [smem:$0x3FFC];
	_ =	sdelay $0x3  }
0x94: {  	_ =	strace s2  }
0x95: {  	s2 =	sld [smem:$0x3FFD];
	_ =	sdelay $0x3  }
0x96: {  	_ =	strace s2  }
0x97: {  	_ =	strace $0x8FFFFFFF  }
0x98: {  	s18 =	sld [smem:$0x3FDB];
	_ =	sdelay $0x1  }
0x99: {  	s19 =	simm.s32 $_scs_section_size  }
0x9a: {  	s4 =	simm.s32 $_size__tile_overlayer_lowered;
	s5 =	simm.s32 $_tile_overlayer_lowered  }
0x9b: {  	s22 =	simm.s32 $0x1BFF;
	s21 =	sshll.u32 s5, $0x1;
	s2 =	sadd.s32 s19, s18  }
0x9c: {  	s6 =	simm.s32 $0x0;
	s20 =	sshll.u32 s4, $0x1;
	s4 =	sadd.s32 s21, s2  }
0x9d: {  	[timem:s6], [sflag:s22] =	dma.local [hbm:s4], s20  }
0x9e: {  	_ =	swait.ge [sflag:s22], s20  }
0x9f: {  	s3 =	ssub.s32 $0x0, s20;
	[sflag:s22] =	ssyncset.done $0x0  }
0xa0: {  	[sflag:s22] =	ssyncadd.s32 s3;
	_ =	sdelay $0x1  }
0xa1: {  	s23 =	simm.s32 $0x1B8B  }
0xa2: {  	_ =	swait.ge [sflag:s23], $0x1  }
0xa3: {  	[sflag:s23] =	ssyncset.done $0x0  }
0xa4: {  	s25 =	simm.s32 $0x1B8E;
	s24 =	sld [smem:$0x3FFE];
	[sflag:s23] =	ssyncadd.s32 $0xFFFFFFFF  }
0xa5: {  	s26 =	simm.s32 $execute0_lowered;
	[smem:$0x3FD2] =	sst s25  }
0xa6: {  	s4 =	sshll.u32 s26, $0x1;
	_ =	strace $0x8000004C;
	[dreg:$0x1] =	wrdreg $0xFFFFFFFF  }
0xa7: {  	s28 =	simm.s32 $_size_execute0_lowered;
	s2 =	sadd.s32 s2, s4;
	[dreg:$0x0] =	wrdreg $0x0  }
0xa8: {  	s4 =	sshll.u32 s28, $0x1;
	[dreg:$0x2] =	wrdreg s2  }
0xa9: {  	[dreg:$0x3] =	wrdreg s4  }
0xaa: {  	[dreg:$0x4] =	wrdreg $0xC0  }
0xab: {  	_ =	task [dreg:s6], $0x5FFFF  }
0xac: {  	[dreg:$0x1] =	wrdreg $0xFFFFFFFF  }
0xad: {  	[dreg:$0x0] =	wrdreg $0x60  }
0xae: {  	[dreg:$0x2] =	wrdreg s24  }
0xaf: {  	[dreg:$0x3] =	wrdreg $0x41800  }
0xb0: {  	[dreg:$0x4] =	wrdreg $0x9  }
0xb1: {  	_ =	task.clear_ibuf [dreg:s6], $0x5FFFF;
	_ =	strace $0x9000004C  }
0xb2: {  	s29 =	simm.s32 $0x9;
	_ =	strace $0x8000004E  }
0xb3: {  	_ =	swait.ge [sflag:s29], $0x1  }
0xb4: {  	[sflag:s29] =	ssyncadd.s32 $0xFFFFFFFF  }
0xb5: {  	_ =	strace $0x9000004E  }
0xb6: {  	_ =	sfence  }
0xb7: {  	s30 =	sld [smem:$0x0];
	_ =	sdelay $0x2  }
0xb8: {  	s31 =	sshll.u32 s1, $0xD;
	s1 =	sshrl.u32 s1, $0x2  }
0xb9: {  	s3 =	sand.u32 $0x4000, s31;
	s1 =	sadd.s32 s1, s30  }
0xba: {  	s0 =	sor.u32 s3, s0;
	s1 =	sshll.u32 s1, $0x11  }
0xbb: {  	s0 =	sor.u32 s1, s0  }
0xbc: {  	s0 =	sadd.s32 $0x8F2B, s0  }
0xbd: {  	[sflag:s0] =	ssyncadd.remote.s32 $0x1  }
0xbe: {  	_ =	sfence.sel $0xFFFF  }
0xbf: {  	[dreg:$0x0] =	wrdreg $0xFFFFFFFF;
	(pc) =	sbr.abs _section_cstart, $3  }
0xc0: {  	[dreg:$0x1] =	wrdreg $0xFFFFFFFF  }
0xc1: {  	_ =	task.clear_ibuf [dreg:s6], $0x2FFFF;
	_ =	strace $0x9FFFFFFF  }
0xc2: {  	(tm) =	ssettm $0x7FFFFFFF  }
0xc3: {  	_ =	shalt  }
tec
execute0_lowered:
.L_overlay_start_1:
0x0: {  	(tag) =	ssettag $0x1  }
0x1: {  	s6 =	rddreg [dreg:$0x0]  }
0x2: {  	s2 =	rddreg [dreg:$0x1]  }
0x3: {  	s0 =	rddreg [dreg:$0x2];
	s3 =	simm.s32 $0x0;
	s1 =	stileid.u32  }
0x4: {  	s7 =	srdreg.scid;
	s14 =	simm.s32 $0x80;
	s15 =	simm.s32 $0x180  }
0x5: {  	s18 =	simm.s32 $0x0;
	[smem:$0x7FF] =	sst s3;
	s5 =	smul.u32 $0x4F0, s1  }
0x6: {  	s4 =	sadd.s32 $0x14AC00, s6;
	s7 =	sand.u32 $0x1, s7;
	s8 =	smul.u32 $0x4F000, s1  }
0x7: {  	s9 =	sadd.s32 $0xACC00, s6;
	s10 =	smul.u32 $0x278, s1;
	s29 =	sshll.u32 s1, $0x6  }
0x8: {  	_ =	strace $0x8000004D;
	s26 =	ssub.s32 $0x2, s7;
	s16 =	smul.u32 $0x4F00, s7  }
0x9: {  	s11 =	sadd.s32 s5, s6;
	s5 =	sadd.s32 $0xAA400, s6;
	s28 =	sshrl.u32 s26, $0x1  }
0xa: {  	s8 =	sshrl.u32 s8, $0x2;
	s6 =	sor.u32 $0x1C02, s29;
	s12 =	ssub.s32 s26, s28  }
0xb: {  	s13 =	sadd.s32 s8, s2;
	s17 =	sadd.s32 $0x2780, s16;
	s30 =	sadd.s32 s10, s16  }
0xc: {  	v0 =	vmov s16;
	s16 =	simm.s32 $0x1;
	s31 =	sadd.s32 s10, s17;
	s7 =	sshll.u32 s30, $0x4  }
0xd: {  	s10 =	sadd.s32 $0x1E00, s11;
	s11 =	sadd.s32 $0x7400, s11;
	s8 =	sshll.u32 s31, $0x4  }
0xe: {  	v1 =	vmov s17;
	s17 =	simm.s32 $0x100;
	s7 =	sadd.s32 s9, s7;
	s8 =	sadd.s32 s9, s8  }
0xf: {  	s9 =	smax.u32 s12, $0x1;
	s12 =	sshrl.u32 s13, $0x3;
	s13 =	simm.s32 $0x2  }
.LBB2_1:
0x10: {  	[spmem:s12], [sflag:s6] =	dma.local [hbm:s5], $0x2780  }
0x11: {  	_ =	swait.ge [sflag:s13], $0x2780  }
0x12: {  	[sflag:s13] =	ssyncset.done $0x0  }
0x13: {  	[sflag:s13] =	ssyncadd.s32 $0xFFFFD880  }
0x14: {  	s19 =	sadd.s32 $0x0, s11;
	[bflag:$0x0] =	sbarrier.arrive $0xFFFF  }
0x15: {  	[tilespmem:s3], [sflag:$0x2] =	stream.linear.gather [hbm4b:s19+s3], $0x80, $0x38;
	[tilespmem:$0x17D80] =	vst v63  }
0x16: {  	_ =	swait.ge [sflag:s13], $0x80  }
0x17: {  	[sflag:s13] =	ssyncset.done $0x0  }
0x18: {  	[sflag:s13] =	ssyncadd.s32 $0xFFFFFF80  }
0x19: {  	v2 =	vld [tilespmem:$0x70]  }
0x1a: {  	v3 =	vld [tilespmem:$0x30]  }
0x1b: {  	v6 =	vld [tilespmem:$0x20]  }
0x1c: {  	v4 =	vld [tilespmem:$0x50]  }
0x1d: {  	v5 =	vld [tilespmem:$0x60]  }
0x1e: {  	v7 =	vld [tilespmem:$0x10];
	v2 =	vadd.s32 v0, v2  }
0x1f: {  	v8 =	vld [tilespmem:$0x40];
	v3 =	vadd.s32 v0, v3;
	[tilespmem:$0xF0] =	vst v2  }
0x20: {  	v63 =	vadd.s32 v0, v6;
	v2 =	vld [tilespmem:$0x0];
	[tilespmem:$0xB0] =	vst v3  }
0x21: {  	v3 =	vadd.s32 v0, v4;
	[tilespmem:$0xA0] =	vst v63  }
0x22: {  	[tilespmem:$0xD0] =	vst v3;
	v3 =	vadd.s32 v0, v5  }
0x23: {  	[tilespmem:$0xE0] =	vst v3;
	v3 =	vadd.s32 v0, v7  }
0x24: {  	[tilespmem:$0x90] =	vst v3;
	v3 =	vadd.s32 v0, v8  }
0x25: {  	[tilespmem:$0xC0] =	vst v3;
	v2 =	vadd.s32 v0, v2  }
0x26: {  	[tilespmem:$0x80] =	vst v2  }
0x27: {  	[tilespmem:s15], [sflag:$0x1] =	stream.indirect.gather [hbm4b:s4+s14], $0x80, s14, s14, $0xb8;
	[tilespmem:$0x17D80] =	vst v63  }
0x28: {  	_ =	swait.ge [sflag:s16], $0x4000  }
0x29: {  	[sflag:s16] =	ssyncset.done $0x0  }
0x2a: {  	s20 =	sadd.s32 $0x0, s10;
	s19 =	simm.s32 $0x10;
	[sflag:s16] =	ssyncadd.s32 $0xFFFFC000  }
.LBB2_2:
0x2b: {  	[tilespmem:s17], [sflag:$0x2] =	stream.linear.gather [hbm4b:s20+s3], $0x80, $0x38;
	[tilespmem:$0x17D80] =	vst v63  }
0x2c: {  	s20 =	smov.u32 s19  }
0x2d: {  	p0 =	sne.s32 s19, $0x4E0;
	s19 =	sadd.s32 $0x10, s19;
	_ =	swait.ge [sflag:s13], $0x80  }
0x2e: {  	[sflag:s13] =	ssyncset.done $0x0  }
0x2f: {  	[sflag:s13] =	ssyncadd.s32 $0xFFFFFF80  }
0x30: {  	[spmem:s2] =	stream.indirect.scatter.add.f32 [tilespmem:s15], [sflag:$0x2], $0x80, s17, s14, $0xb8;
	[tilespmem:$0x17D80] =	vst v63  }
0x31: {  	_ =	swait.ge [sflag:s13], $0x4000  }
0x32: {  	[sflag:s13] =	ssyncset.done $0x0  }
0x33: {  	s21 =	sadd.s32 s20, s11;
	[sflag:s13] =	ssyncadd.s32 $0xFFFFC000  }
0x34: {  	[tilespmem:s3], [sflag:$0x2] =	stream.linear.gather [hbm4b:s21+s3], $0x80, $0x38;
	[tilespmem:$0x17D80] =	vst v63  }
0x35: {  	_ =	swait.ge [sflag:s13], $0x80  }
0x36: {  	[sflag:s13] =	ssyncset.done $0x0  }
0x37: {  	[sflag:s13] =	ssyncadd.s32 $0xFFFFFF80  }
0x38: {  	v2 =	vld [tilespmem:$0x70]  }
0x39: {  	v3 =	vld [tilespmem:$0x30]  }
0x3a: {  	v4 =	vld [tilespmem:$0x50]  }
0x3b: {  	v5 =	vld [tilespmem:$0x60]  }
0x3c: {  	v6 =	vld [tilespmem:$0x20]  }
0x3d: {  	v7 =	vld [tilespmem:$0x10];
	v2 =	vadd.s32 v0, v2  }
0x3e: {  	v3 =	vadd.s32 v0, v3;
	v8 =	vld [tilespmem:$0x40];
	[tilespmem:$0xF0] =	vst v2  }
0x3f: {  	v2 =	vld [tilespmem:$0x0];
	[tilespmem:$0xB0] =	vst v3;
	v3 =	vadd.s32 v0, v4  }
0x40: {  	[tilespmem:$0xD0] =	vst v3;
	v3 =	vadd.s32 v0, v5  }
0x41: {  	v4 =	vadd.s32 v0, v6;
	[tilespmem:$0xE0] =	vst v3  }
0x42: {  	v3 =	vadd.s32 v0, v7;
	[tilespmem:$0xA0] =	vst v4  }
0x43: {  	[tilespmem:$0x90] =	vst v3;
	v3 =	vadd.s32 v0, v8  }
0x44: {  	v2 =	vadd.s32 v0, v2;
	[tilespmem:$0xC0] =	vst v3  }
.Ltmp0:
0x45: {  	[tilespmem:$0x80] =	vst v2;
	(pc) =	sbr.rel @p0 .LBB2_2-.Ltmp0, $4  }
0x46: {  	[tilespmem:s15], [sflag:$0x1] =	stream.indirect.gather [hbm4b:s4+s14], $0x80, s14, s14, $0xb8;
	[tilespmem:$0x17D80] =	vst v63  }
0x47: {  	_ =	swait.ge [sflag:s16], $0x4000  }
0x48: {  	[sflag:s16] =	ssyncset.done $0x0  }
0x49: {  	s20 =	sadd.s32 s20, s10;
	[sflag:s16] =	ssyncadd.s32 $0xFFFFC000  }
0x4a: {  	[tilespmem:s17], [sflag:$0x2] =	stream.linear.gather [hbm4b:s20+s3], $0x80, $0x38;
	[tilespmem:$0x17D80] =	vst v63  }
0x4b: {  	_ =	swait.ge [sflag:s13], $0x80  }
0x4c: {  	[sflag:s13] =	ssyncset.done $0x0  }
0x4d: {  	[sflag:s13] =	ssyncadd.s32 $0xFFFFFF80  }
0x4e: {  	[spmem:s2] =	stream.indirect.scatter.add.f32 [tilespmem:s15], [sflag:$0x2], $0x80, s17, s14, $0xb8;
	[tilespmem:$0x17D80] =	vst v63  }
0x4f: {  	_ =	swait.ge [sflag:s13], $0x4000  }
0x50: {  	[sflag:s13] =	ssyncset.done $0x0  }
0x51: {  	[sflag:s13] =	ssyncadd.s32 $0xFFFFC000  }
0x52: {  	[bflag:$0x0] =	sbarrier.arrive $0xFFFF  }
0x53: {  	[hbm:s7], [sflag:s6] =	dma.local [spmem:s12], $0x2780  }
0x54: {  	_ =	swait.ge [sflag:s13], $0x2780  }
0x55: {  	[sflag:s13] =	ssyncset.done $0x0  }
0x56: {  	[sflag:s13] =	ssyncadd.s32 $0xFFFFD880  }
0x57: {  	[bflag:$0x0] =	sbarrier.arrive $0xFFFF  }
0x58: {  	[spmem:s12], [sflag:s6] =	dma.local [hbm:s5], $0x2780  }
0x59: {  	_ =	swait.ge [sflag:s13], $0x2780  }
0x5a: {  	[sflag:s13] =	ssyncset.done $0x0  }
0x5b: {  	[sflag:s13] =	ssyncadd.s32 $0xFFFFD880  }
0x5c: {  	s19 =	sadd.s32 $0x0, s11;
	[bflag:$0x0] =	sbarrier.arrive $0xFFFF  }
0x5d: {  	[tilespmem:s3], [sflag:$0x2] =	stream.linear.gather [hbm4b:s19+s3], $0x80, $0x38;
	[tilespmem:$0x17D80] =	vst v63  }
0x5e: {  	_ =	swait.ge [sflag:s13], $0x80  }
0x5f: {  	[sflag:s13] =	ssyncset.done $0x0  }
0x60: {  	[sflag:s13] =	ssyncadd.s32 $0xFFFFFF80  }
0x61: {  	v2 =	vld [tilespmem:$0x70]  }
0x62: {  	v3 =	vld [tilespmem:$0x30]  }
0x63: {  	v6 =	vld [tilespmem:$0x20]  }
0x64: {  	v4 =	vld [tilespmem:$0x50]  }
0x65: {  	v5 =	vld [tilespmem:$0x60]  }
0x66: {  	v7 =	vld [tilespmem:$0x10];
	v2 =	vadd.s32 v1, v2  }
0x67: {  	v8 =	vld [tilespmem:$0x40];
	v3 =	vadd.s32 v1, v3;
	[tilespmem:$0xF0] =	vst v2  }
0x68: {  	v63 =	vadd.s32 v1, v6;
	v2 =	vld [tilespmem:$0x0];
	[tilespmem:$0xB0] =	vst v3  }
0x69: {  	v3 =	vadd.s32 v1, v4;
	[tilespmem:$0xA0] =	vst v63  }
0x6a: {  	[tilespmem:$0xD0] =	vst v3;
	v3 =	vadd.s32 v1, v5  }
0x6b: {  	[tilespmem:$0xE0] =	vst v3;
	v3 =	vadd.s32 v1, v7  }
0x6c: {  	[tilespmem:$0x90] =	vst v3;
	v3 =	vadd.s32 v1, v8  }
0x6d: {  	[tilespmem:$0xC0] =	vst v3;
	v2 =	vadd.s32 v1, v2  }
0x6e: {  	[tilespmem:$0x80] =	vst v2  }
0x6f: {  	[tilespmem:s15], [sflag:$0x1] =	stream.indirect.gather [hbm4b:s4+s14], $0x80, s14, s14, $0xb8;
	[tilespmem:$0x17D80] =	vst v63  }
0x70: {  	_ =	swait.ge [sflag:s16], $0x4000  }
0x71: {  	[sflag:s16] =	ssyncset.done $0x0  }
0x72: {  	s20 =	sadd.s32 $0x0, s10;
	s19 =	simm.s32 $0x10;
	[sflag:s16] =	ssyncadd.s32 $0xFFFFC000  }
.LBB2_4:
0x73: {  	[tilespmem:s17], [sflag:$0x2] =	stream.linear.gather [hbm4b:s20+s3], $0x80, $0x38;
	[tilespmem:$0x17D80] =	vst v63  }
0x74: {  	s20 =	smov.u32 s19  }
0x75: {  	p0 =	sne.s32 s19, $0x4E0;
	s19 =	sadd.s32 $0x10, s19;
	_ =	swait.ge [sflag:s13], $0x80  }
0x76: {  	[sflag:s13] =	ssyncset.done $0x0  }
0x77: {  	[sflag:s13] =	ssyncadd.s32 $0xFFFFFF80  }
0x78: {  	[spmem:s2] =	stream.indirect.scatter.add.f32 [tilespmem:s15], [sflag:$0x2], $0x80, s17, s14, $0xb8;
	[tilespmem:$0x17D80] =	vst v63  }
0x79: {  	_ =	swait.ge [sflag:s13], $0x4000  }
0x7a: {  	[sflag:s13] =	ssyncset.done $0x0  }
0x7b: {  	s21 =	sadd.s32 s20, s11;
	[sflag:s13] =	ssyncadd.s32 $0xFFFFC000  }
0x7c: {  	[tilespmem:s3], [sflag:$0x2] =	stream.linear.gather [hbm4b:s21+s3], $0x80, $0x38;
	[tilespmem:$0x17D80] =	vst v63  }
0x7d: {  	_ =	swait.ge [sflag:s13], $0x80  }
0x7e: {  	[sflag:s13] =	ssyncset.done $0x0  }
0x7f: {  	[sflag:s13] =	ssyncadd.s32 $0xFFFFFF80  }
0x80: {  	v2 =	vld [tilespmem:$0x70]  }
0x81: {  	v3 =	vld [tilespmem:$0x30]  }
0x82: {  	v4 =	vld [tilespmem:$0x50]  }
0x83: {  	v5 =	vld [tilespmem:$0x60]  }
0x84: {  	v6 =	vld [tilespmem:$0x20]  }
0x85: {  	v7 =	vld [tilespmem:$0x10];
	v2 =	vadd.s32 v1, v2  }
0x86: {  	v3 =	vadd.s32 v1, v3;
	v8 =	vld [tilespmem:$0x40];
	[tilespmem:$0xF0] =	vst v2  }
0x87: {  	v2 =	vld [tilespmem:$0x0];
	[tilespmem:$0xB0] =	vst v3;
	v3 =	vadd.s32 v1, v4  }
0x88: {  	[tilespmem:$0xD0] =	vst v3;
	v3 =	vadd.s32 v1, v5  }
0x89: {  	v4 =	vadd.s32 v1, v6;
	[tilespmem:$0xE0] =	vst v3  }
0x8a: {  	v3 =	vadd.s32 v1, v7;
	[tilespmem:$0xA0] =	vst v4  }
0x8b: {  	[tilespmem:$0x90] =	vst v3;
	v3 =	vadd.s32 v1, v8  }
0x8c: {  	v2 =	vadd.s32 v1, v2;
	[tilespmem:$0xC0] =	vst v3  }
.Ltmp1:
0x8d: {  	[tilespmem:$0x80] =	vst v2;
	(pc) =	sbr.rel @p0 .LBB2_4-.Ltmp1, $4  }
0x8e: {  	[tilespmem:s15], [sflag:$0x1] =	stream.indirect.gather [hbm4b:s4+s14], $0x80, s14, s14, $0xb8;
	[tilespmem:$0x17D80] =	vst v63  }
0x8f: {  	_ =	swait.ge [sflag:s16], $0x4000  }
0x90: {  	[sflag:s16] =	ssyncset.done $0x0  }
0x91: {  	s20 =	sadd.s32 s20, s10;
	[sflag:s16] =	ssyncadd.s32 $0xFFFFC000  }
0x92: {  	[tilespmem:s17], [sflag:$0x2] =	stream.linear.gather [hbm4b:s20+s3], $0x80, $0x38;
	[tilespmem:$0x17D80] =	vst v63  }
0x93: {  	_ =	swait.ge [sflag:s13], $0x80  }
0x94: {  	[sflag:s13] =	ssyncset.done $0x0  }
0x95: {  	[sflag:s13] =	ssyncadd.s32 $0xFFFFFF80  }
0x96: {  	[spmem:s2] =	stream.indirect.scatter.add.f32 [tilespmem:s15], [sflag:$0x2], $0x80, s17, s14, $0xb8;
	[tilespmem:$0x17D80] =	vst v63  }
0x97: {  	_ =	swait.ge [sflag:s13], $0x4000  }
0x98: {  	[sflag:s13] =	ssyncset.done $0x0  }
0x99: {  	s18 =	sadd.s32 $0x1, s18;
	[sflag:s13] =	ssyncadd.s32 $0xFFFFC000  }
0x9a: {  	p0 =	sne.s32 s18, s9;
	[bflag:$0x0] =	sbarrier.arrive $0xFFFF  }
0x9b: {  	[hbm:s8], [sflag:s6] =	dma.local [spmem:s12], $0x2780  }
.Ltmp2:
0x9c: {  	_ =	swait.ge [sflag:s13], $0x2780;
	(pc) =	sbr.rel @p0 .LBB2_1-.Ltmp2, $3  }
0x9d: {  	[sflag:s13] =	ssyncset.done $0x0  }
0x9e: {  	[sflag:s13] =	ssyncadd.s32 $0xFFFFD880  }
0x9f: {  	[bflag:$0x0] =	sbarrier.arrive $0xFFFF;
	_ =	sdelay $0x1  }
0xa0: {  	_ =	sfence.sel $0x180000  }
0xa1: {  	[bflag:$0x0] =	sbarrier.arrive $0xFFFF  }
0xa2: {  	p0 =	sne.s32 s1, $0x0;
	_ =	strace $0x9000004D  }
0xa3: {  	s0 =	sadd.s32 @!p0 $0x100000, s0;
	[bflag:$0x2] =	sbarrier.arrive $0xFFFF  }
0xa4: {  	[sflag:s0] =	ssyncadd.tile.s32 @!p0 $0x1;
	_ =	shalt  }
.Lfunc_end2:
_tile_overlayer_lowered:
.L_overlay_start_2:
0xa5: {  	(tag) =	ssettag $0x2  }
0xa6: {  	s0 =	rddreg [dreg:$0x0];
	s2 =	stileid.u32  }
0xa7: {  	s1 =	rddreg [dreg:$0x1];
	p0 =	sne.s32 s2, $0x0  }
0xa8: {  	s3 =	rddreg [dreg:$0x2];
	[bflag:$0x3] =	sbarrier.arrive $0xFFFF;
	s2 =	simm.s32 @!p0 $0x1C02  }
0xa9: {  	[timem:s3], [sflag:s2] =	dma.local @!p0 [hbm:s0], s1  }
0xaa: {  	s0 =	simm.s32 @!p0 $0x2  }
0xab: {  	_ =	swait.ge @!p0 [sflag:s0], s1  }
0xac: {  	s1 =	ssub.s32 @!p0 $0x0, s1;
	[sflag:s0] =	ssyncset.done @!p0 $0x0  }
0xad: {  	[sflag:s0] =	ssyncadd.s32 @!p0 s1  }
0xae: {  	[bflag:$0x3] =	sbarrier.arrive $0xFFFF  }
0xaf: {  	_ =	shalt  }

// kernel: kernel.20.cloned.1.call-start
scs
__scs_entry_jumppad:
0x0: {  	(pc) =	sbr.rel $0x88, $3  }
0x1: {  	(tag) =	ssettag $0x0;
	lr =	simm.s32 $0x1  }
0x2: {  	[smem:$0x3F91] =	sst lr;
	_ =	strace $0xD0000000  }
0x3: {  	_ = 	snop  }
0x4: {  	_ = 	snop  }
0x5: {  	_ = 	snop  }
0x6: {  	_ = 	snop  }
0x7: {  	_ = 	snop  }
__scs_overlays_trampoline_lowered:
0x8: {  	[smem:$0x3FA0] =	sst s0  }
0x9: {  	[smem:$0x3FA1] =	sst s1  }
0xa: {  	[smem:$0x3FA2] =	sst s2  }
0xb: {  	[smem:$0x3FA3] =	sst s3  }
0xc: {  	[smem:$0x3FA4] =	sst s4  }
0xd: {  	[smem:$0x3FA5] =	sst s5  }
0xe: {  	[smem:$0x3FA6] =	sst s6  }
0xf: {  	[smem:$0x3FA7] =	sst s7  }
0x10: {  	[smem:$0x3FA8] =	sst s8  }
0x11: {  	[smem:$0x3FA9] =	sst s9;
	s0 =	simm.s32 @!p0 $0x0  }
0x12: {  	s1 =	sld [smem:$0x3F8F];
	s0 =	simm.s32 @p0 $0x1  }
0x13: {  	[smem:$0x3FAA] =	sst s0;
	s0 =	simm.s32 @!p1 $0x0  }
0x14: {  	s2 =	sld [smem:$0x3F8E];
	s0 =	simm.s32 @p1 $0x1  }
0x15: {  	[smem:$0x3FAB] =	sst s0;
	s0 =	simm.s32 @!p2 $0x0  }
0x16: {  	s3 =	sld [smem:$0x3FDB];
	s0 =	simm.s32 @p2 $0x1  }
0x17: {  	s4 =	simm.s32 $0x1BF5;
	[smem:$0x3FAD] =	sst s0  }
0x18: {  	s0 =	sld [smem:$0x3F90];
	_ =	swait.ge [sflag:s4], $0x0  }
0x19: {  	s7 =	sld [smem:$0x3F91]  }
0x1a: {  	s8 =	sadd.s32 $0xFFFFE003, lr  }
0x1b: {  	s9 =	sadd.s32 $0xFFFFFEF7, lr;
	s5 =	simm.s32 $0xFFFFFFFF;
	p2 =	slt.u32 s8, $0xFFFFF086  }
0x1c: {  	p1 =	slt.u32 s9, $0xF7A;
	s5 =	simm.s32 @!p2 $0x0  }
0x1d: {  	s5 =	simm.s32 @p1 $0x1;
	p0 =	seq.s32 s7, s2  }
0x1e: {  	s7 =	smul.u32 @!p0 $0xF7A, s2;
	p2 =	seq.s32 @!p0 s5, $0x0  }
0x1f: {  	s9 =	smul.u32 $0xF7A, s1;
	s8 =	simm.s32 @!p0 $0x1BF5;
	p2 =	por !p2, p0  }
0x20: {  	[sflag:s8] =	ssyncset.s32 @!p0 $0xFFFFF086;
	s6 =	sadd.s32 @!p0 s3, s7;
	s7 =	simm.s32 @!p0 $0x108  }
0x21: {  	s3 =	sadd.s32 s3, s9;
	s6 =	sadd.s32 @!p0 $0x88, s6;
	s7 =	simm.s32 @p2 $0x1082  }
0x22: {  	[simem:s7], [sflag:s8] =	dma.local @!p0 [hbm:s6], $0xF7A  }
0x23: {  	s9 =	sor.u32 $0xD0000000, s2;
	s6 =	simm.s32 $0x108;
	_ =	swait.ge @!p0 [sflag:s8], $0x0  }
0x24: {  	s3 =	sadd.s32 $0x88, s3;
	s6 =	simm.s32 @!p1 $0x1082;
	[sflag:s4] =	ssyncset.s32 $0xFFFFF086  }
0x25: {  	[simem:s6], [sflag:s4] =	dma.local [hbm:s3], $0xF7A  }
0x26: {  	[smem:$0x3F91] =	sst s1;
	(tag) =	ssettag s2;
	_ =	strace s9  }
0x27: {  	s1 =	sld [smem:$0x3FA1]  }
0x28: {  	s2 =	sld [smem:$0x3FA2]  }
0x29: {  	s4 =	sld [smem:$0x3FA4]  }
0x2a: {  	p0 =	seq.s32 s5, $0x0;
	s5 =	sld [smem:$0x3FA5]  }
0x2b: {  	s6 =	sld [smem:$0x3FA6]  }
0x2c: {  	s7 =	sld [smem:$0x3FA7]  }
0x2d: {  	s3 =	simm.s32 $0x108;
	s8 =	sld [smem:$0x3FA8]  }
0x2e: {  	s3 =	simm.s32 @!p0 $0x1082;
	s9 =	sld [smem:$0x3FA9]  }
0x2f: {  	lr =	sadd.s32 s0, s3;
	s0 =	sld [smem:$0x3FA0]  }
0x30: {  	s3 =	sld [smem:$0x3FA3]  }
0x31: {  	[smem:$0x3FAC] =	sst s10  }
0x32: {  	s10 =	sld [smem:$0x3FAA];
	_ =	sdelay $0x3  }
0x33: {  	p0 =	seq.s32 s10, $0x1;
	s10 =	sld [smem:$0x3FAC];
	_ =	sdelay $0x3  }
0x34: {  	[smem:$0x3FAC] =	sst s10  }
0x35: {  	s10 =	sld [smem:$0x3FAB];
	_ =	sdelay $0x3  }
0x36: {  	p1 =	seq.s32 s10, $0x1;
	s10 =	sld [smem:$0x3FAC];
	_ =	sdelay $0x3  }
0x37: {  	[smem:$0x3FAC] =	sst s10  }
0x38: {  	s10 =	sld [smem:$0x3FAD]  }
0x39: {  	_ = 	snop;
	(pc) =	sbr.ind lr, $3  }
0x3a: {  	_ = 	snop  }
0x3b: {  	_ = 	snop  }
0x3c: {  	p2 =	seq.s32 s10, $0x1;
	s10 =	sld [smem:$0x3FAC]  }
0x3d: {  	_ =	shalt  }
0x3e: {  	_ =	shalt  }
0x3f: {  	_ =	shalt  }
0x40: {  	_ =	shalt  }
0x41: {  	_ =	shalt  }
0x42: {  	_ =	shalt  }
0x43: {  	_ =	shalt  }
0x44: {  	_ =	shalt  }
0x45: {  	_ =	shalt  }
0x46: {  	_ =	shalt  }
0x47: {  	_ =	shalt  }
0x48: {  	_ =	shalt  }
0x49: {  	_ =	shalt  }
0x4a: {  	_ =	shalt  }
0x4b: {  	_ =	shalt  }
0x4c: {  	_ =	shalt  }
0x4d: {  	_ =	shalt  }
0x4e: {  	_ =	shalt  }
0x4f: {  	_ =	shalt  }
0x50: {  	_ =	shalt  }
0x51: {  	_ =	shalt  }
0x52: {  	_ =	shalt  }
0x53: {  	_ =	shalt  }
0x54: {  	_ =	shalt  }
0x55: {  	_ =	shalt  }
0x56: {  	_ =	shalt  }
0x57: {  	_ =	shalt  }
0x58: {  	_ =	shalt  }
0x59: {  	_ =	shalt  }
0x5a: {  	_ =	shalt  }
0x5b: {  	_ =	shalt  }
0x5c: {  	_ =	shalt  }
0x5d: {  	_ =	shalt  }
0x5e: {  	_ =	shalt  }
0x5f: {  	_ =	shalt  }
0x60: {  	_ =	shalt  }
0x61: {  	_ =	shalt  }
0x62: {  	_ =	shalt  }
0x63: {  	_ =	shalt  }
0x64: {  	_ =	shalt  }
0x65: {  	_ =	shalt  }
0x66: {  	_ =	shalt  }
0x67: {  	_ =	shalt  }
0x68: {  	_ =	shalt  }
0x69: {  	_ =	shalt  }
0x6a: {  	_ =	shalt  }
0x6b: {  	_ =	shalt  }
0x6c: {  	_ =	shalt  }
0x6d: {  	_ =	shalt  }
0x6e: {  	_ =	shalt  }
0x6f: {  	_ =	shalt  }
0x70: {  	_ =	shalt  }
0x71: {  	_ =	shalt  }
0x72: {  	_ =	shalt  }
0x73: {  	_ =	shalt  }
0x74: {  	_ =	shalt  }
0x75: {  	_ =	shalt  }
0x76: {  	_ =	shalt  }
0x77: {  	_ =	shalt  }
0x78: {  	_ =	shalt  }
0x79: {  	_ =	shalt  }
0x7a: {  	_ =	shalt  }
0x7b: {  	_ =	shalt  }
0x7c: {  	_ =	shalt  }
0x7d: {  	_ =	shalt  }
0x7e: {  	_ =	shalt  }
0x7f: {  	_ =	shalt  }
0x80: {  	_ =	shalt  }
0x81: {  	_ =	shalt  }
0x82: {  	_ =	shalt  }
0x83: {  	_ =	shalt  }
0x84: {  	_ =	shalt  }
0x85: {  	_ =	shalt  }
0x86: {  	_ =	shalt  }
0x87: {  	_ =	shalt  }
.Lfunc_end0:
.L_simem_size_0:
called_computation.3_lowered:
.L_overlay_start_0:
0x88: {  	s2 =	sld [smem:$0x3FD9]  }
0x89: {  	s3 =	sld [smem:$0x3FFE];
	_ =	sdelay $0x1  }
0x8a: {  	s1 =	srdreg.scid  }
0x8b: {  	s0 =	sand.u32 $0x1, s1  }
0x8c: {  	s16 =	sshll.u32 s0, $0xA;
	s2 =	sadd.s32 s3, s2  }
0x8d: {  	s2 =	sadd.s32 s2, s16  }
0x8e: {  	[smem:$0x3FB8] =	sst s2  }
0x8f: {  	_ = 	snop  }
0x90: {  	(tm) =	ssettm $0x1  }
0x91: {  	s17 =	sld [smem:$0x3FFB];
	_ =	sdelay $0x3  }
0x92: {  	_ =	strace s17  }
0x93: {  	s2 =	sld [smem:$0x3FFC];
	_ =	sdelay $0x3  }
0x94: {  	_ =	strace s2  }
0x95: {  	s2 =	sld [smem:$0x3FFD];
	_ =	sdelay $0x3  }
0x96: {  	_ =	strace s2  }
0x97: {  	_ =	strace $0x8FFFFFFF  }
0x98: {  	s18 =	sld [smem:$0x3FDB];
	_ =	sdelay $0x1  }
0x99: {  	s19 =	simm.s32 $_scs_section_size  }
0x9a: {  	s4 =	simm.s32 $_size__tile_overlayer_lowered;
	s5 =	simm.s32 $_tile_overlayer_lowered  }
0x9b: {  	s22 =	simm.s32 $0x1BFF;
	s21 =	sshll.u32 s5, $0x1;
	s2 =	sadd.s32 s19, s18  }
0x9c: {  	s6 =	simm.s32 $0x0;
	s20 =	sshll.u32 s4, $0x1;
	s4 =	sadd.s32 s21, s2  }
0x9d: {  	[timem:s6], [sflag:s22] =	dma.local [hbm:s4], s20  }
0x9e: {  	_ =	swait.ge [sflag:s22], s20  }
0x9f: {  	s3 =	ssub.s32 $0x0, s20;
	[sflag:s22] =	ssyncset.done $0x0  }
0xa0: {  	[sflag:s22] =	ssyncadd.s32 s3;
	_ =	sdelay $0x1  }
0xa1: {  	s23 =	simm.s32 $0x1B8B  }
0xa2: {  	_ =	swait.ge [sflag:s23], $0x1  }
0xa3: {  	[sflag:s23] =	ssyncset.done $0x0  }
0xa4: {  	s25 =	simm.s32 $0x1B8E;
	s24 =	sld [smem:$0x3FFE];
	[sflag:s23] =	ssyncadd.s32 $0xFFFFFFFF  }
0xa5: {  	s26 =	simm.s32 $execute0_lowered;
	[smem:$0x3FD2] =	sst s25  }
0xa6: {  	s4 =	sshll.u32 s26, $0x1;
	_ =	strace $0x8000004F;
	[dreg:$0x1] =	wrdreg $0xFFFFFFFF  }
0xa7: {  	s28 =	simm.s32 $_size_execute0_lowered;
	s2 =	sadd.s32 s2, s4;
	[dreg:$0x0] =	wrdreg $0x0  }
0xa8: {  	s4 =	sshll.u32 s28, $0x1;
	[dreg:$0x2] =	wrdreg s2  }
0xa9: {  	[dreg:$0x3] =	wrdreg s4  }
0xaa: {  	[dreg:$0x4] =	wrdreg $0xC0  }
0xab: {  	_ =	task [dreg:s6], $0x5FFFF  }
0xac: {  	[dreg:$0x1] =	wrdreg $0xFFFFFFFF  }
0xad: {  	[dreg:$0x0] =	wrdreg $0x60  }
0xae: {  	[dreg:$0x2] =	wrdreg s24  }
0xaf: {  	[dreg:$0x3] =	wrdreg $0x41800  }
0xb0: {  	[dreg:$0x4] =	wrdreg $0x9  }
0xb1: {  	_ =	task.clear_ibuf [dreg:s6], $0x5FFFF;
	_ =	strace $0x9000004F  }
0xb2: {  	s29 =	simm.s32 $0x9;
	_ =	strace $0x80000051  }
0xb3: {  	_ =	swait.ge [sflag:s29], $0x1  }
0xb4: {  	[sflag:s29] =	ssyncadd.s32 $0xFFFFFFFF  }
0xb5: {  	_ =	strace $0x90000051  }
0xb6: {  	_ =	sfence  }
0xb7: {  	s30 =	sld [smem:$0x0];
	_ =	sdelay $0x2  }
0xb8: {  	s31 =	sshll.u32 s1, $0xD;
	s1 =	sshrl.u32 s1, $0x2  }
0xb9: {  	s3 =	sand.u32 $0x4000, s31;
	s1 =	sadd.s32 s1, s30  }
0xba: {  	s0 =	sor.u32 s3, s0;
	s1 =	sshll.u32 s1, $0x11  }
0xbb: {  	s0 =	sor.u32 s1, s0  }
0xbc: {  	s0 =	sadd.s32 $0x8F2B, s0  }
0xbd: {  	[sflag:s0] =	ssyncadd.remote.s32 $0x1  }
0xbe: {  	_ =	sfence.sel $0xFFFF  }
0xbf: {  	[dreg:$0x0] =	wrdreg $0xFFFFFFFF;
	(pc) =	sbr.abs _section_cstart, $3  }
0xc0: {  	[dreg:$0x1] =	wrdreg $0xFFFFFFFF  }
0xc1: {  	_ =	task.clear_ibuf [dreg:s6], $0x2FFFF;
	_ =	strace $0x9FFFFFFF  }
0xc2: {  	(tm) =	ssettm $0x7FFFFFFF  }
0xc3: {  	_ =	shalt  }
tec
execute0_lowered:
.L_overlay_start_1:
0x0: {  	(tag) =	ssettag $0x1  }
0x1: {  	s6 =	rddreg [dreg:$0x0]  }
0x2: {  	s2 =	rddreg [dreg:$0x1]  }
0x3: {  	s0 =	rddreg [dreg:$0x2];
	s3 =	simm.s32 $0x0;
	s1 =	stileid.u32  }
0x4: {  	s7 =	srdreg.scid;
	s14 =	simm.s32 $0x80;
	s15 =	simm.s32 $0x180  }
0x5: {  	s18 =	simm.s32 $0x0;
	[smem:$0x7FF] =	sst s3;
	s5 =	smul.u32 $0x4F0, s1  }
0x6: {  	s4 =	sadd.s32 $0x1E8C00, s6;
	s7 =	sand.u32 $0x1, s7;
	s8 =	smul.u32 $0x4F000, s1  }
0x7: {  	s9 =	sadd.s32 $0xACC00, s6;
	s10 =	smul.u32 $0x278, s1;
	s29 =	sshll.u32 s1, $0x6  }
0x8: {  	_ =	strace $0x80000050;
	s26 =	ssub.s32 $0x2, s7;
	s16 =	smul.u32 $0x4F00, s7  }
0x9: {  	s11 =	sadd.s32 s5, s6;
	s5 =	sadd.s32 $0xAA400, s6;
	s28 =	sshrl.u32 s26, $0x1  }
0xa: {  	s8 =	sshrl.u32 s8, $0x2;
	s6 =	sor.u32 $0x1C02, s29;
	s12 =	ssub.s32 s26, s28  }
0xb: {  	s13 =	sadd.s32 s8, s2;
	s17 =	sadd.s32 $0x2780, s16;
	s30 =	sadd.s32 s10, s16  }
0xc: {  	v0 =	vmov s16;
	s16 =	simm.s32 $0x1;
	s31 =	sadd.s32 s10, s17;
	s7 =	sshll.u32 s30, $0x4  }
0xd: {  	s10 =	sadd.s32 $0x1E00, s11;
	s11 =	sadd.s32 $0x7400, s11;
	s8 =	sshll.u32 s31, $0x4  }
0xe: {  	v1 =	vmov s17;
	s17 =	simm.s32 $0x100;
	s7 =	sadd.s32 s9, s7;
	s8 =	sadd.s32 s9, s8  }
0xf: {  	s9 =	smax.u32 s12, $0x1;
	s12 =	sshrl.u32 s13, $0x3;
	s13 =	simm.s32 $0x2  }
.LBB2_1:
0x10: {  	[spmem:s12], [sflag:s6] =	dma.local [hbm:s5], $0x2780  }
0x11: {  	_ =	swait.ge [sflag:s13], $0x2780  }
0x12: {  	[sflag:s13] =	ssyncset.done $0x0  }
0x13: {  	[sflag:s13] =	ssyncadd.s32 $0xFFFFD880  }
0x14: {  	s19 =	sadd.s32 $0x0, s11;
	[bflag:$0x0] =	sbarrier.arrive $0xFFFF  }
0x15: {  	[tilespmem:s3], [sflag:$0x2] =	stream.linear.gather [hbm4b:s19+s3], $0x80, $0x38;
	[tilespmem:$0x17D80] =	vst v63  }
0x16: {  	_ =	swait.ge [sflag:s13], $0x80  }
0x17: {  	[sflag:s13] =	ssyncset.done $0x0  }
0x18: {  	[sflag:s13] =	ssyncadd.s32 $0xFFFFFF80  }
0x19: {  	v2 =	vld [tilespmem:$0x70]  }
0x1a: {  	v3 =	vld [tilespmem:$0x30]  }
0x1b: {  	v6 =	vld [tilespmem:$0x20]  }
0x1c: {  	v4 =	vld [tilespmem:$0x50]  }
0x1d: {  	v5 =	vld [tilespmem:$0x60]  }
0x1e: {  	v7 =	vld [tilespmem:$0x10];
	v2 =	vadd.s32 v0, v2  }
0x1f: {  	v8 =	vld [tilespmem:$0x40];
	v3 =	vadd.s32 v0, v3;
	[tilespmem:$0xF0] =	vst v2  }
0x20: {  	v63 =	vadd.s32 v0, v6;
	v2 =	vld [tilespmem:$0x0];
	[tilespmem:$0xB0] =	vst v3  }
0x21: {  	v3 =	vadd.s32 v0, v4;
	[tilespmem:$0xA0] =	vst v63  }
0x22: {  	[tilespmem:$0xD0] =	vst v3;
	v3 =	vadd.s32 v0, v5  }
0x23: {  	[tilespmem:$0xE0] =	vst v3;
	v3 =	vadd.s32 v0, v7  }
0x24: {  	[tilespmem:$0x90] =	vst v3;
	v3 =	vadd.s32 v0, v8  }
0x25: {  	[tilespmem:$0xC0] =	vst v3;
	v2 =	vadd.s32 v0, v2  }
0x26: {  	[tilespmem:$0x80] =	vst v2  }
0x27: {  	[tilespmem:s15], [sflag:$0x1] =	stream.indirect.gather [hbm4b:s4+s14], $0x80, s14, s14, $0xb8;
	[tilespmem:$0x17D80] =	vst v63  }
0x28: {  	_ =	swait.ge [sflag:s16], $0x4000  }
0x29: {  	[sflag:s16] =	ssyncset.done $0x0  }
0x2a: {  	s20 =	sadd.s32 $0x0, s10;
	s19 =	simm.s32 $0x10;
	[sflag:s16] =	ssyncadd.s32 $0xFFFFC000  }
.LBB2_2:
0x2b: {  	[tilespmem:s17], [sflag:$0x2] =	stream.linear.gather [hbm4b:s20+s3], $0x80, $0x38;
	[tilespmem:$0x17D80] =	vst v63  }
0x2c: {  	s20 =	smov.u32 s19  }
0x2d: {  	p0 =	sne.s32 s19, $0x4E0;
	s19 =	sadd.s32 $0x10, s19;
	_ =	swait.ge [sflag:s13], $0x80  }
0x2e: {  	[sflag:s13] =	ssyncset.done $0x0  }
0x2f: {  	[sflag:s13] =	ssyncadd.s32 $0xFFFFFF80  }
0x30: {  	[spmem:s2] =	stream.indirect.scatter.add.f32 [tilespmem:s15], [sflag:$0x2], $0x80, s17, s14, $0xb8;
	[tilespmem:$0x17D80] =	vst v63  }
0x31: {  	_ =	swait.ge [sflag:s13], $0x4000  }
0x32: {  	[sflag:s13] =	ssyncset.done $0x0  }
0x33: {  	s21 =	sadd.s32 s20, s11;
	[sflag:s13] =	ssyncadd.s32 $0xFFFFC000  }
0x34: {  	[tilespmem:s3], [sflag:$0x2] =	stream.linear.gather [hbm4b:s21+s3], $0x80, $0x38;
	[tilespmem:$0x17D80] =	vst v63  }
0x35: {  	_ =	swait.ge [sflag:s13], $0x80  }
0x36: {  	[sflag:s13] =	ssyncset.done $0x0  }
0x37: {  	[sflag:s13] =	ssyncadd.s32 $0xFFFFFF80  }
0x38: {  	v2 =	vld [tilespmem:$0x70]  }
0x39: {  	v3 =	vld [tilespmem:$0x30]  }
0x3a: {  	v4 =	vld [tilespmem:$0x50]  }
0x3b: {  	v5 =	vld [tilespmem:$0x60]  }
0x3c: {  	v6 =	vld [tilespmem:$0x20]  }
0x3d: {  	v7 =	vld [tilespmem:$0x10];
	v2 =	vadd.s32 v0, v2  }
0x3e: {  	v3 =	vadd.s32 v0, v3;
	v8 =	vld [tilespmem:$0x40];
	[tilespmem:$0xF0] =	vst v2  }
0x3f: {  	v2 =	vld [tilespmem:$0x0];
	[tilespmem:$0xB0] =	vst v3;
	v3 =	vadd.s32 v0, v4  }
0x40: {  	[tilespmem:$0xD0] =	vst v3;
	v3 =	vadd.s32 v0, v5  }
0x41: {  	v4 =	vadd.s32 v0, v6;
	[tilespmem:$0xE0] =	vst v3  }
0x42: {  	v3 =	vadd.s32 v0, v7;
	[tilespmem:$0xA0] =	vst v4  }
0x43: {  	[tilespmem:$0x90] =	vst v3;
	v3 =	vadd.s32 v0, v8  }
0x44: {  	v2 =	vadd.s32 v0, v2;
	[tilespmem:$0xC0] =	vst v3  }
.Ltmp0:
0x45: {  	[tilespmem:$0x80] =	vst v2;
	(pc) =	sbr.rel @p0 .LBB2_2-.Ltmp0, $4  }
0x46: {  	[tilespmem:s15], [sflag:$0x1] =	stream.indirect.gather [hbm4b:s4+s14], $0x80, s14, s14, $0xb8;
	[tilespmem:$0x17D80] =	vst v63  }
0x47: {  	_ =	swait.ge [sflag:s16], $0x4000  }
0x48: {  	[sflag:s16] =	ssyncset.done $0x0  }
0x49: {  	s20 =	sadd.s32 s20, s10;
	[sflag:s16] =	ssyncadd.s32 $0xFFFFC000  }
0x4a: {  	[tilespmem:s17], [sflag:$0x2] =	stream.linear.gather [hbm4b:s20+s3], $0x80, $0x38;
	[tilespmem:$0x17D80] =	vst v63  }
0x4b: {  	_ =	swait.ge [sflag:s13], $0x80  }
0x4c: {  	[sflag:s13] =	ssyncset.done $0x0  }
0x4d: {  	[sflag:s13] =	ssyncadd.s32 $0xFFFFFF80  }
0x4e: {  	[spmem:s2] =	stream.indirect.scatter.add.f32 [tilespmem:s15], [sflag:$0x2], $0x80, s17, s14, $0xb8;
	[tilespmem:$0x17D80] =	vst v63  }
0x4f: {  	_ =	swait.ge [sflag:s13], $0x4000  }
0x50: {  	[sflag:s13] =	ssyncset.done $0x0  }
0x51: {  	[sflag:s13] =	ssyncadd.s32 $0xFFFFC000  }
0x52: {  	[bflag:$0x0] =	sbarrier.arrive $0xFFFF  }
0x53: {  	[hbm:s7], [sflag:s6] =	dma.local [spmem:s12], $0x2780  }
0x54: {  	_ =	swait.ge [sflag:s13], $0x2780  }
0x55: {  	[sflag:s13] =	ssyncset.done $0x0  }
0x56: {  	[sflag:s13] =	ssyncadd.s32 $0xFFFFD880  }
0x57: {  	[bflag:$0x0] =	sbarrier.arrive $0xFFFF  }
0x58: {  	[spmem:s12], [sflag:s6] =	dma.local [hbm:s5], $0x2780  }
0x59: {  	_ =	swait.ge [sflag:s13], $0x2780  }
0x5a: {  	[sflag:s13] =	ssyncset.done $0x0  }
0x5b: {  	[sflag:s13] =	ssyncadd.s32 $0xFFFFD880  }
0x5c: {  	s19 =	sadd.s32 $0x0, s11;
	[bflag:$0x0] =	sbarrier.arrive $0xFFFF  }
0x5d: {  	[tilespmem:s3], [sflag:$0x2] =	stream.linear.gather [hbm4b:s19+s3], $0x80, $0x38;
	[tilespmem:$0x17D80] =	vst v63  }
0x5e: {  	_ =	swait.ge [sflag:s13], $0x80  }
0x5f: {  	[sflag:s13] =	ssyncset.done $0x0  }
0x60: {  	[sflag:s13] =	ssyncadd.s32 $0xFFFFFF80  }
0x61: {  	v2 =	vld [tilespmem:$0x70]  }
0x62: {  	v3 =	vld [tilespmem:$0x30]  }
0x63: {  	v6 =	vld [tilespmem:$0x20]  }
0x64: {  	v4 =	vld [tilespmem:$0x50]  }
0x65: {  	v5 =	vld [tilespmem:$0x60]  }
0x66: {  	v7 =	vld [tilespmem:$0x10];
	v2 =	vadd.s32 v1, v2  }
0x67: {  	v8 =	vld [tilespmem:$0x40];
	v3 =	vadd.s32 v1, v3;
	[tilespmem:$0xF0] =	vst v2  }
0x68: {  	v63 =	vadd.s32 v1, v6;
	v2 =	vld [tilespmem:$0x0];
	[tilespmem:$0xB0] =	vst v3  }
0x69: {  	v3 =	vadd.s32 v1, v4;
	[tilespmem:$0xA0] =	vst v63  }
0x6a: {  	[tilespmem:$0xD0] =	vst v3;
	v3 =	vadd.s32 v1, v5  }
0x6b: {  	[tilespmem:$0xE0] =	vst v3;
	v3 =	vadd.s32 v1, v7  }
0x6c: {  	[tilespmem:$0x90] =	vst v3;
	v3 =	vadd.s32 v1, v8  }
0x6d: {  	[tilespmem:$0xC0] =	vst v3;
	v2 =	vadd.s32 v1, v2  }
0x6e: {  	[tilespmem:$0x80] =	vst v2  }
0x6f: {  	[tilespmem:s15], [sflag:$0x1] =	stream.indirect.gather [hbm4b:s4+s14], $0x80, s14, s14, $0xb8;
	[tilespmem:$0x17D80] =	vst v63  }
0x70: {  	_ =	swait.ge [sflag:s16], $0x4000  }
0x71: {  	[sflag:s16] =	ssyncset.done $0x0  }
0x72: {  	s20 =	sadd.s32 $0x0, s10;
	s19 =	simm.s32 $0x10;
	[sflag:s16] =	ssyncadd.s32 $0xFFFFC000  }
.LBB2_4:
0x73: {  	[tilespmem:s17], [sflag:$0x2] =	stream.linear.gather [hbm4b:s20+s3], $0x80, $0x38;
	[tilespmem:$0x17D80] =	vst v63  }
0x74: {  	s20 =	smov.u32 s19  }
0x75: {  	p0 =	sne.s32 s19, $0x4E0;
	s19 =	sadd.s32 $0x10, s19;
	_ =	swait.ge [sflag:s13], $0x80  }
0x76: {  	[sflag:s13] =	ssyncset.done $0x0  }
0x77: {  	[sflag:s13] =	ssyncadd.s32 $0xFFFFFF80  }
0x78: {  	[spmem:s2] =	stream.indirect.scatter.add.f32 [tilespmem:s15], [sflag:$0x2], $0x80, s17, s14, $0xb8;
	[tilespmem:$0x17D80] =	vst v63  }
0x79: {  	_ =	swait.ge [sflag:s13], $0x4000  }
0x7a: {  	[sflag:s13] =	ssyncset.done $0x0  }
0x7b: {  	s21 =	sadd.s32 s20, s11;
	[sflag:s13] =	ssyncadd.s32 $0xFFFFC000  }
0x7c: {  	[tilespmem:s3], [sflag:$0x2] =	stream.linear.gather [hbm4b:s21+s3], $0x80, $0x38;
	[tilespmem:$0x17D80] =	vst v63  }
0x7d: {  	_ =	swait.ge [sflag:s13], $0x80  }
0x7e: {  	[sflag:s13] =	ssyncset.done $0x0  }
0x7f: {  	[sflag:s13] =	ssyncadd.s32 $0xFFFFFF80  }
0x80: {  	v2 =	vld [tilespmem:$0x70]  }
0x81: {  	v3 =	vld [tilespmem:$0x30]  }
0x82: {  	v4 =	vld [tilespmem:$0x50]  }
0x83: {  	v5 =	vld [tilespmem:$0x60]  }
0x84: {  	v6 =	vld [tilespmem:$0x20]  }
0x85: {  	v7 =	vld [tilespmem:$0x10];
	v2 =	vadd.s32 v1, v2  }
0x86: {  	v3 =	vadd.s32 v1, v3;
	v8 =	vld [tilespmem:$0x40];
	[tilespmem:$0xF0] =	vst v2  }
0x87: {  	v2 =	vld [tilespmem:$0x0];
	[tilespmem:$0xB0] =	vst v3;
	v3 =	vadd.s32 v1, v4  }
0x88: {  	[tilespmem:$0xD0] =	vst v3;
	v3 =	vadd.s32 v1, v5  }
0x89: {  	v4 =	vadd.s32 v1, v6;
	[tilespmem:$0xE0] =	vst v3  }
0x8a: {  	v3 =	vadd.s32 v1, v7;
	[tilespmem:$0xA0] =	vst v4  }
0x8b: {  	[tilespmem:$0x90] =	vst v3;
	v3 =	vadd.s32 v1, v8  }
0x8c: {  	v2 =	vadd.s32 v1, v2;
	[tilespmem:$0xC0] =	vst v3  }
.Ltmp1:
0x8d: {  	[tilespmem:$0x80] =	vst v2;
	(pc) =	sbr.rel @p0 .LBB2_4-.Ltmp1, $4  }
0x8e: {  	[tilespmem:s15], [sflag:$0x1] =	stream.indirect.gather [hbm4b:s4+s14], $0x80, s14, s14, $0xb8;
	[tilespmem:$0x17D80] =	vst v63  }
0x8f: {  	_ =	swait.ge [sflag:s16], $0x4000  }
0x90: {  	[sflag:s16] =	ssyncset.done $0x0  }
0x91: {  	s20 =	sadd.s32 s20, s10;
	[sflag:s16] =	ssyncadd.s32 $0xFFFFC000  }
0x92: {  	[tilespmem:s17], [sflag:$0x2] =	stream.linear.gather [hbm4b:s20+s3], $0x80, $0x38;
	[tilespmem:$0x17D80] =	vst v63  }
0x93: {  	_ =	swait.ge [sflag:s13], $0x80  }
0x94: {  	[sflag:s13] =	ssyncset.done $0x0  }
0x95: {  	[sflag:s13] =	ssyncadd.s32 $0xFFFFFF80  }
0x96: {  	[spmem:s2] =	stream.indirect.scatter.add.f32 [tilespmem:s15], [sflag:$0x2], $0x80, s17, s14, $0xb8;
	[tilespmem:$0x17D80] =	vst v63  }
0x97: {  	_ =	swait.ge [sflag:s13], $0x4000  }
0x98: {  	[sflag:s13] =	ssyncset.done $0x0  }
0x99: {  	s18 =	sadd.s32 $0x1, s18;
	[sflag:s13] =	ssyncadd.s32 $0xFFFFC000  }
0x9a: {  	p0 =	sne.s32 s18, s9;
	[bflag:$0x0] =	sbarrier.arrive $0xFFFF  }
0x9b: {  	[hbm:s8], [sflag:s6] =	dma.local [spmem:s12], $0x2780  }
.Ltmp2:
0x9c: {  	_ =	swait.ge [sflag:s13], $0x2780;
	(pc) =	sbr.rel @p0 .LBB2_1-.Ltmp2, $3  }
0x9d: {  	[sflag:s13] =	ssyncset.done $0x0  }
0x9e: {  	[sflag:s13] =	ssyncadd.s32 $0xFFFFD880  }
0x9f: {  	[bflag:$0x0] =	sbarrier.arrive $0xFFFF;
	_ =	sdelay $0x1  }
0xa0: {  	_ =	sfence.sel $0x180000  }
0xa1: {  	[bflag:$0x0] =	sbarrier.arrive $0xFFFF  }
0xa2: {  	p0 =	sne.s32 s1, $0x0;
	_ =	strace $0x90000050  }
0xa3: {  	s0 =	sadd.s32 @!p0 $0x100000, s0;
	[bflag:$0x2] =	sbarrier.arrive $0xFFFF  }
0xa4: {  	[sflag:s0] =	ssyncadd.tile.s32 @!p0 $0x1;
	_ =	shalt  }
.Lfunc_end2:
_tile_overlayer_lowered:
.L_overlay_start_2:
0xa5: {  	(tag) =	ssettag $0x2  }
0xa6: {  	s0 =	rddreg [dreg:$0x0];
	s2 =	stileid.u32  }
0xa7: {  	s1 =	rddreg [dreg:$0x1];
	p0 =	sne.s32 s2, $0x0  }
0xa8: {  	s3 =	rddreg [dreg:$0x2];
	[bflag:$0x3] =	sbarrier.arrive $0xFFFF;
	s2 =	simm.s32 @!p0 $0x1C02  }
0xa9: {  	[timem:s3], [sflag:s2] =	dma.local @!p0 [hbm:s0], s1  }
0xaa: {  	s0 =	simm.s32 @!p0 $0x2  }
0xab: {  	_ =	swait.ge @!p0 [sflag:s0], s1  }
0xac: {  	s1 =	ssub.s32 @!p0 $0x0, s1;
	[sflag:s0] =	ssyncset.done @!p0 $0x0  }
0xad: {  	[sflag:s0] =	ssyncadd.s32 @!p0 s1  }
0xae: {  	[bflag:$0x3] =	sbarrier.arrive $0xFFFF  }
0xaf: {  	_ =	shalt  }

</sc_bundles>
